<compile_context>
chip_gen: v7x
topology: tpu7x:2x2x1
jax: 0.10.2.dev20260603
libtpu: 0.0.44.dev20260713+nightly
codegen_flags: <defaults>
</compile_context>

<pallas_src>
import functools

import jax
import jax.numpy as jnp
from jax import lax
from jax.experimental import pallas as pl
from jax.experimental.pallas import tpu as pltpu
from jax.experimental.pallas import tpu_sc as plsc

N = 10000
E = 320000
D = 128
G = 64
EPS = 1e-5

GROUP = 128
NGROUPS = E // GROUP
NSUB = 16
NCORE = 2
NW = NSUB * NCORE
GPW = 80
NGROUPS_PAD = GPW * NW
PAIRS = GPW // 2
N_PAD = 10240
RPS = N_PAD // NSUB
DUMP_ROW = N_PAD - 1

BN_ROWS = 1000
NBLK = N // BN_ROWS



CHUNK_P = 8
CHUNK_G = 2 * CHUNK_P
NCHUNKS = PAIRS // CHUNK_P


def _sc_scatter_body(h_hbm, src_hbm, dst_hbm, z_hbm, out_hbm, src_ix,
                     dst_ix, rows_v, accum, sem0, sem1, semi):
    c = lax.axis_index("c")
    s = lax.axis_index("s")
    w = s * NCORE + c
    g0 = GPW * w

    pltpu.sync_copy(z_hbm, accum.at[pl.ds(s * RPS, RPS)])
    plsc.subcore_barrier()

    pltpu.sync_copy(src_hbm.at[pl.ds(g0, CHUNK_G)], src_ix.at[0])
    pltpu.sync_copy(dst_hbm.at[pl.ds(g0, CHUNK_G)], dst_ix.at[0])

    for cc in range(NCHUNKS):
        cb = cc & 1
        if cc + 1 < NCHUNKS:
            nxt = g0 + (cc + 1) * CHUNK_G
            pltpu.async_copy(src_hbm.at[pl.ds(nxt, CHUNK_G)],
                             src_ix.at[cb ^ 1], semi)
            pltpu.async_copy(dst_hbm.at[pl.ds(nxt, CHUNK_G)],
                             dst_ix.at[cb ^ 1], semi)

        pltpu.async_copy(h_hbm.at[src_ix.at[cb, 0]], rows_v.at[0], sem0)

        def body(j, carry):
            k0 = 2 * j
            cp1 = pltpu.async_copy(h_hbm.at[src_ix.at[cb, k0 + 1]],
                                   rows_v.at[1], sem1)
            pltpu.make_async_copy(h_hbm.at[pl.ds(0, GROUP)], rows_v.at[0],
                                  sem0).wait()
            pltpu.sync_copy(rows_v.at[0], accum.at[dst_ix.at[cb, k0]],
                            add=True)

            @pl.when(j + 1 < CHUNK_P)
            def _():
                pltpu.async_copy(h_hbm.at[src_ix.at[cb, k0 + 2]],
                                 rows_v.at[0], sem0)

            cp1.wait()
            pltpu.sync_copy(rows_v.at[1], accum.at[dst_ix.at[cb, k0 + 1]],
                            add=True)
            return carry

        lax.fori_loop(0, CHUNK_P, body, 0)

        if cc + 1 < NCHUNKS:
            pltpu.make_async_copy(src_hbm.at[pl.ds(0, CHUNK_G)],
                                  src_ix.at[cb ^ 1], semi).wait()
            pltpu.make_async_copy(dst_hbm.at[pl.ds(0, CHUNK_G)],
                                  dst_ix.at[cb ^ 1], semi).wait()

    plsc.subcore_barrier()

    pltpu.sync_copy(accum.at[pl.ds(s * RPS, RPS)],
                    out_hbm.at[c, pl.ds(s * RPS, RPS)])


@jax.jit
def _sc_scatter(h, ei_pad, zrows):
    src3 = ei_pad[0].reshape(NGROUPS_PAD, GROUP)
    dst3 = ei_pad[1].reshape(NGROUPS_PAD, GROUP)
    mesh = plsc.VectorSubcoreMesh(core_axis_name="c", subcore_axis_name="s")
    f = pl.kernel(
        _sc_scatter_body,
        out_type=jax.ShapeDtypeStruct((NCORE, N_PAD, D), jnp.float32),
        mesh=mesh,
        scratch_types=[
            pltpu.VMEM((2, CHUNK_G, GROUP), jnp.int32),
            pltpu.VMEM((2, CHUNK_G, GROUP), jnp.int32),
            pltpu.VMEM((2, GROUP, D), jnp.float32),
            pltpu.VMEM_SHARED((N_PAD, D), jnp.float32),
            pltpu.SemaphoreType.DMA,
            pltpu.SemaphoreType.DMA,
            pltpu.SemaphoreType.DMA,
        ],
    )
    return f(h, src3, dst3, zrows)



def _leaky(t):
    return jnp.where(t >= 0, t, 0.2 * t)


def _stage_a_body(x_ref, a_ref, w1_ref, b1_ref, t_ref, st_ref):
    u = x_ref[...] + a_ref[0] + a_ref[1]
    t = _leaky(jnp.dot(u, w1_ref[...], preferred_element_type=jnp.float32)
               + b1_ref[...])
    t_ref[...] = t

    @pl.when(pl.program_id(0) == 0)
    def _():
        st_ref[...] = jnp.zeros_like(st_ref)

    s1 = jnp.sum(t, axis=0, keepdims=True)
    s2 = jnp.sum(t * t, axis=0, keepdims=True)
    st_ref[...] += jnp.concatenate(
        [s1, s2, jnp.zeros((6, D), jnp.float32)], axis=0)


def _stage_a(h, aggr, w1, b1):
    return pl.pallas_call(
        _stage_a_body,
        grid=(NBLK,),
        in_specs=[
            pl.BlockSpec((BN_ROWS, D), lambda i: (i, 0)),
            pl.BlockSpec((NCORE, BN_ROWS, D), lambda i: (0, i, 0)),
            pl.BlockSpec((D, D), lambda i: (0, 0)),
            pl.BlockSpec((1, D), lambda i: (0, 0)),
        ],
        out_specs=[
            pl.BlockSpec((BN_ROWS, D), lambda i: (i, 0)),
            pl.BlockSpec((8, D), lambda i: (0, 0)),
        ],
        out_shape=[
            jax.ShapeDtypeStruct((N, D), jnp.float32),
            jax.ShapeDtypeStruct((8, D), jnp.float32),
        ],
    )(h, aggr, w1, b1)


def _stage_b_body(t_ref, st_ref, g_ref, b_ref, w2_ref, b2_ref, h_ref):
    mu = st_ref[0:1, :] * (1.0 / N)
    var = st_ref[1:2, :] * (1.0 / N) - mu * mu
    y = (t_ref[...] - mu) / jnp.sqrt(var + EPS) * g_ref[...] + b_ref[...]
    z = jnp.dot(y, w2_ref[...], preferred_element_type=jnp.float32) + b2_ref[...]
    h_ref[...] = _leaky(z)


def _stage_b(t, st, g, b, w2, b2):
    return pl.pallas_call(
        _stage_b_body,
        grid=(NBLK,),
        in_specs=[
            pl.BlockSpec((BN_ROWS, D), lambda i: (i, 0)),
            pl.BlockSpec((8, D), lambda i: (0, 0)),
            pl.BlockSpec((1, D), lambda i: (0, 0)),
            pl.BlockSpec((1, D), lambda i: (0, 0)),
            pl.BlockSpec((D, D), lambda i: (0, 0)),
            pl.BlockSpec((1, D), lambda i: (0, 0)),
        ],
        out_specs=pl.BlockSpec((BN_ROWS, D), lambda i: (i, 0)),
        out_shape=jax.ShapeDtypeStruct((N, D), jnp.float32),
    )(t, st, g, b, w2, b2)


def _stage_b3_body(t_ref, st_ref, g_ref, b_ref, w2_ref, b2_ref, batch_ref,
                   pooled_ref):
    mu = st_ref[0:1, :] * (1.0 / N)
    var = st_ref[1:2, :] * (1.0 / N) - mu * mu
    y = (t_ref[...] - mu) / jnp.sqrt(var + EPS) * g_ref[...] + b_ref[...]
    z = jnp.dot(y, w2_ref[...], preferred_element_type=jnp.float32) + b2_ref[...]
    h = _leaky(z)

    bt = batch_ref[0, 0, :]
    oh = (bt[None, :] == lax.broadcasted_iota(jnp.int32, (G, BN_ROWS), 0)
          ).astype(jnp.float32)

    @pl.when(pl.program_id(0) == 0)
    def _():
        pooled_ref[...] = jnp.zeros_like(pooled_ref)

    pooled_ref[...] += jnp.dot(oh, h, preferred_element_type=jnp.float32)


def _stage_b3(t, st, g, b, w2, b2, batch3):
    return pl.pallas_call(
        _stage_b3_body,
        grid=(NBLK,),
        in_specs=[
            pl.BlockSpec((BN_ROWS, D), lambda i: (i, 0)),
            pl.BlockSpec((8, D), lambda i: (0, 0)),
            pl.BlockSpec((1, D), lambda i: (0, 0)),
            pl.BlockSpec((1, D), lambda i: (0, 0)),
            pl.BlockSpec((D, D), lambda i: (0, 0)),
            pl.BlockSpec((1, D), lambda i: (0, 0)),
            pl.BlockSpec((1, 1, BN_ROWS), lambda i: (i, 0, 0)),
        ],
        out_specs=pl.BlockSpec((G, D), lambda i: (0, 0)),
        out_shape=jax.ShapeDtypeStruct((G, D), jnp.float32),
    )(t, st, g, b, w2, b2, batch3)


def _final_body(condp_ref, cw1_ref, cb1_ref, cg_ref, cb_ref, cw2_ref, cb2_ref,
                pooled_ref, gc_ref, bc_ref, gp_ref, bp_ref, fwc_ref, fwp_ref,
                fb_ref, out_ref):
    c = jnp.dot(condp_ref[...], cw1_ref[...],
                preferred_element_type=jnp.float32) + cb1_ref[...]
    mu = jnp.mean(c, axis=0, keepdims=True)
    var = jnp.mean((c - mu) ** 2, axis=0, keepdims=True)
    c = (c - mu) / jnp.sqrt(var + EPS) * cg_ref[...] + cb_ref[...]
    c = jnp.maximum(c, 0.0)
    c = jnp.dot(c, cw2_ref[...], preferred_element_type=jnp.float32) + cb2_ref[...]
    c = jnp.maximum(c, 0.0)

    muc = jnp.mean(c, axis=0, keepdims=True)
    varc = jnp.mean((c - muc) ** 2, axis=0, keepdims=True)
    cn = (c - muc) / jnp.sqrt(varc + EPS) * gc_ref[...] + bc_ref[...]

    p = pooled_ref[...]
    mup = jnp.mean(p, axis=0, keepdims=True)
    varp = jnp.mean((p - mup) ** 2, axis=0, keepdims=True)
    pn = (p - mup) / jnp.sqrt(varp + EPS) * gp_ref[...] + bp_ref[...]

    out_ref[...] = (jnp.dot(cn, fwc_ref[...], preferred_element_type=jnp.float32)
                    + jnp.dot(pn, fwp_ref[...], preferred_element_type=jnp.float32)
                    + fb_ref[...])


def _final(condp, cw1, cb1, cg, cb, cw2, cb2, pooled, gc, bc, gp, bp, fwc,
           fwp, fb):
    return pl.pallas_call(
        _final_body,
        out_shape=jax.ShapeDtypeStruct((G, 64), jnp.float32),
    )(condp, cw1, cb1, cg, cb, cw2, cb2, pooled, gc, bc, gp, bp, fwc, fwp, fb)



def kernel(x, edge_index, batch, cond, params):
    zrows = jnp.zeros((RPS, D), jnp.float32)
    batch3 = batch.reshape(NBLK, 1, BN_ROWS)

    npad = (NGROUPS_PAD - NGROUPS) * GROUP
    pad = jnp.stack([jnp.zeros((npad,), jnp.int32),
                     jnp.full((npad,), DUMP_ROW, jnp.int32)])
    ei_pad = jnp.concatenate([edge_index, pad], axis=1)

    h = x
    for i, p in enumerate(params['convs']):
        aggr = _sc_scatter(h, ei_pad, zrows)
        t, st = _stage_a(h, aggr, p['W1'], p['b1'].reshape(1, D))
        if i < 2:
            h = _stage_b(t, st, p['bn_g'].reshape(1, D),
                         p['bn_b'].reshape(1, D), p['W2'],
                         p['b2'].reshape(1, D))
        else:
            pooled = _stage_b3(t, st, p['bn_g'].reshape(1, D),
                               p['bn_b'].reshape(1, D), p['W2'],
                               p['b2'].reshape(1, D), batch3)

    CD, CH = 7, 5
    condp = jnp.zeros((G, D), jnp.float32).at[:, :CD].set(cond)
    cw1 = jnp.zeros((D, D), jnp.float32).at[:CD, :CH].set(params['cond_W1'])
    cb1 = jnp.zeros((1, D), jnp.float32).at[0, :CH].set(params['cond_b1'])
    cg = jnp.zeros((1, D), jnp.float32).at[0, :CH].set(params['cond_bn_g'])
    cb = jnp.zeros((1, D), jnp.float32).at[0, :CH].set(params['cond_bn_b'])
    cw2 = jnp.zeros((D, D), jnp.float32).at[:CH, :CH].set(params['cond_W2'])
    cb2 = jnp.zeros((1, D), jnp.float32).at[0, :CH].set(params['cond_b2'])
    gc = jnp.zeros((1, D), jnp.float32).at[0, :CH].set(params['bn_g'][:CH])
    bc = jnp.zeros((1, D), jnp.float32).at[0, :CH].set(params['bn_b'][:CH])
    gp = params['bn_g'][CH:].reshape(1, D)
    bp = params['bn_b'][CH:].reshape(1, D)
    fwc = jnp.zeros((D, 64), jnp.float32).at[:CH, :].set(params['fc_W'][:CH])
    fwp = params['fc_W'][CH:]
    fb = params['fc_b'].reshape(1, 64)

    return _final(condp, cw1, cb1, cg, cb, cw2, cb2, pooled, gc, bc, gp, bp,
                  fwc, fwp, fb)

# --- scband reference (transcript-rebuilt; emitter-appended) ---
"""Pipeline reference for scband-cond-gin-81140522156092 (READ-ONLY COPY).

The authoritative reference and input builder live on the scoring server;
editing this copy changes nothing except your own understanding.
"""

import jax, jax.numpy as jnp
import numpy as np

N = 10000
E = 320000
D = 128
H = 128
G = 64
LAT = 64
CD = 7
CH = 5


def _init(key, shape, fan_in):
    return jax.random.normal(key, shape, dtype=jnp.float32) * (1.0 / np.sqrt(fan_in))


def setup_inputs(seed: int = 0) -> dict:
    key = jax.random.key(seed)
    ks = iter(jax.random.split(key, 64))
    x = jax.random.normal(next(ks), (N, D), dtype=jnp.float32)
    edge_index = jax.random.randint(next(ks), (2, E), 0, N, dtype=jnp.int32)
    batch = jnp.sort(jax.random.randint(next(ks), (N,), 0, G, dtype=jnp.int32))
    cond = jax.random.normal(next(ks), (G, CD), dtype=jnp.float32)
    convs = []
    for i in range(3):
        d_in = D if i == 0 else H
        convs.append({
            'W1': _init(next(ks), (d_in, H), d_in),
            'b1': jnp.zeros((H,), dtype=jnp.float32),
            'bn_g': jnp.ones((H,), dtype=jnp.float32),
            'bn_b': jnp.zeros((H,), dtype=jnp.float32),
            'W2': _init(next(ks), (H, H), H),
            'b2': jnp.zeros((H,), dtype=jnp.float32),
        })
    params = {
        'cond_W1': _init(next(ks), (CD, CH), CD),
        'cond_b1': jnp.zeros((CH,), dtype=jnp.float32),
        'cond_bn_g': jnp.ones((CH,), dtype=jnp.float32),
        'cond_bn_b': jnp.zeros((CH,), dtype=jnp.float32),
        'cond_W2': _init(next(ks), (CH, CH), CH),
        'cond_b2': jnp.zeros((CH,), dtype=jnp.float32),
        'convs': convs,
        'bn_g': jnp.ones((H + CH,), dtype=jnp.float32),
        'bn_b': jnp.zeros((H + CH,), dtype=jnp.float32),
        'fc_W': _init(next(ks), (H + CH, LAT), H + CH),
        'fc_b': jnp.zeros((LAT,), dtype=jnp.float32),
    }
    return {'x': x, 'edge_index': edge_index, 'batch': batch, 'cond': cond, 'params': params}


def _bn(h, g, b, eps=1e-5):
    mu = h.mean(axis=0)
    var = jnp.var(h, axis=0)
    return (h - mu) / jnp.sqrt(var + eps) * g + b


def _leaky(h):
    return jnp.where(h >= 0, h, 0.2 * h)


def _gin_mlp(h, p):
    h = h @ p['W1'] + p['b1']
    h = _leaky(h)
    h = _bn(h, p['bn_g'], p['bn_b'])
    h = h @ p['W2'] + p['b2']
    return _leaky(h)


def _forward(x, cond, params, edge_index, batch):
    c = cond @ params['cond_W1'] + params['cond_b1']
    c = _bn(c, params['cond_bn_g'], params['cond_bn_b'])
    c = jax.nn.relu(c)
    c = c @ params['cond_W2'] + params['cond_b2']
    c = jax.nn.relu(c)
    src = edge_index[0]
    dst = edge_index[1]
    h = x
    for p in params['convs']:
        # GINConv (eps=0): aggregate sum of neighbor messages via scatter-add, then (1+eps)*x + aggr through MLP
        aggr = jnp.zeros_like(h).at[dst].add(h[src])
        h = _gin_mlp(h + aggr, p)
        # dropout is identity in eval mode
    pooled = jax.ops.segment_sum(h, batch, num_segments=G)
    out = jnp.concatenate([c, pooled], axis=1)
    out = _bn(out, params['bn_g'], params['bn_b'])
    out = out @ params['fc_W'] + params['fc_b']
    return out


def reference(x, edge_index, batch, cond, params):
    return _forward(x, cond, params, edge_index, batch)

if __name__ == "__main__":
    import jax
    _d = setup_inputs()
    print(jax.jit(kernel)(*tuple(_d.values())))

</pallas_src>

<mosaic_0001>
#map = affine_map<(d0, d1) -> (0, 0)>
#map1 = affine_map<(d0, d1) -> (0, 0, 0)>
module attributes {stable_mosaic.version = 14 : i64} {
  func.func @_sc_scatter_body(%arg0: i32, %arg1: i32, %arg2: memref<10000x128xf32, #tpu.memory_space<hbm>>, %arg3: memref<2560x128xi32, #tpu.memory_space<hbm>>, %arg4: memref<2560x128xi32, #tpu.memory_space<hbm>>, %arg5: memref<640x128xf32, #tpu.memory_space<hbm>>, %arg6: memref<2x10240x128xf32, #tpu.memory_space<hbm>>, %arg7: memref<2x16x128xi32, #tpu.memory_space<vmem>>, %arg8: memref<2x16x128xi32, #tpu.memory_space<vmem>>, %arg9: memref<2x128x128xf32, #tpu.memory_space<vmem>>, %arg10: memref<10240x128xf32, #tpu.memory_space<vmem_shared>>, %arg11: memref<!tpu.dma_semaphore, #tpu.memory_space<semaphore_mem>>, %arg12: memref<!tpu.dma_semaphore, #tpu.memory_space<semaphore_mem>>, %arg13: memref<!tpu.dma_semaphore, #tpu.memory_space<semaphore_mem>>) attributes {dimension_semantics = [#tpu.dimension_semantics<core_parallel>, #tpu.dimension_semantics<subcore_parallel>], iteration_bounds = array<i64: 2, 16>, scalar_prefetch = 0 : i64, scratch_operands = 7 : i64, tpu.core_type = #tpu.core_type<sc_vector_subcore>, window_params = [{transform_indices = #map}, {transform_indices = #map}, {transform_indices = #map}, {transform_indices = #map}, {transform_indices = #map1}]} {
    %mul3A = arith.constant 2 : i32
    %mul3A_0 = arith.muli %arg1, %mul3A : i32
    %add3A = arith.addi %mul3A_0, %arg0 : i32
    %mul3A_1 = arith.constant 80 : i32
    %mul3A_2 = arith.muli %mul3A_1, %add3A : i32
    %mul3A_3 = arith.constant 640 : i32
    %mul3A_4 = arith.muli %arg1, %mul3A_3 : i32
    "tpu.region"() ({
      %run_scoped3A_335 = tpu.sem_alloc : memref<!tpu.dma_semaphore, #tpu.memory_space<semaphore_mem>>
      %dma_start3A_336 = arith.constant 0 : i32
      %dma_start3A_337 = tpu.memref_slice %arg10[%mul3A_4, %dma_start3A_336] : memref<10240x128xf32, #tpu.memory_space<vmem_shared>> -> memref<640x128xf32, #tpu.memory_space<vmem_shared>>
      tpu.enqueue_dma source(%arg5 : memref<640x128xf32, #tpu.memory_space<hbm>>) target(%dma_start3A_337 : memref<640x128xf32, #tpu.memory_space<vmem_shared>>) target_semaphore(%run_scoped3A_335 : memref<!tpu.dma_semaphore, #tpu.memory_space<semaphore_mem>>)
      %dma_wait3A_338 = arith.constant 0 : i32
      %dma_wait3A_339 = tpu.memref_slice %arg10[%mul3A_4, %dma_wait3A_338] : memref<10240x128xf32, #tpu.memory_space<vmem_shared>> -> memref<640x128xf32, #tpu.memory_space<vmem_shared>>
      tpu.wait_dma2 semaphore(%run_scoped3A_335 : memref<!tpu.dma_semaphore, #tpu.memory_space<semaphore_mem>>) src(%arg5 : memref<640x128xf32, #tpu.memory_space<hbm>>) dst(%dma_wait3A_339 : memref<640x128xf32, #tpu.memory_space<vmem_shared>>)
      tpu.yield
    }) : () -> ()
    %barrier3A = arith.constant 0 : index
    tpu.barrier barrier_id(%barrier3A)
    %run_scoped3A = arith.constant 0 : i32
    "tpu.region"() ({
      %run_scoped3A_335 = tpu.sem_alloc : memref<!tpu.dma_semaphore, #tpu.memory_space<semaphore_mem>>
      %dma_start3A_336 = arith.constant 0 : i32
      %dma_start3A_337 = arith.constant 0 : i32
      %dma_start3A_338 = tpu.memref_slice %arg7[%run_scoped3A, %dma_start3A_336, %dma_start3A_337] : memref<2x16x128xi32, #tpu.memory_space<vmem>> -> memref<1x16x128xi32, #tpu.memory_space<vmem>>
      %dma_start3A_339 = tpu.memref_squeeze %dma_start3A_338 : memref<1x16x128xi32, #tpu.memory_space<vmem>> -> memref<16x128xi32, #tpu.memory_space<vmem>>
      %dma_start3A_340 = arith.constant 0 : i32
      %dma_start3A_341 = tpu.memref_slice %arg3[%mul3A_2, %dma_start3A_340] : memref<2560x128xi32, #tpu.memory_space<hbm>> -> memref<16x128xi32, #tpu.memory_space<hbm>>
      %dma_start3A_342 = arith.constant 0 : i32
      %dma_start3A_343 = arith.constant 0 : i32
      %dma_start3A_344 = tpu.memref_slice %arg7[%run_scoped3A, %dma_start3A_342, %dma_start3A_343] : memref<2x16x128xi32, #tpu.memory_space<vmem>> -> memref<1x16x128xi32, #tpu.memory_space<vmem>>
      %dma_start3A_345 = tpu.memref_squeeze %dma_start3A_344 : memref<1x16x128xi32, #tpu.memory_space<vmem>> -> memref<16x128xi32, #tpu.memory_space<vmem>>
      %dma_start3A_346 = arith.constant 0 : i32
      %dma_start3A_347 = tpu.memref_slice %arg3[%mul3A_2, %dma_start3A_346] : memref<2560x128xi32, #tpu.memory_space<hbm>> -> memref<16x128xi32, #tpu.memory_space<hbm>>
      tpu.enqueue_dma source(%dma_start3A_347 : memref<16x128xi32, #tpu.memory_space<hbm>>) target(%dma_start3A_345 : memref<16x128xi32, #tpu.memory_space<vmem>>) target_semaphore(%run_scoped3A_335 : memref<!tpu.dma_semaphore, #tpu.memory_space<semaphore_mem>>)
      %dma_wait3A_348 = arith.constant 0 : i32
      %dma_wait3A_349 = arith.constant 0 : i32
      %dma_wait3A_350 = tpu.memref_slice %arg7[%run_scoped3A, %dma_wait3A_348, %dma_wait3A_349] : memref<2x16x128xi32, #tpu.memory_space<vmem>> -> memref<1x16x128xi32, #tpu.memory_space<vmem>>
      %dma_wait3A_351 = tpu.memref_squeeze %dma_wait3A_350 : memref<1x16x128xi32, #tpu.memory_space<vmem>> -> memref<16x128xi32, #tpu.memory_space<vmem>>
      %dma_wait3A_352 = arith.constant 0 : i32
      %dma_wait3A_353 = tpu.memref_slice %arg3[%mul3A_2, %dma_wait3A_352] : memref<2560x128xi32, #tpu.memory_space<hbm>> -> memref<16x128xi32, #tpu.memory_space<hbm>>
      %dma_wait3A_354 = arith.constant 0 : i32
      %dma_wait3A_355 = arith.constant 0 : i32
      %dma_wait3A_356 = tpu.memref_slice %arg7[%run_scoped3A, %dma_wait3A_354, %dma_wait3A_355] : memref<2x16x128xi32, #tpu.memory_space<vmem>> -> memref<1x16x128xi32, #tpu.memory_space<vmem>>
      %dma_wait3A_357 = tpu.memref_squeeze %dma_wait3A_356 : memref<1x16x128xi32, #tpu.memory_space<vmem>> -> memref<16x128xi32, #tpu.memory_space<vmem>>
      %dma_wait3A_358 = arith.constant 0 : i32
      %dma_wait3A_359 = tpu.memref_slice %arg3[%mul3A_2, %dma_wait3A_358] : memref<2560x128xi32, #tpu.memory_space<hbm>> -> memref<16x128xi32, #tpu.memory_space<hbm>>
      tpu.wait_dma2 semaphore(%run_scoped3A_335 : memref<!tpu.dma_semaphore, #tpu.memory_space<semaphore_mem>>) src(%dma_wait3A_359 : memref<16x128xi32, #tpu.memory_space<hbm>>) dst(%dma_wait3A_357 : memref<16x128xi32, #tpu.memory_space<vmem>>)
      tpu.yield
    }) : () -> ()
    %run_scoped3A_5 = arith.constant 0 : i32
    "tpu.region"() ({
      %run_scoped3A_335 = tpu.sem_alloc : memref<!tpu.dma_semaphore, #tpu.memory_space<semaphore_mem>>
      %dma_start3A_336 = arith.constant 0 : i32
      %dma_start3A_337 = arith.constant 0 : i32
      %dma_start3A_338 = tpu.memref_slice %arg8[%run_scoped3A_5, %dma_start3A_336, %dma_start3A_337] : memref<2x16x128xi32, #tpu.memory_space<vmem>> -> memref<1x16x128xi32, #tpu.memory_space<vmem>>
      %dma_start3A_339 = tpu.memref_squeeze %dma_start3A_338 : memref<1x16x128xi32, #tpu.memory_space<vmem>> -> memref<16x128xi32, #tpu.memory_space<vmem>>
      %dma_start3A_340 = arith.constant 0 : i32
      %dma_start3A_341 = tpu.memref_slice %arg4[%mul3A_2, %dma_start3A_340] : memref<2560x128xi32, #tpu.memory_space<hbm>> -> memref<16x128xi32, #tpu.memory_space<hbm>>
      %dma_start3A_342 = arith.constant 0 : i32
      %dma_start3A_343 = arith.constant 0 : i32
      %dma_start3A_344 = tpu.memref_slice %arg8[%run_scoped3A_5, %dma_start3A_342, %dma_start3A_343] : memref<2x16x128xi32, #tpu.memory_space<vmem>> -> memref<1x16x128xi32, #tpu.memory_space<vmem>>
      %dma_start3A_345 = tpu.memref_squeeze %dma_start3A_344 : memref<1x16x128xi32, #tpu.memory_space<vmem>> -> memref<16x128xi32, #tpu.memory_space<vmem>>
      %dma_start3A_346 = arith.constant 0 : i32
      %dma_start3A_347 = tpu.memref_slice %arg4[%mul3A_2, %dma_start3A_346] : memref<2560x128xi32, #tpu.memory_space<hbm>> -> memref<16x128xi32, #tpu.memory_space<hbm>>
      tpu.enqueue_dma source(%dma_start3A_347 : memref<16x128xi32, #tpu.memory_space<hbm>>) target(%dma_start3A_345 : memref<16x128xi32, #tpu.memory_space<vmem>>) target_semaphore(%run_scoped3A_335 : memref<!tpu.dma_semaphore, #tpu.memory_space<semaphore_mem>>)
      %dma_wait3A_348 = arith.constant 0 : i32
      %dma_wait3A_349 = arith.constant 0 : i32
      %dma_wait3A_350 = tpu.memref_slice %arg8[%run_scoped3A_5, %dma_wait3A_348, %dma_wait3A_349] : memref<2x16x128xi32, #tpu.memory_space<vmem>> -> memref<1x16x128xi32, #tpu.memory_space<vmem>>
      %dma_wait3A_351 = tpu.memref_squeeze %dma_wait3A_350 : memref<1x16x128xi32, #tpu.memory_space<vmem>> -> memref<16x128xi32, #tpu.memory_space<vmem>>
      %dma_wait3A_352 = arith.constant 0 : i32
      %dma_wait3A_353 = tpu.memref_slice %arg4[%mul3A_2, %dma_wait3A_352] : memref<2560x128xi32, #tpu.memory_space<hbm>> -> memref<16x128xi32, #tpu.memory_space<hbm>>
      %dma_wait3A_354 = arith.constant 0 : i32
      %dma_wait3A_355 = arith.constant 0 : i32
      %dma_wait3A_356 = tpu.memref_slice %arg8[%run_scoped3A_5, %dma_wait3A_354, %dma_wait3A_355] : memref<2x16x128xi32, #tpu.memory_space<vmem>> -> memref<1x16x128xi32, #tpu.memory_space<vmem>>
      %dma_wait3A_357 = tpu.memref_squeeze %dma_wait3A_356 : memref<1x16x128xi32, #tpu.memory_space<vmem>> -> memref<16x128xi32, #tpu.memory_space<vmem>>
      %dma_wait3A_358 = arith.constant 0 : i32
      %dma_wait3A_359 = tpu.memref_slice %arg4[%mul3A_2, %dma_wait3A_358] : memref<2560x128xi32, #tpu.memory_space<hbm>> -> memref<16x128xi32, #tpu.memory_space<hbm>>
      tpu.wait_dma2 semaphore(%run_scoped3A_335 : memref<!tpu.dma_semaphore, #tpu.memory_space<semaphore_mem>>) src(%dma_wait3A_359 : memref<16x128xi32, #tpu.memory_space<hbm>>) dst(%dma_wait3A_357 : memref<16x128xi32, #tpu.memory_space<vmem>>)
      tpu.yield
    }) : () -> ()
    %add3A_6 = arith.constant 16 : i32
    %add3A_7 = arith.addi %mul3A_2, %add3A_6 : i32
    %dma_start3A = arith.constant 1 : i32
    %dma_start3A_8 = arith.constant 0 : i32
    %dma_start3A_9 = arith.constant 0 : i32
    %dma_start3A_10 = tpu.memref_slice %arg7[%dma_start3A, %dma_start3A_8, %dma_start3A_9] : memref<2x16x128xi32, #tpu.memory_space<vmem>> -> memref<1x16x128xi32, #tpu.memory_space<vmem>>
    %dma_start3A_11 = tpu.memref_squeeze %dma_start3A_10 : memref<1x16x128xi32, #tpu.memory_space<vmem>> -> memref<16x128xi32, #tpu.memory_space<vmem>>
    %dma_start3A_12 = arith.constant 0 : i32
    %dma_start3A_13 = tpu.memref_slice %arg3[%add3A_7, %dma_start3A_12] : memref<2560x128xi32, #tpu.memory_space<hbm>> -> memref<16x128xi32, #tpu.memory_space<hbm>>
    %dma_start3A_14 = arith.constant 0 : i32
    %dma_start3A_15 = arith.constant 0 : i32
    %dma_start3A_16 = tpu.memref_slice %arg7[%dma_start3A, %dma_start3A_14, %dma_start3A_15] : memref<2x16x128xi32, #tpu.memory_space<vmem>> -> memref<1x16x128xi32, #tpu.memory_space<vmem>>
    %dma_start3A_17 = tpu.memref_squeeze %dma_start3A_16 : memref<1x16x128xi32, #tpu.memory_space<vmem>> -> memref<16x128xi32, #tpu.memory_space<vmem>>
    %dma_start3A_18 = arith.constant 0 : i32
    %dma_start3A_19 = tpu.memref_slice %arg3[%add3A_7, %dma_start3A_18] : memref<2560x128xi32, #tpu.memory_space<hbm>> -> memref<16x128xi32, #tpu.memory_space<hbm>>
    tpu.enqueue_dma source(%dma_start3A_19 : memref<16x128xi32, #tpu.memory_space<hbm>>) target(%dma_start3A_17 : memref<16x128xi32, #tpu.memory_space<vmem>>) target_semaphore(%arg13 : memref<!tpu.dma_semaphore, #tpu.memory_space<semaphore_mem>>)
    %dma_start3A_20 = arith.constant 1 : i32
    %dma_start3A_21 = arith.constant 0 : i32
    %dma_start3A_22 = arith.constant 0 : i32
    %dma_start3A_23 = tpu.memref_slice %arg8[%dma_start3A_20, %dma_start3A_21, %dma_start3A_22] : memref<2x16x128xi32, #tpu.memory_space<vmem>> -> memref<1x16x128xi32, #tpu.memory_space<vmem>>
    %dma_start3A_24 = tpu.memref_squeeze %dma_start3A_23 : memref<1x16x128xi32, #tpu.memory_space<vmem>> -> memref<16x128xi32, #tpu.memory_space<vmem>>
    %dma_start3A_25 = arith.constant 0 : i32
    %dma_start3A_26 = tpu.memref_slice %arg4[%add3A_7, %dma_start3A_25] : memref<2560x128xi32, #tpu.memory_space<hbm>> -> memref<16x128xi32, #tpu.memory_space<hbm>>
    %dma_start3A_27 = arith.constant 0 : i32
    %dma_start3A_28 = arith.constant 0 : i32
    %dma_start3A_29 = tpu.memref_slice %arg8[%dma_start3A_20, %dma_start3A_27, %dma_start3A_28] : memref<2x16x128xi32, #tpu.memory_space<vmem>> -> memref<1x16x128xi32, #tpu.memory_space<vmem>>
    %dma_start3A_30 = tpu.memref_squeeze %dma_start3A_29 : memref<1x16x128xi32, #tpu.memory_space<vmem>> -> memref<16x128xi32, #tpu.memory_space<vmem>>
    %dma_start3A_31 = arith.constant 0 : i32
    %dma_start3A_32 = tpu.memref_slice %arg4[%add3A_7, %dma_start3A_31] : memref<2560x128xi32, #tpu.memory_space<hbm>> -> memref<16x128xi32, #tpu.memory_space<hbm>>
    tpu.enqueue_dma source(%dma_start3A_32 : memref<16x128xi32, #tpu.memory_space<hbm>>) target(%dma_start3A_30 : memref<16x128xi32, #tpu.memory_space<vmem>>) target_semaphore(%arg13 : memref<!tpu.dma_semaphore, #tpu.memory_space<semaphore_mem>>)
    %dma_start3A_33 = arith.constant 0 : i32
    %dma_start3A_34 = arith.constant 0 : i32
    %dma_start3A_35 = arith.constant 0 : i32
    %dma_start3A_36 = arith.constant 0 : i32
    %dma_start3A_37 = arith.constant 0 : i32
    %dma_start3A_38 = tpu.memref_slice %arg9[%dma_start3A_35, %dma_start3A_36, %dma_start3A_37] : memref<2x128x128xf32, #tpu.memory_space<vmem>> -> memref<1x128x128xf32, #tpu.memory_space<vmem>>
    %dma_start3A_39 = tpu.memref_squeeze %dma_start3A_38 : memref<1x128x128xf32, #tpu.memory_space<vmem>> -> memref<128x128xf32, #tpu.memory_space<vmem>>
    %dma_start3A_40 = arith.constant 0 : i32
    %dma_start3A_41 = tpu.memref_slice %arg7[%dma_start3A_33, %dma_start3A_34, %dma_start3A_40] : memref<2x16x128xi32, #tpu.memory_space<vmem>> -> memref<1x1x128xi32, #tpu.memory_space<vmem>>
    %dma_start3A_42 = tpu.memref_squeeze %dma_start3A_41 : memref<1x1x128xi32, #tpu.memory_space<vmem>> -> memref<128xi32, #tpu.memory_space<vmem>>
    %dma_start3A_43 = arith.constant 0 : i32
    %dma_start3A_44 = arith.constant 0 : i32
    %dma_start3A_45 = tpu.memref_slice %arg2[%dma_start3A_43, %dma_start3A_44] : memref<10000x128xf32, #tpu.memory_space<hbm>> -> memref<10000x128xf32, #tpu.memory_space<hbm>>
    tpu.enqueue_indirect_dma source(%dma_start3A_45 : memref<10000x128xf32, #tpu.memory_space<hbm>>) target(%dma_start3A_39 : memref<128x128xf32, #tpu.memory_space<vmem>>) offsets(%dma_start3A_42 : memref<128xi32, #tpu.memory_space<vmem>>) semaphore(%arg11 : memref<!tpu.dma_semaphore, #tpu.memory_space<semaphore_mem>>)
    %scan3A = arith.constant 0 : i32
    %scan3A_46 = arith.constant 0 : i32
    %scan3A_47 = arith.constant 8 : i32
    %scan3A_48 = arith.addi %scan3A_46, %scan3A_47 : i32
    %scan3A_49 = arith.constant 1 : i32
    scf.for %scan3A_335 = %scan3A_46 to %scan3A_48 step %scan3A_49  : i32 {
      %mul3A_336 = arith.constant 2 : i32
      %mul3A_337 = arith.muli %mul3A_336, %scan3A_335 : i32
      %add3A_338 = arith.constant 1 : i32
      %add3A_339 = arith.addi %mul3A_337, %add3A_338 : i32
      %dma_start3A_340 = arith.constant 0 : i32
      %dma_start3A_341 = arith.constant 1 : i32
      %dma_start3A_342 = arith.constant 0 : i32
      %dma_start3A_343 = arith.constant 0 : i32
      %dma_start3A_344 = tpu.memref_slice %arg9[%dma_start3A_341, %dma_start3A_342, %dma_start3A_343] : memref<2x128x128xf32, #tpu.memory_space<vmem>> -> memref<1x128x128xf32, #tpu.memory_space<vmem>>
      %dma_start3A_345 = tpu.memref_squeeze %dma_start3A_344 : memref<1x128x128xf32, #tpu.memory_space<vmem>> -> memref<128x128xf32, #tpu.memory_space<vmem>>
      %dma_start3A_346 = arith.constant 0 : i32
      %dma_start3A_347 = tpu.memref_slice %arg7[%dma_start3A_340, %add3A_339, %dma_start3A_346] : memref<2x16x128xi32, #tpu.memory_space<vmem>> -> memref<1x1x128xi32, #tpu.memory_space<vmem>>
      %dma_start3A_348 = tpu.memref_squeeze %dma_start3A_347 : memref<1x1x128xi32, #tpu.memory_space<vmem>> -> memref<128xi32, #tpu.memory_space<vmem>>
      %dma_start3A_349 = arith.constant 0 : i32
      %dma_start3A_350 = arith.constant 0 : i32
      %dma_start3A_351 = tpu.memref_slice %arg2[%dma_start3A_349, %dma_start3A_350] : memref<10000x128xf32, #tpu.memory_space<hbm>> -> memref<10000x128xf32, #tpu.memory_space<hbm>>
      tpu.enqueue_indirect_dma source(%dma_start3A_351 : memref<10000x128xf32, #tpu.memory_space<hbm>>) target(%dma_start3A_345 : memref<128x128xf32, #tpu.memory_space<vmem>>) offsets(%dma_start3A_348 : memref<128xi32, #tpu.memory_space<vmem>>) semaphore(%arg12 : memref<!tpu.dma_semaphore, #tpu.memory_space<semaphore_mem>>)
      %dma_wait3A_352 = arith.constant 0 : i32
      %dma_wait3A_353 = arith.constant 0 : i32
      %dma_wait3A_354 = arith.constant 0 : i32
      %dma_wait3A_355 = tpu.memref_slice %arg9[%dma_wait3A_352, %dma_wait3A_353, %dma_wait3A_354] : memref<2x128x128xf32, #tpu.memory_space<vmem>> -> memref<1x128x128xf32, #tpu.memory_space<vmem>>
      %dma_wait3A_356 = tpu.memref_squeeze %dma_wait3A_355 : memref<1x128x128xf32, #tpu.memory_space<vmem>> -> memref<128x128xf32, #tpu.memory_space<vmem>>
      %dma_wait3A_357 = arith.constant 0 : i32
      %dma_wait3A_358 = arith.constant 0 : i32
      %dma_wait3A_359 = tpu.memref_slice %arg2[%dma_wait3A_357, %dma_wait3A_358] : memref<10000x128xf32, #tpu.memory_space<hbm>> -> memref<128x128xf32, #tpu.memory_space<hbm>>
      %dma_wait3A_360 = arith.constant 0 : i32
      %dma_wait3A_361 = arith.constant 0 : i32
      %dma_wait3A_362 = tpu.memref_slice %arg9[%dma_wait3A_352, %dma_wait3A_360, %dma_wait3A_361] : memref<2x128x128xf32, #tpu.memory_space<vmem>> -> memref<1x128x128xf32, #tpu.memory_space<vmem>>
      %dma_wait3A_363 = tpu.memref_squeeze %dma_wait3A_362 : memref<1x128x128xf32, #tpu.memory_space<vmem>> -> memref<128x128xf32, #tpu.memory_space<vmem>>
      %dma_wait3A_364 = arith.constant 0 : i32
      %dma_wait3A_365 = arith.constant 0 : i32
      %dma_wait3A_366 = tpu.memref_slice %arg2[%dma_wait3A_364, %dma_wait3A_365] : memref<10000x128xf32, #tpu.memory_space<hbm>> -> memref<128x128xf32, #tpu.memory_space<hbm>>
      tpu.wait_dma2 semaphore(%arg11 : memref<!tpu.dma_semaphore, #tpu.memory_space<semaphore_mem>>) src(%dma_wait3A_366 : memref<128x128xf32, #tpu.memory_space<hbm>>) dst(%dma_wait3A_363 : memref<128x128xf32, #tpu.memory_space<vmem>>)
      %run_scoped3A_367 = arith.constant 0 : i32
      %run_scoped3A_368 = arith.constant 0 : i32
      "tpu.region"() ({
        %run_scoped3A_389 = tpu.sem_alloc : memref<!tpu.dma_semaphore, #tpu.memory_space<semaphore_mem>>
        %dma_start3A_390 = arith.constant 0 : i32
        %dma_start3A_391 = arith.constant 0 : i32
        %dma_start3A_392 = tpu.memref_slice %arg9[%run_scoped3A_367, %dma_start3A_390, %dma_start3A_391] : memref<2x128x128xf32, #tpu.memory_space<vmem>> -> memref<1x128x128xf32, #tpu.memory_space<vmem>>
        %dma_start3A_393 = tpu.memref_squeeze %dma_start3A_392 : memref<1x128x128xf32, #tpu.memory_space<vmem>> -> memref<128x128xf32, #tpu.memory_space<vmem>>
        %dma_start3A_394 = arith.constant 0 : i32
        %dma_start3A_395 = tpu.memref_slice %arg8[%run_scoped3A_368, %mul3A_337, %dma_start3A_394] : memref<2x16x128xi32, #tpu.memory_space<vmem>> -> memref<1x1x128xi32, #tpu.memory_space<vmem>>
        %dma_start3A_396 = tpu.memref_squeeze %dma_start3A_395 : memref<1x1x128xi32, #tpu.memory_space<vmem>> -> memref<128xi32, #tpu.memory_space<vmem>>
        %dma_start3A_397 = arith.constant 0 : i32
        %dma_start3A_398 = arith.constant 0 : i32
        %dma_start3A_399 = tpu.memref_slice %arg10[%dma_start3A_397, %dma_start3A_398] : memref<10240x128xf32, #tpu.memory_space<vmem_shared>> -> memref<10240x128xf32, #tpu.memory_space<vmem_shared>>
        tpu.enqueue_indirect_dma source(%dma_start3A_393 : memref<128x128xf32, #tpu.memory_space<vmem>>) target(%dma_start3A_399 : memref<10240x128xf32, #tpu.memory_space<vmem_shared>>) offsets(%dma_start3A_396 : memref<128xi32, #tpu.memory_space<vmem>>) semaphore(%run_scoped3A_389 : memref<!tpu.dma_semaphore, #tpu.memory_space<semaphore_mem>>) {add = true}
        %dma_wait3A_400 = arith.constant 0 : i32
        %dma_wait3A_401 = arith.constant 0 : i32
        %dma_wait3A_402 = tpu.memref_slice %arg9[%run_scoped3A_367, %dma_wait3A_400, %dma_wait3A_401] : memref<2x128x128xf32, #tpu.memory_space<vmem>> -> memref<1x128x128xf32, #tpu.memory_space<vmem>>
        %dma_wait3A_403 = tpu.memref_squeeze %dma_wait3A_402 : memref<1x128x128xf32, #tpu.memory_space<vmem>> -> memref<128x128xf32, #tpu.memory_space<vmem>>
        %dma_wait3A_404 = arith.constant 0 : i32
        %dma_wait3A_405 = tpu.memref_slice %arg8[%run_scoped3A_368, %mul3A_337, %dma_wait3A_404] : memref<2x16x128xi32, #tpu.memory_space<vmem>> -> memref<1x1x128xi32, #tpu.memory_space<vmem>>
        %dma_wait3A_406 = tpu.memref_squeeze %dma_wait3A_405 : memref<1x1x128xi32, #tpu.memory_space<vmem>> -> memref<128xi32, #tpu.memory_space<vmem>>
        %dma_wait3A_407 = arith.constant 0 : i32
        %dma_wait3A_408 = arith.constant 0 : i32
        %dma_wait3A_409 = tpu.memref_slice %arg10[%dma_wait3A_407, %dma_wait3A_408] : memref<10240x128xf32, #tpu.memory_space<vmem_shared>> -> memref<10240x128xf32, #tpu.memory_space<vmem_shared>>
        tpu.wait_indirect_dma semaphore(%run_scoped3A_389 : memref<!tpu.dma_semaphore, #tpu.memory_space<semaphore_mem>>) src(%dma_wait3A_403 : memref<128x128xf32, #tpu.memory_space<vmem>>) dst(%dma_wait3A_409 : memref<10240x128xf32, #tpu.memory_space<vmem_shared>>)
        tpu.yield
      }) : () -> ()
      %add3A_369 = arith.constant 1 : i32
      %add3A_370 = arith.addi %scan3A_335, %add3A_369 : i32
      %lt3A = arith.constant 8 : i32
      %lt3A_371 = arith.cmpi slt, %add3A_370, %lt3A : i32
      %convert_element_type3A = arith.extui %lt3A_371 : i1 to i32
      %cond3A = arith.constant 0 : i32
      %cond3A_372 = arith.cmpi ne, %convert_element_type3A, %cond3A : i32
      scf.if %cond3A_372 {
        %add3A_389 = arith.constant 2 : i32
        %add3A_390 = arith.addi %mul3A_337, %add3A_389 : i32
        %dma_start3A_391 = arith.constant 0 : i32
        %dma_start3A_392 = arith.constant 0 : i32
        %dma_start3A_393 = arith.constant 0 : i32
        %dma_start3A_394 = arith.constant 0 : i32
        %dma_start3A_395 = tpu.memref_slice %arg9[%dma_start3A_392, %dma_start3A_393, %dma_start3A_394] : memref<2x128x128xf32, #tpu.memory_space<vmem>> -> memref<1x128x128xf32, #tpu.memory_space<vmem>>
        %dma_start3A_396 = tpu.memref_squeeze %dma_start3A_395 : memref<1x128x128xf32, #tpu.memory_space<vmem>> -> memref<128x128xf32, #tpu.memory_space<vmem>>
        %dma_start3A_397 = arith.constant 0 : i32
        %dma_start3A_398 = tpu.memref_slice %arg7[%dma_start3A_391, %add3A_390, %dma_start3A_397] : memref<2x16x128xi32, #tpu.memory_space<vmem>> -> memref<1x1x128xi32, #tpu.memory_space<vmem>>
        %dma_start3A_399 = tpu.memref_squeeze %dma_start3A_398 : memref<1x1x128xi32, #tpu.memory_space<vmem>> -> memref<128xi32, #tpu.memory_space<vmem>>
        %dma_start3A_400 = arith.constant 0 : i32
        %dma_start3A_401 = arith.constant 0 : i32
        %dma_start3A_402 = tpu.memref_slice %arg2[%dma_start3A_400, %dma_start3A_401] : memref<10000x128xf32, #tpu.memory_space<hbm>> -> memref<10000x128xf32, #tpu.memory_space<hbm>>
        tpu.enqueue_indirect_dma source(%dma_start3A_402 : memref<10000x128xf32, #tpu.memory_space<hbm>>) target(%dma_start3A_396 : memref<128x128xf32, #tpu.memory_space<vmem>>) offsets(%dma_start3A_399 : memref<128xi32, #tpu.memory_space<vmem>>) semaphore(%arg11 : memref<!tpu.dma_semaphore, #tpu.memory_space<semaphore_mem>>)
      } else {
      }
      %dma_wait3A_373 = arith.constant 0 : i32
      %dma_wait3A_374 = arith.constant 1 : i32
      %dma_wait3A_375 = arith.constant 0 : i32
      %dma_wait3A_376 = arith.constant 0 : i32
      %dma_wait3A_377 = tpu.memref_slice %arg9[%dma_wait3A_374, %dma_wait3A_375, %dma_wait3A_376] : memref<2x128x128xf32, #tpu.memory_space<vmem>> -> memref<1x128x128xf32, #tpu.memory_space<vmem>>
      %dma_wait3A_378 = tpu.memref_squeeze %dma_wait3A_377 : memref<1x128x128xf32, #tpu.memory_space<vmem>> -> memref<128x128xf32, #tpu.memory_space<vmem>>
      %dma_wait3A_379 = arith.constant 0 : i32
      %dma_wait3A_380 = tpu.memref_slice %arg7[%dma_wait3A_373, %add3A_339, %dma_wait3A_379] : memref<2x16x128xi32, #tpu.memory_space<vmem>> -> memref<1x1x128xi32, #tpu.memory_space<vmem>>
      %dma_wait3A_381 = tpu.memref_squeeze %dma_wait3A_380 : memref<1x1x128xi32, #tpu.memory_space<vmem>> -> memref<128xi32, #tpu.memory_space<vmem>>
      %dma_wait3A_382 = arith.constant 0 : i32
      %dma_wait3A_383 = arith.constant 0 : i32
      %dma_wait3A_384 = tpu.memref_slice %arg2[%dma_wait3A_382, %dma_wait3A_383] : memref<10000x128xf32, #tpu.memory_space<hbm>> -> memref<10000x128xf32, #tpu.memory_space<hbm>>
      tpu.wait_indirect_dma semaphore(%arg12 : memref<!tpu.dma_semaphore, #tpu.memory_space<semaphore_mem>>) src(%dma_wait3A_384 : memref<10000x128xf32, #tpu.memory_space<hbm>>) dst(%dma_wait3A_378 : memref<128x128xf32, #tpu.memory_space<vmem>>)
      %add3A_385 = arith.constant 1 : i32
      %add3A_386 = arith.addi %mul3A_337, %add3A_385 : i32
      %run_scoped3A_387 = arith.constant 1 : i32
      %run_scoped3A_388 = arith.constant 0 : i32
      "tpu.region"() ({
        %run_scoped3A_389 = tpu.sem_alloc : memref<!tpu.dma_semaphore, #tpu.memory_space<semaphore_mem>>
        %dma_start3A_390 = arith.constant 0 : i32
        %dma_start3A_391 = arith.constant 0 : i32
        %dma_start3A_392 = tpu.memref_slice %arg9[%run_scoped3A_387, %dma_start3A_390, %dma_start3A_391] : memref<2x128x128xf32, #tpu.memory_space<vmem>> -> memref<1x128x128xf32, #tpu.memory_space<vmem>>
        %dma_start3A_393 = tpu.memref_squeeze %dma_start3A_392 : memref<1x128x128xf32, #tpu.memory_space<vmem>> -> memref<128x128xf32, #tpu.memory_space<vmem>>
        %dma_start3A_394 = arith.constant 0 : i32
        %dma_start3A_395 = tpu.memref_slice %arg8[%run_scoped3A_388, %add3A_386, %dma_start3A_394] : memref<2x16x128xi32, #tpu.memory_space<vmem>> -> memref<1x1x128xi32, #tpu.memory_space<vmem>>
        %dma_start3A_396 = tpu.memref_squeeze %dma_start3A_395 : memref<1x1x128xi32, #tpu.memory_space<vmem>> -> memref<128xi32, #tpu.memory_space<vmem>>
        %dma_start3A_397 = arith.constant 0 : i32
        %dma_start3A_398 = arith.constant 0 : i32
        %dma_start3A_399 = tpu.memref_slice %arg10[%dma_start3A_397, %dma_start3A_398] : memref<10240x128xf32, #tpu.memory_space<vmem_shared>> -> memref<10240x128xf32, #tpu.memory_space<vmem_shared>>
        tpu.enqueue_indirect_dma source(%dma_start3A_393 : memref<128x128xf32, #tpu.memory_space<vmem>>) target(%dma_start3A_399 : memref<10240x128xf32, #tpu.memory_space<vmem_shared>>) offsets(%dma_start3A_396 : memref<128xi32, #tpu.memory_space<vmem>>) semaphore(%run_scoped3A_389 : memref<!tpu.dma_semaphore, #tpu.memory_space<semaphore_mem>>) {add = true}
        %dma_wait3A_400 = arith.constant 0 : i32
        %dma_wait3A_401 = arith.constant 0 : i32
        %dma_wait3A_402 = tpu.memref_slice %arg9[%run_scoped3A_387, %dma_wait3A_400, %dma_wait3A_401] : memref<2x128x128xf32, #tpu.memory_space<vmem>> -> memref<1x128x128xf32, #tpu.memory_space<vmem>>
        %dma_wait3A_403 = tpu.memref_squeeze %dma_wait3A_402 : memref<1x128x128xf32, #tpu.memory_space<vmem>> -> memref<128x128xf32, #tpu.memory_space<vmem>>
        %dma_wait3A_404 = arith.constant 0 : i32
        %dma_wait3A_405 = tpu.memref_slice %arg8[%run_scoped3A_388, %add3A_386, %dma_wait3A_404] : memref<2x16x128xi32, #tpu.memory_space<vmem>> -> memref<1x1x128xi32, #tpu.memory_space<vmem>>
        %dma_wait3A_406 = tpu.memref_squeeze %dma_wait3A_405 : memref<1x1x128xi32, #tpu.memory_space<vmem>> -> memref<128xi32, #tpu.memory_space<vmem>>
        %dma_wait3A_407 = arith.constant 0 : i32
        %dma_wait3A_408 = arith.constant 0 : i32
        %dma_wait3A_409 = tpu.memref_slice %arg10[%dma_wait3A_407, %dma_wait3A_408] : memref<10240x128xf32, #tpu.memory_space<vmem_shared>> -> memref<10240x128xf32, #tpu.memory_space<vmem_shared>>
        tpu.wait_indirect_dma semaphore(%run_scoped3A_389 : memref<!tpu.dma_semaphore, #tpu.memory_space<semaphore_mem>>) src(%dma_wait3A_403 : memref<128x128xf32, #tpu.memory_space<vmem>>) dst(%dma_wait3A_409 : memref<10240x128xf32, #tpu.memory_space<vmem_shared>>)
        tpu.yield
      }) : () -> ()
    }
    %scan3A_50 = arith.constant 8 : i32
    %dma_wait3A = arith.constant 1 : i32
    %dma_wait3A_51 = arith.constant 0 : i32
    %dma_wait3A_52 = arith.constant 0 : i32
    %dma_wait3A_53 = tpu.memref_slice %arg7[%dma_wait3A, %dma_wait3A_51, %dma_wait3A_52] : memref<2x16x128xi32, #tpu.memory_space<vmem>> -> memref<1x16x128xi32, #tpu.memory_space<vmem>>
    %dma_wait3A_54 = tpu.memref_squeeze %dma_wait3A_53 : memref<1x16x128xi32, #tpu.memory_space<vmem>> -> memref<16x128xi32, #tpu.memory_space<vmem>>
    %dma_wait3A_55 = arith.constant 0 : i32
    %dma_wait3A_56 = arith.constant 0 : i32
    %dma_wait3A_57 = tpu.memref_slice %arg3[%dma_wait3A_55, %dma_wait3A_56] : memref<2560x128xi32, #tpu.memory_space<hbm>> -> memref<16x128xi32, #tpu.memory_space<hbm>>
    %dma_wait3A_58 = arith.constant 0 : i32
    %dma_wait3A_59 = arith.constant 0 : i32
    %dma_wait3A_60 = tpu.memref_slice %arg7[%dma_wait3A, %dma_wait3A_58, %dma_wait3A_59] : memref<2x16x128xi32, #tpu.memory_space<vmem>> -> memref<1x16x128xi32, #tpu.memory_space<vmem>>
    %dma_wait3A_61 = tpu.memref_squeeze %dma_wait3A_60 : memref<1x16x128xi32, #tpu.memory_space<vmem>> -> memref<16x128xi32, #tpu.memory_space<vmem>>
    %dma_wait3A_62 = arith.constant 0 : i32
    %dma_wait3A_63 = arith.constant 0 : i32
    %dma_wait3A_64 = tpu.memref_slice %arg3[%dma_wait3A_62, %dma_wait3A_63] : memref<2560x128xi32, #tpu.memory_space<hbm>> -> memref<16x128xi32, #tpu.memory_space<hbm>>
    tpu.wait_dma2 semaphore(%arg13 : memref<!tpu.dma_semaphore, #tpu.memory_space<semaphore_mem>>) src(%dma_wait3A_64 : memref<16x128xi32, #tpu.memory_space<hbm>>) dst(%dma_wait3A_61 : memref<16x128xi32, #tpu.memory_space<vmem>>)
    %dma_wait3A_65 = arith.constant 1 : i32
    %dma_wait3A_66 = arith.constant 0 : i32
    %dma_wait3A_67 = arith.constant 0 : i32
    %dma_wait3A_68 = tpu.memref_slice %arg8[%dma_wait3A_65, %dma_wait3A_66, %dma_wait3A_67] : memref<2x16x128xi32, #tpu.memory_space<vmem>> -> memref<1x16x128xi32, #tpu.memory_space<vmem>>
    %dma_wait3A_69 = tpu.memref_squeeze %dma_wait3A_68 : memref<1x16x128xi32, #tpu.memory_space<vmem>> -> memref<16x128xi32, #tpu.memory_space<vmem>>
    %dma_wait3A_70 = arith.constant 0 : i32
    %dma_wait3A_71 = arith.constant 0 : i32
    %dma_wait3A_72 = tpu.memref_slice %arg4[%dma_wait3A_70, %dma_wait3A_71] : memref<2560x128xi32, #tpu.memory_space<hbm>> -> memref<16x128xi32, #tpu.memory_space<hbm>>
    %dma_wait3A_73 = arith.constant 0 : i32
    %dma_wait3A_74 = arith.constant 0 : i32
    %dma_wait3A_75 = tpu.memref_slice %arg8[%dma_wait3A_65, %dma_wait3A_73, %dma_wait3A_74] : memref<2x16x128xi32, #tpu.memory_space<vmem>> -> memref<1x16x128xi32, #tpu.memory_space<vmem>>
    %dma_wait3A_76 = tpu.memref_squeeze %dma_wait3A_75 : memref<1x16x128xi32, #tpu.memory_space<vmem>> -> memref<16x128xi32, #tpu.memory_space<vmem>>
    %dma_wait3A_77 = arith.constant 0 : i32
    %dma_wait3A_78 = arith.constant 0 : i32
    %dma_wait3A_79 = tpu.memref_slice %arg4[%dma_wait3A_77, %dma_wait3A_78] : memref<2560x128xi32, #tpu.memory_space<hbm>> -> memref<16x128xi32, #tpu.memory_space<hbm>>
    tpu.wait_dma2 semaphore(%arg13 : memref<!tpu.dma_semaphore, #tpu.memory_space<semaphore_mem>>) src(%dma_wait3A_79 : memref<16x128xi32, #tpu.memory_space<hbm>>) dst(%dma_wait3A_76 : memref<16x128xi32, #tpu.memory_space<vmem>>)
    %add3A_80 = arith.constant 32 : i32
    %add3A_81 = arith.addi %mul3A_2, %add3A_80 : i32
    %dma_start3A_82 = arith.constant 0 : i32
    %dma_start3A_83 = arith.constant 0 : i32
    %dma_start3A_84 = arith.constant 0 : i32
    %dma_start3A_85 = tpu.memref_slice %arg7[%dma_start3A_82, %dma_start3A_83, %dma_start3A_84] : memref<2x16x128xi32, #tpu.memory_space<vmem>> -> memref<1x16x128xi32, #tpu.memory_space<vmem>>
    %dma_start3A_86 = tpu.memref_squeeze %dma_start3A_85 : memref<1x16x128xi32, #tpu.memory_space<vmem>> -> memref<16x128xi32, #tpu.memory_space<vmem>>
    %dma_start3A_87 = arith.constant 0 : i32
    %dma_start3A_88 = tpu.memref_slice %arg3[%add3A_81, %dma_start3A_87] : memref<2560x128xi32, #tpu.memory_space<hbm>> -> memref<16x128xi32, #tpu.memory_space<hbm>>
    %dma_start3A_89 = arith.constant 0 : i32
    %dma_start3A_90 = arith.constant 0 : i32
    %dma_start3A_91 = tpu.memref_slice %arg7[%dma_start3A_82, %dma_start3A_89, %dma_start3A_90] : memref<2x16x128xi32, #tpu.memory_space<vmem>> -> memref<1x16x128xi32, #tpu.memory_space<vmem>>
    %dma_start3A_92 = tpu.memref_squeeze %dma_start3A_91 : memref<1x16x128xi32, #tpu.memory_space<vmem>> -> memref<16x128xi32, #tpu.memory_space<vmem>>
    %dma_start3A_93 = arith.constant 0 : i32
    %dma_start3A_94 = tpu.memref_slice %arg3[%add3A_81, %dma_start3A_93] : memref<2560x128xi32, #tpu.memory_space<hbm>> -> memref<16x128xi32, #tpu.memory_space<hbm>>
    tpu.enqueue_dma source(%dma_start3A_94 : memref<16x128xi32, #tpu.memory_space<hbm>>) target(%dma_start3A_92 : memref<16x128xi32, #tpu.memory_space<vmem>>) target_semaphore(%arg13 : memref<!tpu.dma_semaphore, #tpu.memory_space<semaphore_mem>>)
    %dma_start3A_95 = arith.constant 0 : i32
    %dma_start3A_96 = arith.constant 0 : i32
    %dma_start3A_97 = arith.constant 0 : i32
    %dma_start3A_98 = tpu.memref_slice %arg8[%dma_start3A_95, %dma_start3A_96, %dma_start3A_97] : memref<2x16x128xi32, #tpu.memory_space<vmem>> -> memref<1x16x128xi32, #tpu.memory_space<vmem>>
    %dma_start3A_99 = tpu.memref_squeeze %dma_start3A_98 : memref<1x16x128xi32, #tpu.memory_space<vmem>> -> memref<16x128xi32, #tpu.memory_space<vmem>>
    %dma_start3A_100 = arith.constant 0 : i32
    %dma_start3A_101 = tpu.memref_slice %arg4[%add3A_81, %dma_start3A_100] : memref<2560x128xi32, #tpu.memory_space<hbm>> -> memref<16x128xi32, #tpu.memory_space<hbm>>
    %dma_start3A_102 = arith.constant 0 : i32
    %dma_start3A_103 = arith.constant 0 : i32
    %dma_start3A_104 = tpu.memref_slice %arg8[%dma_start3A_95, %dma_start3A_102, %dma_start3A_103] : memref<2x16x128xi32, #tpu.memory_space<vmem>> -> memref<1x16x128xi32, #tpu.memory_space<vmem>>
    %dma_start3A_105 = tpu.memref_squeeze %dma_start3A_104 : memref<1x16x128xi32, #tpu.memory_space<vmem>> -> memref<16x128xi32, #tpu.memory_space<vmem>>
    %dma_start3A_106 = arith.constant 0 : i32
    %dma_start3A_107 = tpu.memref_slice %arg4[%add3A_81, %dma_start3A_106] : memref<2560x128xi32, #tpu.memory_space<hbm>> -> memref<16x128xi32, #tpu.memory_space<hbm>>
    tpu.enqueue_dma source(%dma_start3A_107 : memref<16x128xi32, #tpu.memory_space<hbm>>) target(%dma_start3A_105 : memref<16x128xi32, #tpu.memory_space<vmem>>) target_semaphore(%arg13 : memref<!tpu.dma_semaphore, #tpu.memory_space<semaphore_mem>>)
    %dma_start3A_108 = arith.constant 1 : i32
    %dma_start3A_109 = arith.constant 0 : i32
    %dma_start3A_110 = arith.constant 0 : i32
    %dma_start3A_111 = arith.constant 0 : i32
    %dma_start3A_112 = arith.constant 0 : i32
    %dma_start3A_113 = tpu.memref_slice %arg9[%dma_start3A_110, %dma_start3A_111, %dma_start3A_112] : memref<2x128x128xf32, #tpu.memory_space<vmem>> -> memref<1x128x128xf32, #tpu.memory_space<vmem>>
    %dma_start3A_114 = tpu.memref_squeeze %dma_start3A_113 : memref<1x128x128xf32, #tpu.memory_space<vmem>> -> memref<128x128xf32, #tpu.memory_space<vmem>>
    %dma_start3A_115 = arith.constant 0 : i32
    %dma_start3A_116 = tpu.memref_slice %arg7[%dma_start3A_108, %dma_start3A_109, %dma_start3A_115] : memref<2x16x128xi32, #tpu.memory_space<vmem>> -> memref<1x1x128xi32, #tpu.memory_space<vmem>>
    %dma_start3A_117 = tpu.memref_squeeze %dma_start3A_116 : memref<1x1x128xi32, #tpu.memory_space<vmem>> -> memref<128xi32, #tpu.memory_space<vmem>>
    %dma_start3A_118 = arith.constant 0 : i32
    %dma_start3A_119 = arith.constant 0 : i32
    %dma_start3A_120 = tpu.memref_slice %arg2[%dma_start3A_118, %dma_start3A_119] : memref<10000x128xf32, #tpu.memory_space<hbm>> -> memref<10000x128xf32, #tpu.memory_space<hbm>>
    tpu.enqueue_indirect_dma source(%dma_start3A_120 : memref<10000x128xf32, #tpu.memory_space<hbm>>) target(%dma_start3A_114 : memref<128x128xf32, #tpu.memory_space<vmem>>) offsets(%dma_start3A_117 : memref<128xi32, #tpu.memory_space<vmem>>) semaphore(%arg11 : memref<!tpu.dma_semaphore, #tpu.memory_space<semaphore_mem>>)
    %scan3A_121 = arith.constant 0 : i32
    %scan3A_122 = arith.constant 0 : i32
    %scan3A_123 = arith.constant 8 : i32
    %scan3A_124 = arith.addi %scan3A_122, %scan3A_123 : i32
    %scan3A_125 = arith.constant 1 : i32
    scf.for %scan3A_335 = %scan3A_122 to %scan3A_124 step %scan3A_125  : i32 {
      %mul3A_336 = arith.constant 2 : i32
      %mul3A_337 = arith.muli %mul3A_336, %scan3A_335 : i32
      %add3A_338 = arith.constant 1 : i32
      %add3A_339 = arith.addi %mul3A_337, %add3A_338 : i32
      %dma_start3A_340 = arith.constant 1 : i32
      %dma_start3A_341 = arith.constant 1 : i32
      %dma_start3A_342 = arith.constant 0 : i32
      %dma_start3A_343 = arith.constant 0 : i32
      %dma_start3A_344 = tpu.memref_slice %arg9[%dma_start3A_341, %dma_start3A_342, %dma_start3A_343] : memref<2x128x128xf32, #tpu.memory_space<vmem>> -> memref<1x128x128xf32, #tpu.memory_space<vmem>>
      %dma_start3A_345 = tpu.memref_squeeze %dma_start3A_344 : memref<1x128x128xf32, #tpu.memory_space<vmem>> -> memref<128x128xf32, #tpu.memory_space<vmem>>
      %dma_start3A_346 = arith.constant 0 : i32
      %dma_start3A_347 = tpu.memref_slice %arg7[%dma_start3A_340, %add3A_339, %dma_start3A_346] : memref<2x16x128xi32, #tpu.memory_space<vmem>> -> memref<1x1x128xi32, #tpu.memory_space<vmem>>
      %dma_start3A_348 = tpu.memref_squeeze %dma_start3A_347 : memref<1x1x128xi32, #tpu.memory_space<vmem>> -> memref<128xi32, #tpu.memory_space<vmem>>
      %dma_start3A_349 = arith.constant 0 : i32
      %dma_start3A_350 = arith.constant 0 : i32
      %dma_start3A_351 = tpu.memref_slice %arg2[%dma_start3A_349, %dma_start3A_350] : memref<10000x128xf32, #tpu.memory_space<hbm>> -> memref<10000x128xf32, #tpu.memory_space<hbm>>
      tpu.enqueue_indirect_dma source(%dma_start3A_351 : memref<10000x128xf32, #tpu.memory_space<hbm>>) target(%dma_start3A_345 : memref<128x128xf32, #tpu.memory_space<vmem>>) offsets(%dma_start3A_348 : memref<128xi32, #tpu.memory_space<vmem>>) semaphore(%arg12 : memref<!tpu.dma_semaphore, #tpu.memory_space<semaphore_mem>>)
      %dma_wait3A_352 = arith.constant 0 : i32
      %dma_wait3A_353 = arith.constant 0 : i32
      %dma_wait3A_354 = arith.constant 0 : i32
      %dma_wait3A_355 = tpu.memref_slice %arg9[%dma_wait3A_352, %dma_wait3A_353, %dma_wait3A_354] : memref<2x128x128xf32, #tpu.memory_space<vmem>> -> memref<1x128x128xf32, #tpu.memory_space<vmem>>
      %dma_wait3A_356 = tpu.memref_squeeze %dma_wait3A_355 : memref<1x128x128xf32, #tpu.memory_space<vmem>> -> memref<128x128xf32, #tpu.memory_space<vmem>>
      %dma_wait3A_357 = arith.constant 0 : i32
      %dma_wait3A_358 = arith.constant 0 : i32
      %dma_wait3A_359 = tpu.memref_slice %arg2[%dma_wait3A_357, %dma_wait3A_358] : memref<10000x128xf32, #tpu.memory_space<hbm>> -> memref<128x128xf32, #tpu.memory_space<hbm>>
      %dma_wait3A_360 = arith.constant 0 : i32
      %dma_wait3A_361 = arith.constant 0 : i32
      %dma_wait3A_362 = tpu.memref_slice %arg9[%dma_wait3A_352, %dma_wait3A_360, %dma_wait3A_361] : memref<2x128x128xf32, #tpu.memory_space<vmem>> -> memref<1x128x128xf32, #tpu.memory_space<vmem>>
      %dma_wait3A_363 = tpu.memref_squeeze %dma_wait3A_362 : memref<1x128x128xf32, #tpu.memory_space<vmem>> -> memref<128x128xf32, #tpu.memory_space<vmem>>
      %dma_wait3A_364 = arith.constant 0 : i32
      %dma_wait3A_365 = arith.constant 0 : i32
      %dma_wait3A_366 = tpu.memref_slice %arg2[%dma_wait3A_364, %dma_wait3A_365] : memref<10000x128xf32, #tpu.memory_space<hbm>> -> memref<128x128xf32, #tpu.memory_space<hbm>>
      tpu.wait_dma2 semaphore(%arg11 : memref<!tpu.dma_semaphore, #tpu.memory_space<semaphore_mem>>) src(%dma_wait3A_366 : memref<128x128xf32, #tpu.memory_space<hbm>>) dst(%dma_wait3A_363 : memref<128x128xf32, #tpu.memory_space<vmem>>)
      %run_scoped3A_367 = arith.constant 0 : i32
      %run_scoped3A_368 = arith.constant 1 : i32
      "tpu.region"() ({
        %run_scoped3A_389 = tpu.sem_alloc : memref<!tpu.dma_semaphore, #tpu.memory_space<semaphore_mem>>
        %dma_start3A_390 = arith.constant 0 : i32
        %dma_start3A_391 = arith.constant 0 : i32
        %dma_start3A_392 = tpu.memref_slice %arg9[%run_scoped3A_367, %dma_start3A_390, %dma_start3A_391] : memref<2x128x128xf32, #tpu.memory_space<vmem>> -> memref<1x128x128xf32, #tpu.memory_space<vmem>>
        %dma_start3A_393 = tpu.memref_squeeze %dma_start3A_392 : memref<1x128x128xf32, #tpu.memory_space<vmem>> -> memref<128x128xf32, #tpu.memory_space<vmem>>
        %dma_start3A_394 = arith.constant 0 : i32
        %dma_start3A_395 = tpu.memref_slice %arg8[%run_scoped3A_368, %mul3A_337, %dma_start3A_394] : memref<2x16x128xi32, #tpu.memory_space<vmem>> -> memref<1x1x128xi32, #tpu.memory_space<vmem>>
        %dma_start3A_396 = tpu.memref_squeeze %dma_start3A_395 : memref<1x1x128xi32, #tpu.memory_space<vmem>> -> memref<128xi32, #tpu.memory_space<vmem>>
        %dma_start3A_397 = arith.constant 0 : i32
        %dma_start3A_398 = arith.constant 0 : i32
        %dma_start3A_399 = tpu.memref_slice %arg10[%dma_start3A_397, %dma_start3A_398] : memref<10240x128xf32, #tpu.memory_space<vmem_shared>> -> memref<10240x128xf32, #tpu.memory_space<vmem_shared>>
        tpu.enqueue_indirect_dma source(%dma_start3A_393 : memref<128x128xf32, #tpu.memory_space<vmem>>) target(%dma_start3A_399 : memref<10240x128xf32, #tpu.memory_space<vmem_shared>>) offsets(%dma_start3A_396 : memref<128xi32, #tpu.memory_space<vmem>>) semaphore(%run_scoped3A_389 : memref<!tpu.dma_semaphore, #tpu.memory_space<semaphore_mem>>) {add = true}
        %dma_wait3A_400 = arith.constant 0 : i32
        %dma_wait3A_401 = arith.constant 0 : i32
        %dma_wait3A_402 = tpu.memref_slice %arg9[%run_scoped3A_367, %dma_wait3A_400, %dma_wait3A_401] : memref<2x128x128xf32, #tpu.memory_space<vmem>> -> memref<1x128x128xf32, #tpu.memory_space<vmem>>
        %dma_wait3A_403 = tpu.memref_squeeze %dma_wait3A_402 : memref<1x128x128xf32, #tpu.memory_space<vmem>> -> memref<128x128xf32, #tpu.memory_space<vmem>>
        %dma_wait3A_404 = arith.constant 0 : i32
        %dma_wait3A_405 = tpu.memref_slice %arg8[%run_scoped3A_368, %mul3A_337, %dma_wait3A_404] : memref<2x16x128xi32, #tpu.memory_space<vmem>> -> memref<1x1x128xi32, #tpu.memory_space<vmem>>
        %dma_wait3A_406 = tpu.memref_squeeze %dma_wait3A_405 : memref<1x1x128xi32, #tpu.memory_space<vmem>> -> memref<128xi32, #tpu.memory_space<vmem>>
        %dma_wait3A_407 = arith.constant 0 : i32
        %dma_wait3A_408 = arith.constant 0 : i32
        %dma_wait3A_409 = tpu.memref_slice %arg10[%dma_wait3A_407, %dma_wait3A_408] : memref<10240x128xf32, #tpu.memory_space<vmem_shared>> -> memref<10240x128xf32, #tpu.memory_space<vmem_shared>>
        tpu.wait_indirect_dma semaphore(%run_scoped3A_389 : memref<!tpu.dma_semaphore, #tpu.memory_space<semaphore_mem>>) src(%dma_wait3A_403 : memref<128x128xf32, #tpu.memory_space<vmem>>) dst(%dma_wait3A_409 : memref<10240x128xf32, #tpu.memory_space<vmem_shared>>)
        tpu.yield
      }) : () -> ()
      %add3A_369 = arith.constant 1 : i32
      %add3A_370 = arith.addi %scan3A_335, %add3A_369 : i32
      %lt3A = arith.constant 8 : i32
      %lt3A_371 = arith.cmpi slt, %add3A_370, %lt3A : i32
      %convert_element_type3A = arith.extui %lt3A_371 : i1 to i32
      %cond3A = arith.constant 0 : i32
      %cond3A_372 = arith.cmpi ne, %convert_element_type3A, %cond3A : i32
      scf.if %cond3A_372 {
        %add3A_389 = arith.constant 2 : i32
        %add3A_390 = arith.addi %mul3A_337, %add3A_389 : i32
        %dma_start3A_391 = arith.constant 1 : i32
        %dma_start3A_392 = arith.constant 0 : i32
        %dma_start3A_393 = arith.constant 0 : i32
        %dma_start3A_394 = arith.constant 0 : i32
        %dma_start3A_395 = tpu.memref_slice %arg9[%dma_start3A_392, %dma_start3A_393, %dma_start3A_394] : memref<2x128x128xf32, #tpu.memory_space<vmem>> -> memref<1x128x128xf32, #tpu.memory_space<vmem>>
        %dma_start3A_396 = tpu.memref_squeeze %dma_start3A_395 : memref<1x128x128xf32, #tpu.memory_space<vmem>> -> memref<128x128xf32, #tpu.memory_space<vmem>>
        %dma_start3A_397 = arith.constant 0 : i32
        %dma_start3A_398 = tpu.memref_slice %arg7[%dma_start3A_391, %add3A_390, %dma_start3A_397] : memref<2x16x128xi32, #tpu.memory_space<vmem>> -> memref<1x1x128xi32, #tpu.memory_space<vmem>>
        %dma_start3A_399 = tpu.memref_squeeze %dma_start3A_398 : memref<1x1x128xi32, #tpu.memory_space<vmem>> -> memref<128xi32, #tpu.memory_space<vmem>>
        %dma_start3A_400 = arith.constant 0 : i32
        %dma_start3A_401 = arith.constant 0 : i32
        %dma_start3A_402 = tpu.memref_slice %arg2[%dma_start3A_400, %dma_start3A_401] : memref<10000x128xf32, #tpu.memory_space<hbm>> -> memref<10000x128xf32, #tpu.memory_space<hbm>>
        tpu.enqueue_indirect_dma source(%dma_start3A_402 : memref<10000x128xf32, #tpu.memory_space<hbm>>) target(%dma_start3A_396 : memref<128x128xf32, #tpu.memory_space<vmem>>) offsets(%dma_start3A_399 : memref<128xi32, #tpu.memory_space<vmem>>) semaphore(%arg11 : memref<!tpu.dma_semaphore, #tpu.memory_space<semaphore_mem>>)
      } else {
      }
      %dma_wait3A_373 = arith.constant 1 : i32
      %dma_wait3A_374 = arith.constant 1 : i32
      %dma_wait3A_375 = arith.constant 0 : i32
      %dma_wait3A_376 = arith.constant 0 : i32
      %dma_wait3A_377 = tpu.memref_slice %arg9[%dma_wait3A_374, %dma_wait3A_375, %dma_wait3A_376] : memref<2x128x128xf32, #tpu.memory_space<vmem>> -> memref<1x128x128xf32, #tpu.memory_space<vmem>>
      %dma_wait3A_378 = tpu.memref_squeeze %dma_wait3A_377 : memref<1x128x128xf32, #tpu.memory_space<vmem>> -> memref<128x128xf32, #tpu.memory_space<vmem>>
      %dma_wait3A_379 = arith.constant 0 : i32
      %dma_wait3A_380 = tpu.memref_slice %arg7[%dma_wait3A_373, %add3A_339, %dma_wait3A_379] : memref<2x16x128xi32, #tpu.memory_space<vmem>> -> memref<1x1x128xi32, #tpu.memory_space<vmem>>
      %dma_wait3A_381 = tpu.memref_squeeze %dma_wait3A_380 : memref<1x1x128xi32, #tpu.memory_space<vmem>> -> memref<128xi32, #tpu.memory_space<vmem>>
      %dma_wait3A_382 = arith.constant 0 : i32
      %dma_wait3A_383 = arith.constant 0 : i32
      %dma_wait3A_384 = tpu.memref_slice %arg2[%dma_wait3A_382, %dma_wait3A_383] : memref<10000x128xf32, #tpu.memory_space<hbm>> -> memref<10000x128xf32, #tpu.memory_space<hbm>>
      tpu.wait_indirect_dma semaphore(%arg12 : memref<!tpu.dma_semaphore, #tpu.memory_space<semaphore_mem>>) src(%dma_wait3A_384 : memref<10000x128xf32, #tpu.memory_space<hbm>>) dst(%dma_wait3A_378 : memref<128x128xf32, #tpu.memory_space<vmem>>)
      %add3A_385 = arith.constant 1 : i32
      %add3A_386 = arith.addi %mul3A_337, %add3A_385 : i32
      %run_scoped3A_387 = arith.constant 1 : i32
      %run_scoped3A_388 = arith.constant 1 : i32
      "tpu.region"() ({
        %run_scoped3A_389 = tpu.sem_alloc : memref<!tpu.dma_semaphore, #tpu.memory_space<semaphore_mem>>
        %dma_start3A_390 = arith.constant 0 : i32
        %dma_start3A_391 = arith.constant 0 : i32
        %dma_start3A_392 = tpu.memref_slice %arg9[%run_scoped3A_387, %dma_start3A_390, %dma_start3A_391] : memref<2x128x128xf32, #tpu.memory_space<vmem>> -> memref<1x128x128xf32, #tpu.memory_space<vmem>>
        %dma_start3A_393 = tpu.memref_squeeze %dma_start3A_392 : memref<1x128x128xf32, #tpu.memory_space<vmem>> -> memref<128x128xf32, #tpu.memory_space<vmem>>
        %dma_start3A_394 = arith.constant 0 : i32
        %dma_start3A_395 = tpu.memref_slice %arg8[%run_scoped3A_388, %add3A_386, %dma_start3A_394] : memref<2x16x128xi32, #tpu.memory_space<vmem>> -> memref<1x1x128xi32, #tpu.memory_space<vmem>>
        %dma_start3A_396 = tpu.memref_squeeze %dma_start3A_395 : memref<1x1x128xi32, #tpu.memory_space<vmem>> -> memref<128xi32, #tpu.memory_space<vmem>>
        %dma_start3A_397 = arith.constant 0 : i32
        %dma_start3A_398 = arith.constant 0 : i32
        %dma_start3A_399 = tpu.memref_slice %arg10[%dma_start3A_397, %dma_start3A_398] : memref<10240x128xf32, #tpu.memory_space<vmem_shared>> -> memref<10240x128xf32, #tpu.memory_space<vmem_shared>>
        tpu.enqueue_indirect_dma source(%dma_start3A_393 : memref<128x128xf32, #tpu.memory_space<vmem>>) target(%dma_start3A_399 : memref<10240x128xf32, #tpu.memory_space<vmem_shared>>) offsets(%dma_start3A_396 : memref<128xi32, #tpu.memory_space<vmem>>) semaphore(%run_scoped3A_389 : memref<!tpu.dma_semaphore, #tpu.memory_space<semaphore_mem>>) {add = true}
        %dma_wait3A_400 = arith.constant 0 : i32
        %dma_wait3A_401 = arith.constant 0 : i32
        %dma_wait3A_402 = tpu.memref_slice %arg9[%run_scoped3A_387, %dma_wait3A_400, %dma_wait3A_401] : memref<2x128x128xf32, #tpu.memory_space<vmem>> -> memref<1x128x128xf32, #tpu.memory_space<vmem>>
        %dma_wait3A_403 = tpu.memref_squeeze %dma_wait3A_402 : memref<1x128x128xf32, #tpu.memory_space<vmem>> -> memref<128x128xf32, #tpu.memory_space<vmem>>
        %dma_wait3A_404 = arith.constant 0 : i32
        %dma_wait3A_405 = tpu.memref_slice %arg8[%run_scoped3A_388, %add3A_386, %dma_wait3A_404] : memref<2x16x128xi32, #tpu.memory_space<vmem>> -> memref<1x1x128xi32, #tpu.memory_space<vmem>>
        %dma_wait3A_406 = tpu.memref_squeeze %dma_wait3A_405 : memref<1x1x128xi32, #tpu.memory_space<vmem>> -> memref<128xi32, #tpu.memory_space<vmem>>
        %dma_wait3A_407 = arith.constant 0 : i32
        %dma_wait3A_408 = arith.constant 0 : i32
        %dma_wait3A_409 = tpu.memref_slice %arg10[%dma_wait3A_407, %dma_wait3A_408] : memref<10240x128xf32, #tpu.memory_space<vmem_shared>> -> memref<10240x128xf32, #tpu.memory_space<vmem_shared>>
        tpu.wait_indirect_dma semaphore(%run_scoped3A_389 : memref<!tpu.dma_semaphore, #tpu.memory_space<semaphore_mem>>) src(%dma_wait3A_403 : memref<128x128xf32, #tpu.memory_space<vmem>>) dst(%dma_wait3A_409 : memref<10240x128xf32, #tpu.memory_space<vmem_shared>>)
        tpu.yield
      }) : () -> ()
    }
    %scan3A_126 = arith.constant 8 : i32
    %dma_wait3A_127 = arith.constant 0 : i32
    %dma_wait3A_128 = arith.constant 0 : i32
    %dma_wait3A_129 = arith.constant 0 : i32
    %dma_wait3A_130 = tpu.memref_slice %arg7[%dma_wait3A_127, %dma_wait3A_128, %dma_wait3A_129] : memref<2x16x128xi32, #tpu.memory_space<vmem>> -> memref<1x16x128xi32, #tpu.memory_space<vmem>>
    %dma_wait3A_131 = tpu.memref_squeeze %dma_wait3A_130 : memref<1x16x128xi32, #tpu.memory_space<vmem>> -> memref<16x128xi32, #tpu.memory_space<vmem>>
    %dma_wait3A_132 = arith.constant 0 : i32
    %dma_wait3A_133 = arith.constant 0 : i32
    %dma_wait3A_134 = tpu.memref_slice %arg3[%dma_wait3A_132, %dma_wait3A_133] : memref<2560x128xi32, #tpu.memory_space<hbm>> -> memref<16x128xi32, #tpu.memory_space<hbm>>
    %dma_wait3A_135 = arith.constant 0 : i32
    %dma_wait3A_136 = arith.constant 0 : i32
    %dma_wait3A_137 = tpu.memref_slice %arg7[%dma_wait3A_127, %dma_wait3A_135, %dma_wait3A_136] : memref<2x16x128xi32, #tpu.memory_space<vmem>> -> memref<1x16x128xi32, #tpu.memory_space<vmem>>
    %dma_wait3A_138 = tpu.memref_squeeze %dma_wait3A_137 : memref<1x16x128xi32, #tpu.memory_space<vmem>> -> memref<16x128xi32, #tpu.memory_space<vmem>>
    %dma_wait3A_139 = arith.constant 0 : i32
    %dma_wait3A_140 = arith.constant 0 : i32
    %dma_wait3A_141 = tpu.memref_slice %arg3[%dma_wait3A_139, %dma_wait3A_140] : memref<2560x128xi32, #tpu.memory_space<hbm>> -> memref<16x128xi32, #tpu.memory_space<hbm>>
    tpu.wait_dma2 semaphore(%arg13 : memref<!tpu.dma_semaphore, #tpu.memory_space<semaphore_mem>>) src(%dma_wait3A_141 : memref<16x128xi32, #tpu.memory_space<hbm>>) dst(%dma_wait3A_138 : memref<16x128xi32, #tpu.memory_space<vmem>>)
    %dma_wait3A_142 = arith.constant 0 : i32
    %dma_wait3A_143 = arith.constant 0 : i32
    %dma_wait3A_144 = arith.constant 0 : i32
    %dma_wait3A_145 = tpu.memref_slice %arg8[%dma_wait3A_142, %dma_wait3A_143, %dma_wait3A_144] : memref<2x16x128xi32, #tpu.memory_space<vmem>> -> memref<1x16x128xi32, #tpu.memory_space<vmem>>
    %dma_wait3A_146 = tpu.memref_squeeze %dma_wait3A_145 : memref<1x16x128xi32, #tpu.memory_space<vmem>> -> memref<16x128xi32, #tpu.memory_space<vmem>>
    %dma_wait3A_147 = arith.constant 0 : i32
    %dma_wait3A_148 = arith.constant 0 : i32
    %dma_wait3A_149 = tpu.memref_slice %arg4[%dma_wait3A_147, %dma_wait3A_148] : memref<2560x128xi32, #tpu.memory_space<hbm>> -> memref<16x128xi32, #tpu.memory_space<hbm>>
    %dma_wait3A_150 = arith.constant 0 : i32
    %dma_wait3A_151 = arith.constant 0 : i32
    %dma_wait3A_152 = tpu.memref_slice %arg8[%dma_wait3A_142, %dma_wait3A_150, %dma_wait3A_151] : memref<2x16x128xi32, #tpu.memory_space<vmem>> -> memref<1x16x128xi32, #tpu.memory_space<vmem>>
    %dma_wait3A_153 = tpu.memref_squeeze %dma_wait3A_152 : memref<1x16x128xi32, #tpu.memory_space<vmem>> -> memref<16x128xi32, #tpu.memory_space<vmem>>
    %dma_wait3A_154 = arith.constant 0 : i32
    %dma_wait3A_155 = arith.constant 0 : i32
    %dma_wait3A_156 = tpu.memref_slice %arg4[%dma_wait3A_154, %dma_wait3A_155] : memref<2560x128xi32, #tpu.memory_space<hbm>> -> memref<16x128xi32, #tpu.memory_space<hbm>>
    tpu.wait_dma2 semaphore(%arg13 : memref<!tpu.dma_semaphore, #tpu.memory_space<semaphore_mem>>) src(%dma_wait3A_156 : memref<16x128xi32, #tpu.memory_space<hbm>>) dst(%dma_wait3A_153 : memref<16x128xi32, #tpu.memory_space<vmem>>)
    %add3A_157 = arith.constant 48 : i32
    %add3A_158 = arith.addi %mul3A_2, %add3A_157 : i32
    %dma_start3A_159 = arith.constant 1 : i32
    %dma_start3A_160 = arith.constant 0 : i32
    %dma_start3A_161 = arith.constant 0 : i32
    %dma_start3A_162 = tpu.memref_slice %arg7[%dma_start3A_159, %dma_start3A_160, %dma_start3A_161] : memref<2x16x128xi32, #tpu.memory_space<vmem>> -> memref<1x16x128xi32, #tpu.memory_space<vmem>>
    %dma_start3A_163 = tpu.memref_squeeze %dma_start3A_162 : memref<1x16x128xi32, #tpu.memory_space<vmem>> -> memref<16x128xi32, #tpu.memory_space<vmem>>
    %dma_start3A_164 = arith.constant 0 : i32
    %dma_start3A_165 = tpu.memref_slice %arg3[%add3A_158, %dma_start3A_164] : memref<2560x128xi32, #tpu.memory_space<hbm>> -> memref<16x128xi32, #tpu.memory_space<hbm>>
    %dma_start3A_166 = arith.constant 0 : i32
    %dma_start3A_167 = arith.constant 0 : i32
    %dma_start3A_168 = tpu.memref_slice %arg7[%dma_start3A_159, %dma_start3A_166, %dma_start3A_167] : memref<2x16x128xi32, #tpu.memory_space<vmem>> -> memref<1x16x128xi32, #tpu.memory_space<vmem>>
    %dma_start3A_169 = tpu.memref_squeeze %dma_start3A_168 : memref<1x16x128xi32, #tpu.memory_space<vmem>> -> memref<16x128xi32, #tpu.memory_space<vmem>>
    %dma_start3A_170 = arith.constant 0 : i32
    %dma_start3A_171 = tpu.memref_slice %arg3[%add3A_158, %dma_start3A_170] : memref<2560x128xi32, #tpu.memory_space<hbm>> -> memref<16x128xi32, #tpu.memory_space<hbm>>
    tpu.enqueue_dma source(%dma_start3A_171 : memref<16x128xi32, #tpu.memory_space<hbm>>) target(%dma_start3A_169 : memref<16x128xi32, #tpu.memory_space<vmem>>) target_semaphore(%arg13 : memref<!tpu.dma_semaphore, #tpu.memory_space<semaphore_mem>>)
    %dma_start3A_172 = arith.constant 1 : i32
    %dma_start3A_173 = arith.constant 0 : i32
    %dma_start3A_174 = arith.constant 0 : i32
    %dma_start3A_175 = tpu.memref_slice %arg8[%dma_start3A_172, %dma_start3A_173, %dma_start3A_174] : memref<2x16x128xi32, #tpu.memory_space<vmem>> -> memref<1x16x128xi32, #tpu.memory_space<vmem>>
    %dma_start3A_176 = tpu.memref_squeeze %dma_start3A_175 : memref<1x16x128xi32, #tpu.memory_space<vmem>> -> memref<16x128xi32, #tpu.memory_space<vmem>>
    %dma_start3A_177 = arith.constant 0 : i32
    %dma_start3A_178 = tpu.memref_slice %arg4[%add3A_158, %dma_start3A_177] : memref<2560x128xi32, #tpu.memory_space<hbm>> -> memref<16x128xi32, #tpu.memory_space<hbm>>
    %dma_start3A_179 = arith.constant 0 : i32
    %dma_start3A_180 = arith.constant 0 : i32
    %dma_start3A_181 = tpu.memref_slice %arg8[%dma_start3A_172, %dma_start3A_179, %dma_start3A_180] : memref<2x16x128xi32, #tpu.memory_space<vmem>> -> memref<1x16x128xi32, #tpu.memory_space<vmem>>
    %dma_start3A_182 = tpu.memref_squeeze %dma_start3A_181 : memref<1x16x128xi32, #tpu.memory_space<vmem>> -> memref<16x128xi32, #tpu.memory_space<vmem>>
    %dma_start3A_183 = arith.constant 0 : i32
    %dma_start3A_184 = tpu.memref_slice %arg4[%add3A_158, %dma_start3A_183] : memref<2560x128xi32, #tpu.memory_space<hbm>> -> memref<16x128xi32, #tpu.memory_space<hbm>>
    tpu.enqueue_dma source(%dma_start3A_184 : memref<16x128xi32, #tpu.memory_space<hbm>>) target(%dma_start3A_182 : memref<16x128xi32, #tpu.memory_space<vmem>>) target_semaphore(%arg13 : memref<!tpu.dma_semaphore, #tpu.memory_space<semaphore_mem>>)
    %dma_start3A_185 = arith.constant 0 : i32
    %dma_start3A_186 = arith.constant 0 : i32
    %dma_start3A_187 = arith.constant 0 : i32
    %dma_start3A_188 = arith.constant 0 : i32
    %dma_start3A_189 = arith.constant 0 : i32
    %dma_start3A_190 = tpu.memref_slice %arg9[%dma_start3A_187, %dma_start3A_188, %dma_start3A_189] : memref<2x128x128xf32, #tpu.memory_space<vmem>> -> memref<1x128x128xf32, #tpu.memory_space<vmem>>
    %dma_start3A_191 = tpu.memref_squeeze %dma_start3A_190 : memref<1x128x128xf32, #tpu.memory_space<vmem>> -> memref<128x128xf32, #tpu.memory_space<vmem>>
    %dma_start3A_192 = arith.constant 0 : i32
    %dma_start3A_193 = tpu.memref_slice %arg7[%dma_start3A_185, %dma_start3A_186, %dma_start3A_192] : memref<2x16x128xi32, #tpu.memory_space<vmem>> -> memref<1x1x128xi32, #tpu.memory_space<vmem>>
    %dma_start3A_194 = tpu.memref_squeeze %dma_start3A_193 : memref<1x1x128xi32, #tpu.memory_space<vmem>> -> memref<128xi32, #tpu.memory_space<vmem>>
    %dma_start3A_195 = arith.constant 0 : i32
    %dma_start3A_196 = arith.constant 0 : i32
    %dma_start3A_197 = tpu.memref_slice %arg2[%dma_start3A_195, %dma_start3A_196] : memref<10000x128xf32, #tpu.memory_space<hbm>> -> memref<10000x128xf32, #tpu.memory_space<hbm>>
    tpu.enqueue_indirect_dma source(%dma_start3A_197 : memref<10000x128xf32, #tpu.memory_space<hbm>>) target(%dma_start3A_191 : memref<128x128xf32, #tpu.memory_space<vmem>>) offsets(%dma_start3A_194 : memref<128xi32, #tpu.memory_space<vmem>>) semaphore(%arg11 : memref<!tpu.dma_semaphore, #tpu.memory_space<semaphore_mem>>)
    %scan3A_198 = arith.constant 0 : i32
    %scan3A_199 = arith.constant 0 : i32
    %scan3A_200 = arith.constant 8 : i32
    %scan3A_201 = arith.addi %scan3A_199, %scan3A_200 : i32
    %scan3A_202 = arith.constant 1 : i32
    scf.for %scan3A_335 = %scan3A_199 to %scan3A_201 step %scan3A_202  : i32 {
      %mul3A_336 = arith.constant 2 : i32
      %mul3A_337 = arith.muli %mul3A_336, %scan3A_335 : i32
      %add3A_338 = arith.constant 1 : i32
      %add3A_339 = arith.addi %mul3A_337, %add3A_338 : i32
      %dma_start3A_340 = arith.constant 0 : i32
      %dma_start3A_341 = arith.constant 1 : i32
      %dma_start3A_342 = arith.constant 0 : i32
      %dma_start3A_343 = arith.constant 0 : i32
      %dma_start3A_344 = tpu.memref_slice %arg9[%dma_start3A_341, %dma_start3A_342, %dma_start3A_343] : memref<2x128x128xf32, #tpu.memory_space<vmem>> -> memref<1x128x128xf32, #tpu.memory_space<vmem>>
      %dma_start3A_345 = tpu.memref_squeeze %dma_start3A_344 : memref<1x128x128xf32, #tpu.memory_space<vmem>> -> memref<128x128xf32, #tpu.memory_space<vmem>>
      %dma_start3A_346 = arith.constant 0 : i32
      %dma_start3A_347 = tpu.memref_slice %arg7[%dma_start3A_340, %add3A_339, %dma_start3A_346] : memref<2x16x128xi32, #tpu.memory_space<vmem>> -> memref<1x1x128xi32, #tpu.memory_space<vmem>>
      %dma_start3A_348 = tpu.memref_squeeze %dma_start3A_347 : memref<1x1x128xi32, #tpu.memory_space<vmem>> -> memref<128xi32, #tpu.memory_space<vmem>>
      %dma_start3A_349 = arith.constant 0 : i32
      %dma_start3A_350 = arith.constant 0 : i32
      %dma_start3A_351 = tpu.memref_slice %arg2[%dma_start3A_349, %dma_start3A_350] : memref<10000x128xf32, #tpu.memory_space<hbm>> -> memref<10000x128xf32, #tpu.memory_space<hbm>>
      tpu.enqueue_indirect_dma source(%dma_start3A_351 : memref<10000x128xf32, #tpu.memory_space<hbm>>) target(%dma_start3A_345 : memref<128x128xf32, #tpu.memory_space<vmem>>) offsets(%dma_start3A_348 : memref<128xi32, #tpu.memory_space<vmem>>) semaphore(%arg12 : memref<!tpu.dma_semaphore, #tpu.memory_space<semaphore_mem>>)
      %dma_wait3A_352 = arith.constant 0 : i32
      %dma_wait3A_353 = arith.constant 0 : i32
      %dma_wait3A_354 = arith.constant 0 : i32
      %dma_wait3A_355 = tpu.memref_slice %arg9[%dma_wait3A_352, %dma_wait3A_353, %dma_wait3A_354] : memref<2x128x128xf32, #tpu.memory_space<vmem>> -> memref<1x128x128xf32, #tpu.memory_space<vmem>>
      %dma_wait3A_356 = tpu.memref_squeeze %dma_wait3A_355 : memref<1x128x128xf32, #tpu.memory_space<vmem>> -> memref<128x128xf32, #tpu.memory_space<vmem>>
      %dma_wait3A_357 = arith.constant 0 : i32
      %dma_wait3A_358 = arith.constant 0 : i32
      %dma_wait3A_359 = tpu.memref_slice %arg2[%dma_wait3A_357, %dma_wait3A_358] : memref<10000x128xf32, #tpu.memory_space<hbm>> -> memref<128x128xf32, #tpu.memory_space<hbm>>
      %dma_wait3A_360 = arith.constant 0 : i32
      %dma_wait3A_361 = arith.constant 0 : i32
      %dma_wait3A_362 = tpu.memref_slice %arg9[%dma_wait3A_352, %dma_wait3A_360, %dma_wait3A_361] : memref<2x128x128xf32, #tpu.memory_space<vmem>> -> memref<1x128x128xf32, #tpu.memory_space<vmem>>
      %dma_wait3A_363 = tpu.memref_squeeze %dma_wait3A_362 : memref<1x128x128xf32, #tpu.memory_space<vmem>> -> memref<128x128xf32, #tpu.memory_space<vmem>>
      %dma_wait3A_364 = arith.constant 0 : i32
      %dma_wait3A_365 = arith.constant 0 : i32
      %dma_wait3A_366 = tpu.memref_slice %arg2[%dma_wait3A_364, %dma_wait3A_365] : memref<10000x128xf32, #tpu.memory_space<hbm>> -> memref<128x128xf32, #tpu.memory_space<hbm>>
      tpu.wait_dma2 semaphore(%arg11 : memref<!tpu.dma_semaphore, #tpu.memory_space<semaphore_mem>>) src(%dma_wait3A_366 : memref<128x128xf32, #tpu.memory_space<hbm>>) dst(%dma_wait3A_363 : memref<128x128xf32, #tpu.memory_space<vmem>>)
      %run_scoped3A_367 = arith.constant 0 : i32
      %run_scoped3A_368 = arith.constant 0 : i32
      "tpu.region"() ({
        %run_scoped3A_389 = tpu.sem_alloc : memref<!tpu.dma_semaphore, #tpu.memory_space<semaphore_mem>>
        %dma_start3A_390 = arith.constant 0 : i32
        %dma_start3A_391 = arith.constant 0 : i32
        %dma_start3A_392 = tpu.memref_slice %arg9[%run_scoped3A_367, %dma_start3A_390, %dma_start3A_391] : memref<2x128x128xf32, #tpu.memory_space<vmem>> -> memref<1x128x128xf32, #tpu.memory_space<vmem>>
        %dma_start3A_393 = tpu.memref_squeeze %dma_start3A_392 : memref<1x128x128xf32, #tpu.memory_space<vmem>> -> memref<128x128xf32, #tpu.memory_space<vmem>>
        %dma_start3A_394 = arith.constant 0 : i32
        %dma_start3A_395 = tpu.memref_slice %arg8[%run_scoped3A_368, %mul3A_337, %dma_start3A_394] : memref<2x16x128xi32, #tpu.memory_space<vmem>> -> memref<1x1x128xi32, #tpu.memory_space<vmem>>
        %dma_start3A_396 = tpu.memref_squeeze %dma_start3A_395 : memref<1x1x128xi32, #tpu.memory_space<vmem>> -> memref<128xi32, #tpu.memory_space<vmem>>
        %dma_start3A_397 = arith.constant 0 : i32
        %dma_start3A_398 = arith.constant 0 : i32
        %dma_start3A_399 = tpu.memref_slice %arg10[%dma_start3A_397, %dma_start3A_398] : memref<10240x128xf32, #tpu.memory_space<vmem_shared>> -> memref<10240x128xf32, #tpu.memory_space<vmem_shared>>
        tpu.enqueue_indirect_dma source(%dma_start3A_393 : memref<128x128xf32, #tpu.memory_space<vmem>>) target(%dma_start3A_399 : memref<10240x128xf32, #tpu.memory_space<vmem_shared>>) offsets(%dma_start3A_396 : memref<128xi32, #tpu.memory_space<vmem>>) semaphore(%run_scoped3A_389 : memref<!tpu.dma_semaphore, #tpu.memory_space<semaphore_mem>>) {add = true}
        %dma_wait3A_400 = arith.constant 0 : i32
        %dma_wait3A_401 = arith.constant 0 : i32
        %dma_wait3A_402 = tpu.memref_slice %arg9[%run_scoped3A_367, %dma_wait3A_400, %dma_wait3A_401] : memref<2x128x128xf32, #tpu.memory_space<vmem>> -> memref<1x128x128xf32, #tpu.memory_space<vmem>>
        %dma_wait3A_403 = tpu.memref_squeeze %dma_wait3A_402 : memref<1x128x128xf32, #tpu.memory_space<vmem>> -> memref<128x128xf32, #tpu.memory_space<vmem>>
        %dma_wait3A_404 = arith.constant 0 : i32
        %dma_wait3A_405 = tpu.memref_slice %arg8[%run_scoped3A_368, %mul3A_337, %dma_wait3A_404] : memref<2x16x128xi32, #tpu.memory_space<vmem>> -> memref<1x1x128xi32, #tpu.memory_space<vmem>>
        %dma_wait3A_406 = tpu.memref_squeeze %dma_wait3A_405 : memref<1x1x128xi32, #tpu.memory_space<vmem>> -> memref<128xi32, #tpu.memory_space<vmem>>
        %dma_wait3A_407 = arith.constant 0 : i32
        %dma_wait3A_408 = arith.constant 0 : i32
        %dma_wait3A_409 = tpu.memref_slice %arg10[%dma_wait3A_407, %dma_wait3A_408] : memref<10240x128xf32, #tpu.memory_space<vmem_shared>> -> memref<10240x128xf32, #tpu.memory_space<vmem_shared>>
        tpu.wait_indirect_dma semaphore(%run_scoped3A_389 : memref<!tpu.dma_semaphore, #tpu.memory_space<semaphore_mem>>) src(%dma_wait3A_403 : memref<128x128xf32, #tpu.memory_space<vmem>>) dst(%dma_wait3A_409 : memref<10240x128xf32, #tpu.memory_space<vmem_shared>>)
        tpu.yield
      }) : () -> ()
      %add3A_369 = arith.constant 1 : i32
      %add3A_370 = arith.addi %scan3A_335, %add3A_369 : i32
      %lt3A = arith.constant 8 : i32
      %lt3A_371 = arith.cmpi slt, %add3A_370, %lt3A : i32
      %convert_element_type3A = arith.extui %lt3A_371 : i1 to i32
      %cond3A = arith.constant 0 : i32
      %cond3A_372 = arith.cmpi ne, %convert_element_type3A, %cond3A : i32
      scf.if %cond3A_372 {
        %add3A_389 = arith.constant 2 : i32
        %add3A_390 = arith.addi %mul3A_337, %add3A_389 : i32
        %dma_start3A_391 = arith.constant 0 : i32
        %dma_start3A_392 = arith.constant 0 : i32
        %dma_start3A_393 = arith.constant 0 : i32
        %dma_start3A_394 = arith.constant 0 : i32
        %dma_start3A_395 = tpu.memref_slice %arg9[%dma_start3A_392, %dma_start3A_393, %dma_start3A_394] : memref<2x128x128xf32, #tpu.memory_space<vmem>> -> memref<1x128x128xf32, #tpu.memory_space<vmem>>
        %dma_start3A_396 = tpu.memref_squeeze %dma_start3A_395 : memref<1x128x128xf32, #tpu.memory_space<vmem>> -> memref<128x128xf32, #tpu.memory_space<vmem>>
        %dma_start3A_397 = arith.constant 0 : i32
        %dma_start3A_398 = tpu.memref_slice %arg7[%dma_start3A_391, %add3A_390, %dma_start3A_397] : memref<2x16x128xi32, #tpu.memory_space<vmem>> -> memref<1x1x128xi32, #tpu.memory_space<vmem>>
        %dma_start3A_399 = tpu.memref_squeeze %dma_start3A_398 : memref<1x1x128xi32, #tpu.memory_space<vmem>> -> memref<128xi32, #tpu.memory_space<vmem>>
        %dma_start3A_400 = arith.constant 0 : i32
        %dma_start3A_401 = arith.constant 0 : i32
        %dma_start3A_402 = tpu.memref_slice %arg2[%dma_start3A_400, %dma_start3A_401] : memref<10000x128xf32, #tpu.memory_space<hbm>> -> memref<10000x128xf32, #tpu.memory_space<hbm>>
        tpu.enqueue_indirect_dma source(%dma_start3A_402 : memref<10000x128xf32, #tpu.memory_space<hbm>>) target(%dma_start3A_396 : memref<128x128xf32, #tpu.memory_space<vmem>>) offsets(%dma_start3A_399 : memref<128xi32, #tpu.memory_space<vmem>>) semaphore(%arg11 : memref<!tpu.dma_semaphore, #tpu.memory_space<semaphore_mem>>)
      } else {
      }
      %dma_wait3A_373 = arith.constant 0 : i32
      %dma_wait3A_374 = arith.constant 1 : i32
      %dma_wait3A_375 = arith.constant 0 : i32
      %dma_wait3A_376 = arith.constant 0 : i32
      %dma_wait3A_377 = tpu.memref_slice %arg9[%dma_wait3A_374, %dma_wait3A_375, %dma_wait3A_376] : memref<2x128x128xf32, #tpu.memory_space<vmem>> -> memref<1x128x128xf32, #tpu.memory_space<vmem>>
      %dma_wait3A_378 = tpu.memref_squeeze %dma_wait3A_377 : memref<1x128x128xf32, #tpu.memory_space<vmem>> -> memref<128x128xf32, #tpu.memory_space<vmem>>
      %dma_wait3A_379 = arith.constant 0 : i32
      %dma_wait3A_380 = tpu.memref_slice %arg7[%dma_wait3A_373, %add3A_339, %dma_wait3A_379] : memref<2x16x128xi32, #tpu.memory_space<vmem>> -> memref<1x1x128xi32, #tpu.memory_space<vmem>>
      %dma_wait3A_381 = tpu.memref_squeeze %dma_wait3A_380 : memref<1x1x128xi32, #tpu.memory_space<vmem>> -> memref<128xi32, #tpu.memory_space<vmem>>
      %dma_wait3A_382 = arith.constant 0 : i32
      %dma_wait3A_383 = arith.constant 0 : i32
      %dma_wait3A_384 = tpu.memref_slice %arg2[%dma_wait3A_382, %dma_wait3A_383] : memref<10000x128xf32, #tpu.memory_space<hbm>> -> memref<10000x128xf32, #tpu.memory_space<hbm>>
      tpu.wait_indirect_dma semaphore(%arg12 : memref<!tpu.dma_semaphore, #tpu.memory_space<semaphore_mem>>) src(%dma_wait3A_384 : memref<10000x128xf32, #tpu.memory_space<hbm>>) dst(%dma_wait3A_378 : memref<128x128xf32, #tpu.memory_space<vmem>>)
      %add3A_385 = arith.constant 1 : i32
      %add3A_386 = arith.addi %mul3A_337, %add3A_385 : i32
      %run_scoped3A_387 = arith.constant 1 : i32
      %run_scoped3A_388 = arith.constant 0 : i32
      "tpu.region"() ({
        %run_scoped3A_389 = tpu.sem_alloc : memref<!tpu.dma_semaphore, #tpu.memory_space<semaphore_mem>>
        %dma_start3A_390 = arith.constant 0 : i32
        %dma_start3A_391 = arith.constant 0 : i32
        %dma_start3A_392 = tpu.memref_slice %arg9[%run_scoped3A_387, %dma_start3A_390, %dma_start3A_391] : memref<2x128x128xf32, #tpu.memory_space<vmem>> -> memref<1x128x128xf32, #tpu.memory_space<vmem>>
        %dma_start3A_393 = tpu.memref_squeeze %dma_start3A_392 : memref<1x128x128xf32, #tpu.memory_space<vmem>> -> memref<128x128xf32, #tpu.memory_space<vmem>>
        %dma_start3A_394 = arith.constant 0 : i32
        %dma_start3A_395 = tpu.memref_slice %arg8[%run_scoped3A_388, %add3A_386, %dma_start3A_394] : memref<2x16x128xi32, #tpu.memory_space<vmem>> -> memref<1x1x128xi32, #tpu.memory_space<vmem>>
        %dma_start3A_396 = tpu.memref_squeeze %dma_start3A_395 : memref<1x1x128xi32, #tpu.memory_space<vmem>> -> memref<128xi32, #tpu.memory_space<vmem>>
        %dma_start3A_397 = arith.constant 0 : i32
        %dma_start3A_398 = arith.constant 0 : i32
        %dma_start3A_399 = tpu.memref_slice %arg10[%dma_start3A_397, %dma_start3A_398] : memref<10240x128xf32, #tpu.memory_space<vmem_shared>> -> memref<10240x128xf32, #tpu.memory_space<vmem_shared>>
        tpu.enqueue_indirect_dma source(%dma_start3A_393 : memref<128x128xf32, #tpu.memory_space<vmem>>) target(%dma_start3A_399 : memref<10240x128xf32, #tpu.memory_space<vmem_shared>>) offsets(%dma_start3A_396 : memref<128xi32, #tpu.memory_space<vmem>>) semaphore(%run_scoped3A_389 : memref<!tpu.dma_semaphore, #tpu.memory_space<semaphore_mem>>) {add = true}
        %dma_wait3A_400 = arith.constant 0 : i32
        %dma_wait3A_401 = arith.constant 0 : i32
        %dma_wait3A_402 = tpu.memref_slice %arg9[%run_scoped3A_387, %dma_wait3A_400, %dma_wait3A_401] : memref<2x128x128xf32, #tpu.memory_space<vmem>> -> memref<1x128x128xf32, #tpu.memory_space<vmem>>
        %dma_wait3A_403 = tpu.memref_squeeze %dma_wait3A_402 : memref<1x128x128xf32, #tpu.memory_space<vmem>> -> memref<128x128xf32, #tpu.memory_space<vmem>>
        %dma_wait3A_404 = arith.constant 0 : i32
        %dma_wait3A_405 = tpu.memref_slice %arg8[%run_scoped3A_388, %add3A_386, %dma_wait3A_404] : memref<2x16x128xi32, #tpu.memory_space<vmem>> -> memref<1x1x128xi32, #tpu.memory_space<vmem>>
        %dma_wait3A_406 = tpu.memref_squeeze %dma_wait3A_405 : memref<1x1x128xi32, #tpu.memory_space<vmem>> -> memref<128xi32, #tpu.memory_space<vmem>>
        %dma_wait3A_407 = arith.constant 0 : i32
        %dma_wait3A_408 = arith.constant 0 : i32
        %dma_wait3A_409 = tpu.memref_slice %arg10[%dma_wait3A_407, %dma_wait3A_408] : memref<10240x128xf32, #tpu.memory_space<vmem_shared>> -> memref<10240x128xf32, #tpu.memory_space<vmem_shared>>
        tpu.wait_indirect_dma semaphore(%run_scoped3A_389 : memref<!tpu.dma_semaphore, #tpu.memory_space<semaphore_mem>>) src(%dma_wait3A_403 : memref<128x128xf32, #tpu.memory_space<vmem>>) dst(%dma_wait3A_409 : memref<10240x128xf32, #tpu.memory_space<vmem_shared>>)
        tpu.yield
      }) : () -> ()
    }
    %scan3A_203 = arith.constant 8 : i32
    %dma_wait3A_204 = arith.constant 1 : i32
    %dma_wait3A_205 = arith.constant 0 : i32
    %dma_wait3A_206 = arith.constant 0 : i32
    %dma_wait3A_207 = tpu.memref_slice %arg7[%dma_wait3A_204, %dma_wait3A_205, %dma_wait3A_206] : memref<2x16x128xi32, #tpu.memory_space<vmem>> -> memref<1x16x128xi32, #tpu.memory_space<vmem>>
    %dma_wait3A_208 = tpu.memref_squeeze %dma_wait3A_207 : memref<1x16x128xi32, #tpu.memory_space<vmem>> -> memref<16x128xi32, #tpu.memory_space<vmem>>
    %dma_wait3A_209 = arith.constant 0 : i32
    %dma_wait3A_210 = arith.constant 0 : i32
    %dma_wait3A_211 = tpu.memref_slice %arg3[%dma_wait3A_209, %dma_wait3A_210] : memref<2560x128xi32, #tpu.memory_space<hbm>> -> memref<16x128xi32, #tpu.memory_space<hbm>>
    %dma_wait3A_212 = arith.constant 0 : i32
    %dma_wait3A_213 = arith.constant 0 : i32
    %dma_wait3A_214 = tpu.memref_slice %arg7[%dma_wait3A_204, %dma_wait3A_212, %dma_wait3A_213] : memref<2x16x128xi32, #tpu.memory_space<vmem>> -> memref<1x16x128xi32, #tpu.memory_space<vmem>>
    %dma_wait3A_215 = tpu.memref_squeeze %dma_wait3A_214 : memref<1x16x128xi32, #tpu.memory_space<vmem>> -> memref<16x128xi32, #tpu.memory_space<vmem>>
    %dma_wait3A_216 = arith.constant 0 : i32
    %dma_wait3A_217 = arith.constant 0 : i32
    %dma_wait3A_218 = tpu.memref_slice %arg3[%dma_wait3A_216, %dma_wait3A_217] : memref<2560x128xi32, #tpu.memory_space<hbm>> -> memref<16x128xi32, #tpu.memory_space<hbm>>
    tpu.wait_dma2 semaphore(%arg13 : memref<!tpu.dma_semaphore, #tpu.memory_space<semaphore_mem>>) src(%dma_wait3A_218 : memref<16x128xi32, #tpu.memory_space<hbm>>) dst(%dma_wait3A_215 : memref<16x128xi32, #tpu.memory_space<vmem>>)
    %dma_wait3A_219 = arith.constant 1 : i32
    %dma_wait3A_220 = arith.constant 0 : i32
    %dma_wait3A_221 = arith.constant 0 : i32
    %dma_wait3A_222 = tpu.memref_slice %arg8[%dma_wait3A_219, %dma_wait3A_220, %dma_wait3A_221] : memref<2x16x128xi32, #tpu.memory_space<vmem>> -> memref<1x16x128xi32, #tpu.memory_space<vmem>>
    %dma_wait3A_223 = tpu.memref_squeeze %dma_wait3A_222 : memref<1x16x128xi32, #tpu.memory_space<vmem>> -> memref<16x128xi32, #tpu.memory_space<vmem>>
    %dma_wait3A_224 = arith.constant 0 : i32
    %dma_wait3A_225 = arith.constant 0 : i32
    %dma_wait3A_226 = tpu.memref_slice %arg4[%dma_wait3A_224, %dma_wait3A_225] : memref<2560x128xi32, #tpu.memory_space<hbm>> -> memref<16x128xi32, #tpu.memory_space<hbm>>
    %dma_wait3A_227 = arith.constant 0 : i32
    %dma_wait3A_228 = arith.constant 0 : i32
    %dma_wait3A_229 = tpu.memref_slice %arg8[%dma_wait3A_219, %dma_wait3A_227, %dma_wait3A_228] : memref<2x16x128xi32, #tpu.memory_space<vmem>> -> memref<1x16x128xi32, #tpu.memory_space<vmem>>
    %dma_wait3A_230 = tpu.memref_squeeze %dma_wait3A_229 : memref<1x16x128xi32, #tpu.memory_space<vmem>> -> memref<16x128xi32, #tpu.memory_space<vmem>>
    %dma_wait3A_231 = arith.constant 0 : i32
    %dma_wait3A_232 = arith.constant 0 : i32
    %dma_wait3A_233 = tpu.memref_slice %arg4[%dma_wait3A_231, %dma_wait3A_232] : memref<2560x128xi32, #tpu.memory_space<hbm>> -> memref<16x128xi32, #tpu.memory_space<hbm>>
    tpu.wait_dma2 semaphore(%arg13 : memref<!tpu.dma_semaphore, #tpu.memory_space<semaphore_mem>>) src(%dma_wait3A_233 : memref<16x128xi32, #tpu.memory_space<hbm>>) dst(%dma_wait3A_230 : memref<16x128xi32, #tpu.memory_space<vmem>>)
    %add3A_234 = arith.constant 64 : i32
    %add3A_235 = arith.addi %mul3A_2, %add3A_234 : i32
    %dma_start3A_236 = arith.constant 0 : i32
    %dma_start3A_237 = arith.constant 0 : i32
    %dma_start3A_238 = arith.constant 0 : i32
    %dma_start3A_239 = tpu.memref_slice %arg7[%dma_start3A_236, %dma_start3A_237, %dma_start3A_238] : memref<2x16x128xi32, #tpu.memory_space<vmem>> -> memref<1x16x128xi32, #tpu.memory_space<vmem>>
    %dma_start3A_240 = tpu.memref_squeeze %dma_start3A_239 : memref<1x16x128xi32, #tpu.memory_space<vmem>> -> memref<16x128xi32, #tpu.memory_space<vmem>>
    %dma_start3A_241 = arith.constant 0 : i32
    %dma_start3A_242 = tpu.memref_slice %arg3[%add3A_235, %dma_start3A_241] : memref<2560x128xi32, #tpu.memory_space<hbm>> -> memref<16x128xi32, #tpu.memory_space<hbm>>
    %dma_start3A_243 = arith.constant 0 : i32
    %dma_start3A_244 = arith.constant 0 : i32
    %dma_start3A_245 = tpu.memref_slice %arg7[%dma_start3A_236, %dma_start3A_243, %dma_start3A_244] : memref<2x16x128xi32, #tpu.memory_space<vmem>> -> memref<1x16x128xi32, #tpu.memory_space<vmem>>
    %dma_start3A_246 = tpu.memref_squeeze %dma_start3A_245 : memref<1x16x128xi32, #tpu.memory_space<vmem>> -> memref<16x128xi32, #tpu.memory_space<vmem>>
    %dma_start3A_247 = arith.constant 0 : i32
    %dma_start3A_248 = tpu.memref_slice %arg3[%add3A_235, %dma_start3A_247] : memref<2560x128xi32, #tpu.memory_space<hbm>> -> memref<16x128xi32, #tpu.memory_space<hbm>>
    tpu.enqueue_dma source(%dma_start3A_248 : memref<16x128xi32, #tpu.memory_space<hbm>>) target(%dma_start3A_246 : memref<16x128xi32, #tpu.memory_space<vmem>>) target_semaphore(%arg13 : memref<!tpu.dma_semaphore, #tpu.memory_space<semaphore_mem>>)
    %dma_start3A_249 = arith.constant 0 : i32
    %dma_start3A_250 = arith.constant 0 : i32
    %dma_start3A_251 = arith.constant 0 : i32
    %dma_start3A_252 = tpu.memref_slice %arg8[%dma_start3A_249, %dma_start3A_250, %dma_start3A_251] : memref<2x16x128xi32, #tpu.memory_space<vmem>> -> memref<1x16x128xi32, #tpu.memory_space<vmem>>
    %dma_start3A_253 = tpu.memref_squeeze %dma_start3A_252 : memref<1x16x128xi32, #tpu.memory_space<vmem>> -> memref<16x128xi32, #tpu.memory_space<vmem>>
    %dma_start3A_254 = arith.constant 0 : i32
    %dma_start3A_255 = tpu.memref_slice %arg4[%add3A_235, %dma_start3A_254] : memref<2560x128xi32, #tpu.memory_space<hbm>> -> memref<16x128xi32, #tpu.memory_space<hbm>>
    %dma_start3A_256 = arith.constant 0 : i32
    %dma_start3A_257 = arith.constant 0 : i32
    %dma_start3A_258 = tpu.memref_slice %arg8[%dma_start3A_249, %dma_start3A_256, %dma_start3A_257] : memref<2x16x128xi32, #tpu.memory_space<vmem>> -> memref<1x16x128xi32, #tpu.memory_space<vmem>>
    %dma_start3A_259 = tpu.memref_squeeze %dma_start3A_258 : memref<1x16x128xi32, #tpu.memory_space<vmem>> -> memref<16x128xi32, #tpu.memory_space<vmem>>
    %dma_start3A_260 = arith.constant 0 : i32
    %dma_start3A_261 = tpu.memref_slice %arg4[%add3A_235, %dma_start3A_260] : memref<2560x128xi32, #tpu.memory_space<hbm>> -> memref<16x128xi32, #tpu.memory_space<hbm>>
    tpu.enqueue_dma source(%dma_start3A_261 : memref<16x128xi32, #tpu.memory_space<hbm>>) target(%dma_start3A_259 : memref<16x128xi32, #tpu.memory_space<vmem>>) target_semaphore(%arg13 : memref<!tpu.dma_semaphore, #tpu.memory_space<semaphore_mem>>)
    %dma_start3A_262 = arith.constant 1 : i32
    %dma_start3A_263 = arith.constant 0 : i32
    %dma_start3A_264 = arith.constant 0 : i32
    %dma_start3A_265 = arith.constant 0 : i32
    %dma_start3A_266 = arith.constant 0 : i32
    %dma_start3A_267 = tpu.memref_slice %arg9[%dma_start3A_264, %dma_start3A_265, %dma_start3A_266] : memref<2x128x128xf32, #tpu.memory_space<vmem>> -> memref<1x128x128xf32, #tpu.memory_space<vmem>>
    %dma_start3A_268 = tpu.memref_squeeze %dma_start3A_267 : memref<1x128x128xf32, #tpu.memory_space<vmem>> -> memref<128x128xf32, #tpu.memory_space<vmem>>
    %dma_start3A_269 = arith.constant 0 : i32
    %dma_start3A_270 = tpu.memref_slice %arg7[%dma_start3A_262, %dma_start3A_263, %dma_start3A_269] : memref<2x16x128xi32, #tpu.memory_space<vmem>> -> memref<1x1x128xi32, #tpu.memory_space<vmem>>
    %dma_start3A_271 = tpu.memref_squeeze %dma_start3A_270 : memref<1x1x128xi32, #tpu.memory_space<vmem>> -> memref<128xi32, #tpu.memory_space<vmem>>
    %dma_start3A_272 = arith.constant 0 : i32
    %dma_start3A_273 = arith.constant 0 : i32
    %dma_start3A_274 = tpu.memref_slice %arg2[%dma_start3A_272, %dma_start3A_273] : memref<10000x128xf32, #tpu.memory_space<hbm>> -> memref<10000x128xf32, #tpu.memory_space<hbm>>
    tpu.enqueue_indirect_dma source(%dma_start3A_274 : memref<10000x128xf32, #tpu.memory_space<hbm>>) target(%dma_start3A_268 : memref<128x128xf32, #tpu.memory_space<vmem>>) offsets(%dma_start3A_271 : memref<128xi32, #tpu.memory_space<vmem>>) semaphore(%arg11 : memref<!tpu.dma_semaphore, #tpu.memory_space<semaphore_mem>>)
    %scan3A_275 = arith.constant 0 : i32
    %scan3A_276 = arith.constant 0 : i32
    %scan3A_277 = arith.constant 8 : i32
    %scan3A_278 = arith.addi %scan3A_276, %scan3A_277 : i32
    %scan3A_279 = arith.constant 1 : i32
    scf.for %scan3A_335 = %scan3A_276 to %scan3A_278 step %scan3A_279  : i32 {
      %mul3A_336 = arith.constant 2 : i32
      %mul3A_337 = arith.muli %mul3A_336, %scan3A_335 : i32
      %add3A_338 = arith.constant 1 : i32
      %add3A_339 = arith.addi %mul3A_337, %add3A_338 : i32
      %dma_start3A_340 = arith.constant 1 : i32
      %dma_start3A_341 = arith.constant 1 : i32
      %dma_start3A_342 = arith.constant 0 : i32
      %dma_start3A_343 = arith.constant 0 : i32
      %dma_start3A_344 = tpu.memref_slice %arg9[%dma_start3A_341, %dma_start3A_342, %dma_start3A_343] : memref<2x128x128xf32, #tpu.memory_space<vmem>> -> memref<1x128x128xf32, #tpu.memory_space<vmem>>
      %dma_start3A_345 = tpu.memref_squeeze %dma_start3A_344 : memref<1x128x128xf32, #tpu.memory_space<vmem>> -> memref<128x128xf32, #tpu.memory_space<vmem>>
      %dma_start3A_346 = arith.constant 0 : i32
      %dma_start3A_347 = tpu.memref_slice %arg7[%dma_start3A_340, %add3A_339, %dma_start3A_346] : memref<2x16x128xi32, #tpu.memory_space<vmem>> -> memref<1x1x128xi32, #tpu.memory_space<vmem>>
      %dma_start3A_348 = tpu.memref_squeeze %dma_start3A_347 : memref<1x1x128xi32, #tpu.memory_space<vmem>> -> memref<128xi32, #tpu.memory_space<vmem>>
      %dma_start3A_349 = arith.constant 0 : i32
      %dma_start3A_350 = arith.constant 0 : i32
      %dma_start3A_351 = tpu.memref_slice %arg2[%dma_start3A_349, %dma_start3A_350] : memref<10000x128xf32, #tpu.memory_space<hbm>> -> memref<10000x128xf32, #tpu.memory_space<hbm>>
      tpu.enqueue_indirect_dma source(%dma_start3A_351 : memref<10000x128xf32, #tpu.memory_space<hbm>>) target(%dma_start3A_345 : memref<128x128xf32, #tpu.memory_space<vmem>>) offsets(%dma_start3A_348 : memref<128xi32, #tpu.memory_space<vmem>>) semaphore(%arg12 : memref<!tpu.dma_semaphore, #tpu.memory_space<semaphore_mem>>)
      %dma_wait3A_352 = arith.constant 0 : i32
      %dma_wait3A_353 = arith.constant 0 : i32
      %dma_wait3A_354 = arith.constant 0 : i32
      %dma_wait3A_355 = tpu.memref_slice %arg9[%dma_wait3A_352, %dma_wait3A_353, %dma_wait3A_354] : memref<2x128x128xf32, #tpu.memory_space<vmem>> -> memref<1x128x128xf32, #tpu.memory_space<vmem>>
      %dma_wait3A_356 = tpu.memref_squeeze %dma_wait3A_355 : memref<1x128x128xf32, #tpu.memory_space<vmem>> -> memref<128x128xf32, #tpu.memory_space<vmem>>
      %dma_wait3A_357 = arith.constant 0 : i32
      %dma_wait3A_358 = arith.constant 0 : i32
      %dma_wait3A_359 = tpu.memref_slice %arg2[%dma_wait3A_357, %dma_wait3A_358] : memref<10000x128xf32, #tpu.memory_space<hbm>> -> memref<128x128xf32, #tpu.memory_space<hbm>>
      %dma_wait3A_360 = arith.constant 0 : i32
      %dma_wait3A_361 = arith.constant 0 : i32
      %dma_wait3A_362 = tpu.memref_slice %arg9[%dma_wait3A_352, %dma_wait3A_360, %dma_wait3A_361] : memref<2x128x128xf32, #tpu.memory_space<vmem>> -> memref<1x128x128xf32, #tpu.memory_space<vmem>>
      %dma_wait3A_363 = tpu.memref_squeeze %dma_wait3A_362 : memref<1x128x128xf32, #tpu.memory_space<vmem>> -> memref<128x128xf32, #tpu.memory_space<vmem>>
      %dma_wait3A_364 = arith.constant 0 : i32
      %dma_wait3A_365 = arith.constant 0 : i32
      %dma_wait3A_366 = tpu.memref_slice %arg2[%dma_wait3A_364, %dma_wait3A_365] : memref<10000x128xf32, #tpu.memory_space<hbm>> -> memref<128x128xf32, #tpu.memory_space<hbm>>
      tpu.wait_dma2 semaphore(%arg11 : memref<!tpu.dma_semaphore, #tpu.memory_space<semaphore_mem>>) src(%dma_wait3A_366 : memref<128x128xf32, #tpu.memory_space<hbm>>) dst(%dma_wait3A_363 : memref<128x128xf32, #tpu.memory_space<vmem>>)
      %run_scoped3A_367 = arith.constant 0 : i32
      %run_scoped3A_368 = arith.constant 1 : i32
      "tpu.region"() ({
        %run_scoped3A_389 = tpu.sem_alloc : memref<!tpu.dma_semaphore, #tpu.memory_space<semaphore_mem>>
        %dma_start3A_390 = arith.constant 0 : i32
        %dma_start3A_391 = arith.constant 0 : i32
        %dma_start3A_392 = tpu.memref_slice %arg9[%run_scoped3A_367, %dma_start3A_390, %dma_start3A_391] : memref<2x128x128xf32, #tpu.memory_space<vmem>> -> memref<1x128x128xf32, #tpu.memory_space<vmem>>
        %dma_start3A_393 = tpu.memref_squeeze %dma_start3A_392 : memref<1x128x128xf32, #tpu.memory_space<vmem>> -> memref<128x128xf32, #tpu.memory_space<vmem>>
        %dma_start3A_394 = arith.constant 0 : i32
        %dma_start3A_395 = tpu.memref_slice %arg8[%run_scoped3A_368, %mul3A_337, %dma_start3A_394] : memref<2x16x128xi32, #tpu.memory_space<vmem>> -> memref<1x1x128xi32, #tpu.memory_space<vmem>>
        %dma_start3A_396 = tpu.memref_squeeze %dma_start3A_395 : memref<1x1x128xi32, #tpu.memory_space<vmem>> -> memref<128xi32, #tpu.memory_space<vmem>>
        %dma_start3A_397 = arith.constant 0 : i32
        %dma_start3A_398 = arith.constant 0 : i32
        %dma_start3A_399 = tpu.memref_slice %arg10[%dma_start3A_397, %dma_start3A_398] : memref<10240x128xf32, #tpu.memory_space<vmem_shared>> -> memref<10240x128xf32, #tpu.memory_space<vmem_shared>>
        tpu.enqueue_indirect_dma source(%dma_start3A_393 : memref<128x128xf32, #tpu.memory_space<vmem>>) target(%dma_start3A_399 : memref<10240x128xf32, #tpu.memory_space<vmem_shared>>) offsets(%dma_start3A_396 : memref<128xi32, #tpu.memory_space<vmem>>) semaphore(%run_scoped3A_389 : memref<!tpu.dma_semaphore, #tpu.memory_space<semaphore_mem>>) {add = true}
        %dma_wait3A_400 = arith.constant 0 : i32
        %dma_wait3A_401 = arith.constant 0 : i32
        %dma_wait3A_402 = tpu.memref_slice %arg9[%run_scoped3A_367, %dma_wait3A_400, %dma_wait3A_401] : memref<2x128x128xf32, #tpu.memory_space<vmem>> -> memref<1x128x128xf32, #tpu.memory_space<vmem>>
        %dma_wait3A_403 = tpu.memref_squeeze %dma_wait3A_402 : memref<1x128x128xf32, #tpu.memory_space<vmem>> -> memref<128x128xf32, #tpu.memory_space<vmem>>
        %dma_wait3A_404 = arith.constant 0 : i32
        %dma_wait3A_405 = tpu.memref_slice %arg8[%run_scoped3A_368, %mul3A_337, %dma_wait3A_404] : memref<2x16x128xi32, #tpu.memory_space<vmem>> -> memref<1x1x128xi32, #tpu.memory_space<vmem>>
        %dma_wait3A_406 = tpu.memref_squeeze %dma_wait3A_405 : memref<1x1x128xi32, #tpu.memory_space<vmem>> -> memref<128xi32, #tpu.memory_space<vmem>>
        %dma_wait3A_407 = arith.constant 0 : i32
        %dma_wait3A_408 = arith.constant 0 : i32
        %dma_wait3A_409 = tpu.memref_slice %arg10[%dma_wait3A_407, %dma_wait3A_408] : memref<10240x128xf32, #tpu.memory_space<vmem_shared>> -> memref<10240x128xf32, #tpu.memory_space<vmem_shared>>
        tpu.wait_indirect_dma semaphore(%run_scoped3A_389 : memref<!tpu.dma_semaphore, #tpu.memory_space<semaphore_mem>>) src(%dma_wait3A_403 : memref<128x128xf32, #tpu.memory_space<vmem>>) dst(%dma_wait3A_409 : memref<10240x128xf32, #tpu.memory_space<vmem_shared>>)
        tpu.yield
      }) : () -> ()
      %add3A_369 = arith.constant 1 : i32
      %add3A_370 = arith.addi %scan3A_335, %add3A_369 : i32
      %lt3A = arith.constant 8 : i32
      %lt3A_371 = arith.cmpi slt, %add3A_370, %lt3A : i32
      %convert_element_type3A = arith.extui %lt3A_371 : i1 to i32
      %cond3A = arith.constant 0 : i32
      %cond3A_372 = arith.cmpi ne, %convert_element_type3A, %cond3A : i32
      scf.if %cond3A_372 {
        %add3A_389 = arith.constant 2 : i32
        %add3A_390 = arith.addi %mul3A_337, %add3A_389 : i32
        %dma_start3A_391 = arith.constant 1 : i32
        %dma_start3A_392 = arith.constant 0 : i32
        %dma_start3A_393 = arith.constant 0 : i32
        %dma_start3A_394 = arith.constant 0 : i32
        %dma_start3A_395 = tpu.memref_slice %arg9[%dma_start3A_392, %dma_start3A_393, %dma_start3A_394] : memref<2x128x128xf32, #tpu.memory_space<vmem>> -> memref<1x128x128xf32, #tpu.memory_space<vmem>>
        %dma_start3A_396 = tpu.memref_squeeze %dma_start3A_395 : memref<1x128x128xf32, #tpu.memory_space<vmem>> -> memref<128x128xf32, #tpu.memory_space<vmem>>
        %dma_start3A_397 = arith.constant 0 : i32
        %dma_start3A_398 = tpu.memref_slice %arg7[%dma_start3A_391, %add3A_390, %dma_start3A_397] : memref<2x16x128xi32, #tpu.memory_space<vmem>> -> memref<1x1x128xi32, #tpu.memory_space<vmem>>
        %dma_start3A_399 = tpu.memref_squeeze %dma_start3A_398 : memref<1x1x128xi32, #tpu.memory_space<vmem>> -> memref<128xi32, #tpu.memory_space<vmem>>
        %dma_start3A_400 = arith.constant 0 : i32
        %dma_start3A_401 = arith.constant 0 : i32
        %dma_start3A_402 = tpu.memref_slice %arg2[%dma_start3A_400, %dma_start3A_401] : memref<10000x128xf32, #tpu.memory_space<hbm>> -> memref<10000x128xf32, #tpu.memory_space<hbm>>
        tpu.enqueue_indirect_dma source(%dma_start3A_402 : memref<10000x128xf32, #tpu.memory_space<hbm>>) target(%dma_start3A_396 : memref<128x128xf32, #tpu.memory_space<vmem>>) offsets(%dma_start3A_399 : memref<128xi32, #tpu.memory_space<vmem>>) semaphore(%arg11 : memref<!tpu.dma_semaphore, #tpu.memory_space<semaphore_mem>>)
      } else {
      }
      %dma_wait3A_373 = arith.constant 1 : i32
      %dma_wait3A_374 = arith.constant 1 : i32
      %dma_wait3A_375 = arith.constant 0 : i32
      %dma_wait3A_376 = arith.constant 0 : i32
      %dma_wait3A_377 = tpu.memref_slice %arg9[%dma_wait3A_374, %dma_wait3A_375, %dma_wait3A_376] : memref<2x128x128xf32, #tpu.memory_space<vmem>> -> memref<1x128x128xf32, #tpu.memory_space<vmem>>
      %dma_wait3A_378 = tpu.memref_squeeze %dma_wait3A_377 : memref<1x128x128xf32, #tpu.memory_space<vmem>> -> memref<128x128xf32, #tpu.memory_space<vmem>>
      %dma_wait3A_379 = arith.constant 0 : i32
      %dma_wait3A_380 = tpu.memref_slice %arg7[%dma_wait3A_373, %add3A_339, %dma_wait3A_379] : memref<2x16x128xi32, #tpu.memory_space<vmem>> -> memref<1x1x128xi32, #tpu.memory_space<vmem>>
      %dma_wait3A_381 = tpu.memref_squeeze %dma_wait3A_380 : memref<1x1x128xi32, #tpu.memory_space<vmem>> -> memref<128xi32, #tpu.memory_space<vmem>>
      %dma_wait3A_382 = arith.constant 0 : i32
      %dma_wait3A_383 = arith.constant 0 : i32
      %dma_wait3A_384 = tpu.memref_slice %arg2[%dma_wait3A_382, %dma_wait3A_383] : memref<10000x128xf32, #tpu.memory_space<hbm>> -> memref<10000x128xf32, #tpu.memory_space<hbm>>
      tpu.wait_indirect_dma semaphore(%arg12 : memref<!tpu.dma_semaphore, #tpu.memory_space<semaphore_mem>>) src(%dma_wait3A_384 : memref<10000x128xf32, #tpu.memory_space<hbm>>) dst(%dma_wait3A_378 : memref<128x128xf32, #tpu.memory_space<vmem>>)
      %add3A_385 = arith.constant 1 : i32
      %add3A_386 = arith.addi %mul3A_337, %add3A_385 : i32
      %run_scoped3A_387 = arith.constant 1 : i32
      %run_scoped3A_388 = arith.constant 1 : i32
      "tpu.region"() ({
        %run_scoped3A_389 = tpu.sem_alloc : memref<!tpu.dma_semaphore, #tpu.memory_space<semaphore_mem>>
        %dma_start3A_390 = arith.constant 0 : i32
        %dma_start3A_391 = arith.constant 0 : i32
        %dma_start3A_392 = tpu.memref_slice %arg9[%run_scoped3A_387, %dma_start3A_390, %dma_start3A_391] : memref<2x128x128xf32, #tpu.memory_space<vmem>> -> memref<1x128x128xf32, #tpu.memory_space<vmem>>
        %dma_start3A_393 = tpu.memref_squeeze %dma_start3A_392 : memref<1x128x128xf32, #tpu.memory_space<vmem>> -> memref<128x128xf32, #tpu.memory_space<vmem>>
        %dma_start3A_394 = arith.constant 0 : i32
        %dma_start3A_395 = tpu.memref_slice %arg8[%run_scoped3A_388, %add3A_386, %dma_start3A_394] : memref<2x16x128xi32, #tpu.memory_space<vmem>> -> memref<1x1x128xi32, #tpu.memory_space<vmem>>
        %dma_start3A_396 = tpu.memref_squeeze %dma_start3A_395 : memref<1x1x128xi32, #tpu.memory_space<vmem>> -> memref<128xi32, #tpu.memory_space<vmem>>
        %dma_start3A_397 = arith.constant 0 : i32
        %dma_start3A_398 = arith.constant 0 : i32
        %dma_start3A_399 = tpu.memref_slice %arg10[%dma_start3A_397, %dma_start3A_398] : memref<10240x128xf32, #tpu.memory_space<vmem_shared>> -> memref<10240x128xf32, #tpu.memory_space<vmem_shared>>
        tpu.enqueue_indirect_dma source(%dma_start3A_393 : memref<128x128xf32, #tpu.memory_space<vmem>>) target(%dma_start3A_399 : memref<10240x128xf32, #tpu.memory_space<vmem_shared>>) offsets(%dma_start3A_396 : memref<128xi32, #tpu.memory_space<vmem>>) semaphore(%run_scoped3A_389 : memref<!tpu.dma_semaphore, #tpu.memory_space<semaphore_mem>>) {add = true}
        %dma_wait3A_400 = arith.constant 0 : i32
        %dma_wait3A_401 = arith.constant 0 : i32
        %dma_wait3A_402 = tpu.memref_slice %arg9[%run_scoped3A_387, %dma_wait3A_400, %dma_wait3A_401] : memref<2x128x128xf32, #tpu.memory_space<vmem>> -> memref<1x128x128xf32, #tpu.memory_space<vmem>>
        %dma_wait3A_403 = tpu.memref_squeeze %dma_wait3A_402 : memref<1x128x128xf32, #tpu.memory_space<vmem>> -> memref<128x128xf32, #tpu.memory_space<vmem>>
        %dma_wait3A_404 = arith.constant 0 : i32
        %dma_wait3A_405 = tpu.memref_slice %arg8[%run_scoped3A_388, %add3A_386, %dma_wait3A_404] : memref<2x16x128xi32, #tpu.memory_space<vmem>> -> memref<1x1x128xi32, #tpu.memory_space<vmem>>
        %dma_wait3A_406 = tpu.memref_squeeze %dma_wait3A_405 : memref<1x1x128xi32, #tpu.memory_space<vmem>> -> memref<128xi32, #tpu.memory_space<vmem>>
        %dma_wait3A_407 = arith.constant 0 : i32
        %dma_wait3A_408 = arith.constant 0 : i32
        %dma_wait3A_409 = tpu.memref_slice %arg10[%dma_wait3A_407, %dma_wait3A_408] : memref<10240x128xf32, #tpu.memory_space<vmem_shared>> -> memref<10240x128xf32, #tpu.memory_space<vmem_shared>>
        tpu.wait_indirect_dma semaphore(%run_scoped3A_389 : memref<!tpu.dma_semaphore, #tpu.memory_space<semaphore_mem>>) src(%dma_wait3A_403 : memref<128x128xf32, #tpu.memory_space<vmem>>) dst(%dma_wait3A_409 : memref<10240x128xf32, #tpu.memory_space<vmem_shared>>)
        tpu.yield
      }) : () -> ()
    }
    %scan3A_280 = arith.constant 8 : i32
    %dma_wait3A_281 = arith.constant 0 : i32
    %dma_wait3A_282 = arith.constant 0 : i32
    %dma_wait3A_283 = arith.constant 0 : i32
    %dma_wait3A_284 = tpu.memref_slice %arg7[%dma_wait3A_281, %dma_wait3A_282, %dma_wait3A_283] : memref<2x16x128xi32, #tpu.memory_space<vmem>> -> memref<1x16x128xi32, #tpu.memory_space<vmem>>
    %dma_wait3A_285 = tpu.memref_squeeze %dma_wait3A_284 : memref<1x16x128xi32, #tpu.memory_space<vmem>> -> memref<16x128xi32, #tpu.memory_space<vmem>>
    %dma_wait3A_286 = arith.constant 0 : i32
    %dma_wait3A_287 = arith.constant 0 : i32
    %dma_wait3A_288 = tpu.memref_slice %arg3[%dma_wait3A_286, %dma_wait3A_287] : memref<2560x128xi32, #tpu.memory_space<hbm>> -> memref<16x128xi32, #tpu.memory_space<hbm>>
    %dma_wait3A_289 = arith.constant 0 : i32
    %dma_wait3A_290 = arith.constant 0 : i32
    %dma_wait3A_291 = tpu.memref_slice %arg7[%dma_wait3A_281, %dma_wait3A_289, %dma_wait3A_290] : memref<2x16x128xi32, #tpu.memory_space<vmem>> -> memref<1x16x128xi32, #tpu.memory_space<vmem>>
    %dma_wait3A_292 = tpu.memref_squeeze %dma_wait3A_291 : memref<1x16x128xi32, #tpu.memory_space<vmem>> -> memref<16x128xi32, #tpu.memory_space<vmem>>
    %dma_wait3A_293 = arith.constant 0 : i32
    %dma_wait3A_294 = arith.constant 0 : i32
    %dma_wait3A_295 = tpu.memref_slice %arg3[%dma_wait3A_293, %dma_wait3A_294] : memref<2560x128xi32, #tpu.memory_space<hbm>> -> memref<16x128xi32, #tpu.memory_space<hbm>>
    tpu.wait_dma2 semaphore(%arg13 : memref<!tpu.dma_semaphore, #tpu.memory_space<semaphore_mem>>) src(%dma_wait3A_295 : memref<16x128xi32, #tpu.memory_space<hbm>>) dst(%dma_wait3A_292 : memref<16x128xi32, #tpu.memory_space<vmem>>)
    %dma_wait3A_296 = arith.constant 0 : i32
    %dma_wait3A_297 = arith.constant 0 : i32
    %dma_wait3A_298 = arith.constant 0 : i32
    %dma_wait3A_299 = tpu.memref_slice %arg8[%dma_wait3A_296, %dma_wait3A_297, %dma_wait3A_298] : memref<2x16x128xi32, #tpu.memory_space<vmem>> -> memref<1x16x128xi32, #tpu.memory_space<vmem>>
    %dma_wait3A_300 = tpu.memref_squeeze %dma_wait3A_299 : memref<1x16x128xi32, #tpu.memory_space<vmem>> -> memref<16x128xi32, #tpu.memory_space<vmem>>
    %dma_wait3A_301 = arith.constant 0 : i32
    %dma_wait3A_302 = arith.constant 0 : i32
    %dma_wait3A_303 = tpu.memref_slice %arg4[%dma_wait3A_301, %dma_wait3A_302] : memref<2560x128xi32, #tpu.memory_space<hbm>> -> memref<16x128xi32, #tpu.memory_space<hbm>>
    %dma_wait3A_304 = arith.constant 0 : i32
    %dma_wait3A_305 = arith.constant 0 : i32
    %dma_wait3A_306 = tpu.memref_slice %arg8[%dma_wait3A_296, %dma_wait3A_304, %dma_wait3A_305] : memref<2x16x128xi32, #tpu.memory_space<vmem>> -> memref<1x16x128xi32, #tpu.memory_space<vmem>>
    %dma_wait3A_307 = tpu.memref_squeeze %dma_wait3A_306 : memref<1x16x128xi32, #tpu.memory_space<vmem>> -> memref<16x128xi32, #tpu.memory_space<vmem>>
    %dma_wait3A_308 = arith.constant 0 : i32
    %dma_wait3A_309 = arith.constant 0 : i32
    %dma_wait3A_310 = tpu.memref_slice %arg4[%dma_wait3A_308, %dma_wait3A_309] : memref<2560x128xi32, #tpu.memory_space<hbm>> -> memref<16x128xi32, #tpu.memory_space<hbm>>
    tpu.wait_dma2 semaphore(%arg13 : memref<!tpu.dma_semaphore, #tpu.memory_space<semaphore_mem>>) src(%dma_wait3A_310 : memref<16x128xi32, #tpu.memory_space<hbm>>) dst(%dma_wait3A_307 : memref<16x128xi32, #tpu.memory_space<vmem>>)
    %dma_start3A_311 = arith.constant 0 : i32
    %dma_start3A_312 = arith.constant 0 : i32
    %dma_start3A_313 = arith.constant 0 : i32
    %dma_start3A_314 = arith.constant 0 : i32
    %dma_start3A_315 = arith.constant 0 : i32
    %dma_start3A_316 = tpu.memref_slice %arg9[%dma_start3A_313, %dma_start3A_314, %dma_start3A_315] : memref<2x128x128xf32, #tpu.memory_space<vmem>> -> memref<1x128x128xf32, #tpu.memory_space<vmem>>
    %dma_start3A_317 = tpu.memref_squeeze %dma_start3A_316 : memref<1x128x128xf32, #tpu.memory_space<vmem>> -> memref<128x128xf32, #tpu.memory_space<vmem>>
    %dma_start3A_318 = arith.constant 0 : i32
    %dma_start3A_319 = tpu.memref_slice %arg7[%dma_start3A_311, %dma_start3A_312, %dma_start3A_318] : memref<2x16x128xi32, #tpu.memory_space<vmem>> -> memref<1x1x128xi32, #tpu.memory_space<vmem>>
    %dma_start3A_320 = tpu.memref_squeeze %dma_start3A_319 : memref<1x1x128xi32, #tpu.memory_space<vmem>> -> memref<128xi32, #tpu.memory_space<vmem>>
    %dma_start3A_321 = arith.constant 0 : i32
    %dma_start3A_322 = arith.constant 0 : i32
    %dma_start3A_323 = tpu.memref_slice %arg2[%dma_start3A_321, %dma_start3A_322] : memref<10000x128xf32, #tpu.memory_space<hbm>> -> memref<10000x128xf32, #tpu.memory_space<hbm>>
    tpu.enqueue_indirect_dma source(%dma_start3A_323 : memref<10000x128xf32, #tpu.memory_space<hbm>>) target(%dma_start3A_317 : memref<128x128xf32, #tpu.memory_space<vmem>>) offsets(%dma_start3A_320 : memref<128xi32, #tpu.memory_space<vmem>>) semaphore(%arg11 : memref<!tpu.dma_semaphore, #tpu.memory_space<semaphore_mem>>)
    %scan3A_324 = arith.constant 0 : i32
    %scan3A_325 = arith.constant 0 : i32
    %scan3A_326 = arith.constant 8 : i32
    %scan3A_327 = arith.addi %scan3A_325, %scan3A_326 : i32
    %scan3A_328 = arith.constant 1 : i32
    scf.for %scan3A_335 = %scan3A_325 to %scan3A_327 step %scan3A_328  : i32 {
      %mul3A_336 = arith.constant 2 : i32
      %mul3A_337 = arith.muli %mul3A_336, %scan3A_335 : i32
      %add3A_338 = arith.constant 1 : i32
      %add3A_339 = arith.addi %mul3A_337, %add3A_338 : i32
      %dma_start3A_340 = arith.constant 0 : i32
      %dma_start3A_341 = arith.constant 1 : i32
      %dma_start3A_342 = arith.constant 0 : i32
      %dma_start3A_343 = arith.constant 0 : i32
      %dma_start3A_344 = tpu.memref_slice %arg9[%dma_start3A_341, %dma_start3A_342, %dma_start3A_343] : memref<2x128x128xf32, #tpu.memory_space<vmem>> -> memref<1x128x128xf32, #tpu.memory_space<vmem>>
      %dma_start3A_345 = tpu.memref_squeeze %dma_start3A_344 : memref<1x128x128xf32, #tpu.memory_space<vmem>> -> memref<128x128xf32, #tpu.memory_space<vmem>>
      %dma_start3A_346 = arith.constant 0 : i32
      %dma_start3A_347 = tpu.memref_slice %arg7[%dma_start3A_340, %add3A_339, %dma_start3A_346] : memref<2x16x128xi32, #tpu.memory_space<vmem>> -> memref<1x1x128xi32, #tpu.memory_space<vmem>>
      %dma_start3A_348 = tpu.memref_squeeze %dma_start3A_347 : memref<1x1x128xi32, #tpu.memory_space<vmem>> -> memref<128xi32, #tpu.memory_space<vmem>>
      %dma_start3A_349 = arith.constant 0 : i32
      %dma_start3A_350 = arith.constant 0 : i32
      %dma_start3A_351 = tpu.memref_slice %arg2[%dma_start3A_349, %dma_start3A_350] : memref<10000x128xf32, #tpu.memory_space<hbm>> -> memref<10000x128xf32, #tpu.memory_space<hbm>>
      tpu.enqueue_indirect_dma source(%dma_start3A_351 : memref<10000x128xf32, #tpu.memory_space<hbm>>) target(%dma_start3A_345 : memref<128x128xf32, #tpu.memory_space<vmem>>) offsets(%dma_start3A_348 : memref<128xi32, #tpu.memory_space<vmem>>) semaphore(%arg12 : memref<!tpu.dma_semaphore, #tpu.memory_space<semaphore_mem>>)
      %dma_wait3A_352 = arith.constant 0 : i32
      %dma_wait3A_353 = arith.constant 0 : i32
      %dma_wait3A_354 = arith.constant 0 : i32
      %dma_wait3A_355 = tpu.memref_slice %arg9[%dma_wait3A_352, %dma_wait3A_353, %dma_wait3A_354] : memref<2x128x128xf32, #tpu.memory_space<vmem>> -> memref<1x128x128xf32, #tpu.memory_space<vmem>>
      %dma_wait3A_356 = tpu.memref_squeeze %dma_wait3A_355 : memref<1x128x128xf32, #tpu.memory_space<vmem>> -> memref<128x128xf32, #tpu.memory_space<vmem>>
      %dma_wait3A_357 = arith.constant 0 : i32
      %dma_wait3A_358 = arith.constant 0 : i32
      %dma_wait3A_359 = tpu.memref_slice %arg2[%dma_wait3A_357, %dma_wait3A_358] : memref<10000x128xf32, #tpu.memory_space<hbm>> -> memref<128x128xf32, #tpu.memory_space<hbm>>
      %dma_wait3A_360 = arith.constant 0 : i32
      %dma_wait3A_361 = arith.constant 0 : i32
      %dma_wait3A_362 = tpu.memref_slice %arg9[%dma_wait3A_352, %dma_wait3A_360, %dma_wait3A_361] : memref<2x128x128xf32, #tpu.memory_space<vmem>> -> memref<1x128x128xf32, #tpu.memory_space<vmem>>
      %dma_wait3A_363 = tpu.memref_squeeze %dma_wait3A_362 : memref<1x128x128xf32, #tpu.memory_space<vmem>> -> memref<128x128xf32, #tpu.memory_space<vmem>>
      %dma_wait3A_364 = arith.constant 0 : i32
      %dma_wait3A_365 = arith.constant 0 : i32
      %dma_wait3A_366 = tpu.memref_slice %arg2[%dma_wait3A_364, %dma_wait3A_365] : memref<10000x128xf32, #tpu.memory_space<hbm>> -> memref<128x128xf32, #tpu.memory_space<hbm>>
      tpu.wait_dma2 semaphore(%arg11 : memref<!tpu.dma_semaphore, #tpu.memory_space<semaphore_mem>>) src(%dma_wait3A_366 : memref<128x128xf32, #tpu.memory_space<hbm>>) dst(%dma_wait3A_363 : memref<128x128xf32, #tpu.memory_space<vmem>>)
      %run_scoped3A_367 = arith.constant 0 : i32
      %run_scoped3A_368 = arith.constant 0 : i32
      "tpu.region"() ({
        %run_scoped3A_389 = tpu.sem_alloc : memref<!tpu.dma_semaphore, #tpu.memory_space<semaphore_mem>>
        %dma_start3A_390 = arith.constant 0 : i32
        %dma_start3A_391 = arith.constant 0 : i32
        %dma_start3A_392 = tpu.memref_slice %arg9[%run_scoped3A_367, %dma_start3A_390, %dma_start3A_391] : memref<2x128x128xf32, #tpu.memory_space<vmem>> -> memref<1x128x128xf32, #tpu.memory_space<vmem>>
        %dma_start3A_393 = tpu.memref_squeeze %dma_start3A_392 : memref<1x128x128xf32, #tpu.memory_space<vmem>> -> memref<128x128xf32, #tpu.memory_space<vmem>>
        %dma_start3A_394 = arith.constant 0 : i32
        %dma_start3A_395 = tpu.memref_slice %arg8[%run_scoped3A_368, %mul3A_337, %dma_start3A_394] : memref<2x16x128xi32, #tpu.memory_space<vmem>> -> memref<1x1x128xi32, #tpu.memory_space<vmem>>
        %dma_start3A_396 = tpu.memref_squeeze %dma_start3A_395 : memref<1x1x128xi32, #tpu.memory_space<vmem>> -> memref<128xi32, #tpu.memory_space<vmem>>
        %dma_start3A_397 = arith.constant 0 : i32
        %dma_start3A_398 = arith.constant 0 : i32
        %dma_start3A_399 = tpu.memref_slice %arg10[%dma_start3A_397, %dma_start3A_398] : memref<10240x128xf32, #tpu.memory_space<vmem_shared>> -> memref<10240x128xf32, #tpu.memory_space<vmem_shared>>
        tpu.enqueue_indirect_dma source(%dma_start3A_393 : memref<128x128xf32, #tpu.memory_space<vmem>>) target(%dma_start3A_399 : memref<10240x128xf32, #tpu.memory_space<vmem_shared>>) offsets(%dma_start3A_396 : memref<128xi32, #tpu.memory_space<vmem>>) semaphore(%run_scoped3A_389 : memref<!tpu.dma_semaphore, #tpu.memory_space<semaphore_mem>>) {add = true}
        %dma_wait3A_400 = arith.constant 0 : i32
        %dma_wait3A_401 = arith.constant 0 : i32
        %dma_wait3A_402 = tpu.memref_slice %arg9[%run_scoped3A_367, %dma_wait3A_400, %dma_wait3A_401] : memref<2x128x128xf32, #tpu.memory_space<vmem>> -> memref<1x128x128xf32, #tpu.memory_space<vmem>>
        %dma_wait3A_403 = tpu.memref_squeeze %dma_wait3A_402 : memref<1x128x128xf32, #tpu.memory_space<vmem>> -> memref<128x128xf32, #tpu.memory_space<vmem>>
        %dma_wait3A_404 = arith.constant 0 : i32
        %dma_wait3A_405 = tpu.memref_slice %arg8[%run_scoped3A_368, %mul3A_337, %dma_wait3A_404] : memref<2x16x128xi32, #tpu.memory_space<vmem>> -> memref<1x1x128xi32, #tpu.memory_space<vmem>>
        %dma_wait3A_406 = tpu.memref_squeeze %dma_wait3A_405 : memref<1x1x128xi32, #tpu.memory_space<vmem>> -> memref<128xi32, #tpu.memory_space<vmem>>
        %dma_wait3A_407 = arith.constant 0 : i32
        %dma_wait3A_408 = arith.constant 0 : i32
        %dma_wait3A_409 = tpu.memref_slice %arg10[%dma_wait3A_407, %dma_wait3A_408] : memref<10240x128xf32, #tpu.memory_space<vmem_shared>> -> memref<10240x128xf32, #tpu.memory_space<vmem_shared>>
        tpu.wait_indirect_dma semaphore(%run_scoped3A_389 : memref<!tpu.dma_semaphore, #tpu.memory_space<semaphore_mem>>) src(%dma_wait3A_403 : memref<128x128xf32, #tpu.memory_space<vmem>>) dst(%dma_wait3A_409 : memref<10240x128xf32, #tpu.memory_space<vmem_shared>>)
        tpu.yield
      }) : () -> ()
      %add3A_369 = arith.constant 1 : i32
      %add3A_370 = arith.addi %scan3A_335, %add3A_369 : i32
      %lt3A = arith.constant 8 : i32
      %lt3A_371 = arith.cmpi slt, %add3A_370, %lt3A : i32
      %convert_element_type3A = arith.extui %lt3A_371 : i1 to i32
      %cond3A = arith.constant 0 : i32
      %cond3A_372 = arith.cmpi ne, %convert_element_type3A, %cond3A : i32
      scf.if %cond3A_372 {
        %add3A_389 = arith.constant 2 : i32
        %add3A_390 = arith.addi %mul3A_337, %add3A_389 : i32
        %dma_start3A_391 = arith.constant 0 : i32
        %dma_start3A_392 = arith.constant 0 : i32
        %dma_start3A_393 = arith.constant 0 : i32
        %dma_start3A_394 = arith.constant 0 : i32
        %dma_start3A_395 = tpu.memref_slice %arg9[%dma_start3A_392, %dma_start3A_393, %dma_start3A_394] : memref<2x128x128xf32, #tpu.memory_space<vmem>> -> memref<1x128x128xf32, #tpu.memory_space<vmem>>
        %dma_start3A_396 = tpu.memref_squeeze %dma_start3A_395 : memref<1x128x128xf32, #tpu.memory_space<vmem>> -> memref<128x128xf32, #tpu.memory_space<vmem>>
        %dma_start3A_397 = arith.constant 0 : i32
        %dma_start3A_398 = tpu.memref_slice %arg7[%dma_start3A_391, %add3A_390, %dma_start3A_397] : memref<2x16x128xi32, #tpu.memory_space<vmem>> -> memref<1x1x128xi32, #tpu.memory_space<vmem>>
        %dma_start3A_399 = tpu.memref_squeeze %dma_start3A_398 : memref<1x1x128xi32, #tpu.memory_space<vmem>> -> memref<128xi32, #tpu.memory_space<vmem>>
        %dma_start3A_400 = arith.constant 0 : i32
        %dma_start3A_401 = arith.constant 0 : i32
        %dma_start3A_402 = tpu.memref_slice %arg2[%dma_start3A_400, %dma_start3A_401] : memref<10000x128xf32, #tpu.memory_space<hbm>> -> memref<10000x128xf32, #tpu.memory_space<hbm>>
        tpu.enqueue_indirect_dma source(%dma_start3A_402 : memref<10000x128xf32, #tpu.memory_space<hbm>>) target(%dma_start3A_396 : memref<128x128xf32, #tpu.memory_space<vmem>>) offsets(%dma_start3A_399 : memref<128xi32, #tpu.memory_space<vmem>>) semaphore(%arg11 : memref<!tpu.dma_semaphore, #tpu.memory_space<semaphore_mem>>)
      } else {
      }
      %dma_wait3A_373 = arith.constant 0 : i32
      %dma_wait3A_374 = arith.constant 1 : i32
      %dma_wait3A_375 = arith.constant 0 : i32
      %dma_wait3A_376 = arith.constant 0 : i32
      %dma_wait3A_377 = tpu.memref_slice %arg9[%dma_wait3A_374, %dma_wait3A_375, %dma_wait3A_376] : memref<2x128x128xf32, #tpu.memory_space<vmem>> -> memref<1x128x128xf32, #tpu.memory_space<vmem>>
      %dma_wait3A_378 = tpu.memref_squeeze %dma_wait3A_377 : memref<1x128x128xf32, #tpu.memory_space<vmem>> -> memref<128x128xf32, #tpu.memory_space<vmem>>
      %dma_wait3A_379 = arith.constant 0 : i32
      %dma_wait3A_380 = tpu.memref_slice %arg7[%dma_wait3A_373, %add3A_339, %dma_wait3A_379] : memref<2x16x128xi32, #tpu.memory_space<vmem>> -> memref<1x1x128xi32, #tpu.memory_space<vmem>>
      %dma_wait3A_381 = tpu.memref_squeeze %dma_wait3A_380 : memref<1x1x128xi32, #tpu.memory_space<vmem>> -> memref<128xi32, #tpu.memory_space<vmem>>
      %dma_wait3A_382 = arith.constant 0 : i32
      %dma_wait3A_383 = arith.constant 0 : i32
      %dma_wait3A_384 = tpu.memref_slice %arg2[%dma_wait3A_382, %dma_wait3A_383] : memref<10000x128xf32, #tpu.memory_space<hbm>> -> memref<10000x128xf32, #tpu.memory_space<hbm>>
      tpu.wait_indirect_dma semaphore(%arg12 : memref<!tpu.dma_semaphore, #tpu.memory_space<semaphore_mem>>) src(%dma_wait3A_384 : memref<10000x128xf32, #tpu.memory_space<hbm>>) dst(%dma_wait3A_378 : memref<128x128xf32, #tpu.memory_space<vmem>>)
      %add3A_385 = arith.constant 1 : i32
      %add3A_386 = arith.addi %mul3A_337, %add3A_385 : i32
      %run_scoped3A_387 = arith.constant 1 : i32
      %run_scoped3A_388 = arith.constant 0 : i32
      "tpu.region"() ({
        %run_scoped3A_389 = tpu.sem_alloc : memref<!tpu.dma_semaphore, #tpu.memory_space<semaphore_mem>>
        %dma_start3A_390 = arith.constant 0 : i32
        %dma_start3A_391 = arith.constant 0 : i32
        %dma_start3A_392 = tpu.memref_slice %arg9[%run_scoped3A_387, %dma_start3A_390, %dma_start3A_391] : memref<2x128x128xf32, #tpu.memory_space<vmem>> -> memref<1x128x128xf32, #tpu.memory_space<vmem>>
        %dma_start3A_393 = tpu.memref_squeeze %dma_start3A_392 : memref<1x128x128xf32, #tpu.memory_space<vmem>> -> memref<128x128xf32, #tpu.memory_space<vmem>>
        %dma_start3A_394 = arith.constant 0 : i32
        %dma_start3A_395 = tpu.memref_slice %arg8[%run_scoped3A_388, %add3A_386, %dma_start3A_394] : memref<2x16x128xi32, #tpu.memory_space<vmem>> -> memref<1x1x128xi32, #tpu.memory_space<vmem>>
        %dma_start3A_396 = tpu.memref_squeeze %dma_start3A_395 : memref<1x1x128xi32, #tpu.memory_space<vmem>> -> memref<128xi32, #tpu.memory_space<vmem>>
        %dma_start3A_397 = arith.constant 0 : i32
        %dma_start3A_398 = arith.constant 0 : i32
        %dma_start3A_399 = tpu.memref_slice %arg10[%dma_start3A_397, %dma_start3A_398] : memref<10240x128xf32, #tpu.memory_space<vmem_shared>> -> memref<10240x128xf32, #tpu.memory_space<vmem_shared>>
        tpu.enqueue_indirect_dma source(%dma_start3A_393 : memref<128x128xf32, #tpu.memory_space<vmem>>) target(%dma_start3A_399 : memref<10240x128xf32, #tpu.memory_space<vmem_shared>>) offsets(%dma_start3A_396 : memref<128xi32, #tpu.memory_space<vmem>>) semaphore(%run_scoped3A_389 : memref<!tpu.dma_semaphore, #tpu.memory_space<semaphore_mem>>) {add = true}
        %dma_wait3A_400 = arith.constant 0 : i32
        %dma_wait3A_401 = arith.constant 0 : i32
        %dma_wait3A_402 = tpu.memref_slice %arg9[%run_scoped3A_387, %dma_wait3A_400, %dma_wait3A_401] : memref<2x128x128xf32, #tpu.memory_space<vmem>> -> memref<1x128x128xf32, #tpu.memory_space<vmem>>
        %dma_wait3A_403 = tpu.memref_squeeze %dma_wait3A_402 : memref<1x128x128xf32, #tpu.memory_space<vmem>> -> memref<128x128xf32, #tpu.memory_space<vmem>>
        %dma_wait3A_404 = arith.constant 0 : i32
        %dma_wait3A_405 = tpu.memref_slice %arg8[%run_scoped3A_388, %add3A_386, %dma_wait3A_404] : memref<2x16x128xi32, #tpu.memory_space<vmem>> -> memref<1x1x128xi32, #tpu.memory_space<vmem>>
        %dma_wait3A_406 = tpu.memref_squeeze %dma_wait3A_405 : memref<1x1x128xi32, #tpu.memory_space<vmem>> -> memref<128xi32, #tpu.memory_space<vmem>>
        %dma_wait3A_407 = arith.constant 0 : i32
        %dma_wait3A_408 = arith.constant 0 : i32
        %dma_wait3A_409 = tpu.memref_slice %arg10[%dma_wait3A_407, %dma_wait3A_408] : memref<10240x128xf32, #tpu.memory_space<vmem_shared>> -> memref<10240x128xf32, #tpu.memory_space<vmem_shared>>
        tpu.wait_indirect_dma semaphore(%run_scoped3A_389 : memref<!tpu.dma_semaphore, #tpu.memory_space<semaphore_mem>>) src(%dma_wait3A_403 : memref<128x128xf32, #tpu.memory_space<vmem>>) dst(%dma_wait3A_409 : memref<10240x128xf32, #tpu.memory_space<vmem_shared>>)
        tpu.yield
      }) : () -> ()
    }
    %scan3A_329 = arith.constant 8 : i32
    %barrier3A_330 = arith.constant 0 : index
    tpu.barrier barrier_id(%barrier3A_330)
    %mul3A_331 = arith.constant 640 : i32
    %mul3A_332 = arith.muli %arg1, %mul3A_331 : i32
    %mul3A_333 = arith.constant 640 : i32
    %mul3A_334 = arith.muli %arg1, %mul3A_333 : i32
    "tpu.region"() ({
      %run_scoped3A_335 = tpu.sem_alloc : memref<!tpu.dma_semaphore, #tpu.memory_space<semaphore_mem>>
      %dma_start3A_336 = arith.constant 0 : i32
      %dma_start3A_337 = tpu.memref_slice %arg6[%arg0, %mul3A_334, %dma_start3A_336] : memref<2x10240x128xf32, #tpu.memory_space<hbm>> -> memref<1x640x128xf32, #tpu.memory_space<hbm>>
      %dma_start3A_338 = tpu.memref_squeeze %dma_start3A_337 : memref<1x640x128xf32, #tpu.memory_space<hbm>> -> memref<640x128xf32, #tpu.memory_space<hbm>>
      %dma_start3A_339 = arith.constant 0 : i32
      %dma_start3A_340 = tpu.memref_slice %arg10[%mul3A_332, %dma_start3A_339] : memref<10240x128xf32, #tpu.memory_space<vmem_shared>> -> memref<640x128xf32, #tpu.memory_space<vmem_shared>>
      tpu.enqueue_dma source(%dma_start3A_340 : memref<640x128xf32, #tpu.memory_space<vmem_shared>>) target(%dma_start3A_338 : memref<640x128xf32, #tpu.memory_space<hbm>>) target_semaphore(%run_scoped3A_335 : memref<!tpu.dma_semaphore, #tpu.memory_space<semaphore_mem>>)
      %dma_wait3A_341 = arith.constant 0 : i32
      %dma_wait3A_342 = tpu.memref_slice %arg6[%arg0, %mul3A_334, %dma_wait3A_341] : memref<2x10240x128xf32, #tpu.memory_space<hbm>> -> memref<1x640x128xf32, #tpu.memory_space<hbm>>
      %dma_wait3A_343 = tpu.memref_squeeze %dma_wait3A_342 : memref<1x640x128xf32, #tpu.memory_space<hbm>> -> memref<640x128xf32, #tpu.memory_space<hbm>>
      %dma_wait3A_344 = arith.constant 0 : i32
      %dma_wait3A_345 = tpu.memref_slice %arg10[%mul3A_332, %dma_wait3A_344] : memref<10240x128xf32, #tpu.memory_space<vmem_shared>> -> memref<640x128xf32, #tpu.memory_space<vmem_shared>>
      tpu.wait_dma2 semaphore(%run_scoped3A_335 : memref<!tpu.dma_semaphore, #tpu.memory_space<semaphore_mem>>) src(%dma_wait3A_345 : memref<640x128xf32, #tpu.memory_space<vmem_shared>>) dst(%dma_wait3A_343 : memref<640x128xf32, #tpu.memory_space<hbm>>)
      tpu.yield
    }) : () -> ()
    return
  }
}

</mosaic_0001>

<sc_bundles>
// kernel: _sc_scatter.3.cloned.1.call-start
scs
__scs_entry_jumppad:
0x0: {  	(pc) =	sbr.rel $0x88, $3  }
0x1: {  	(tag) =	ssettag $0x0;
	lr =	simm.s32 $0x1  }
0x2: {  	[smem:$0x3F9E] =	sst lr;
	_ =	strace $0xD0000000  }
0x3: {  	_ = 	snop  }
0x4: {  	_ = 	snop  }
0x5: {  	_ = 	snop  }
0x6: {  	_ = 	snop  }
0x7: {  	_ = 	snop  }
__scs_overlays_trampoline_lowered:
0x8: {  	[smem:$0x3FAD] =	sst s0  }
0x9: {  	[smem:$0x3FAE] =	sst s1  }
0xa: {  	[smem:$0x3FAF] =	sst s2  }
0xb: {  	[smem:$0x3FB0] =	sst s3  }
0xc: {  	[smem:$0x3FB1] =	sst s4  }
0xd: {  	[smem:$0x3FB2] =	sst s5  }
0xe: {  	[smem:$0x3FB3] =	sst s6  }
0xf: {  	[smem:$0x3FB4] =	sst s7  }
0x10: {  	[smem:$0x3FB5] =	sst s8  }
0x11: {  	[smem:$0x3FB6] =	sst s9;
	s0 =	simm.s32 @!p0 $0x0  }
0x12: {  	s1 =	sld [smem:$0x3F9C];
	s0 =	simm.s32 @p0 $0x1  }
0x13: {  	[smem:$0x3FB7] =	sst s0;
	s0 =	simm.s32 @!p1 $0x0  }
0x14: {  	s2 =	sld [smem:$0x3F9B];
	s0 =	simm.s32 @p1 $0x1  }
0x15: {  	[smem:$0x3FB8] =	sst s0;
	s0 =	simm.s32 @!p2 $0x0  }
0x16: {  	s3 =	sld [smem:$0x3FDB];
	s0 =	simm.s32 @p2 $0x1  }
0x17: {  	s4 =	simm.s32 $0x1BF5;
	[smem:$0x3FBA] =	sst s0  }
0x18: {  	s0 =	sld [smem:$0x3F9D];
	_ =	swait.ge [sflag:s4], $0x0  }
0x19: {  	s7 =	sld [smem:$0x3F9E]  }
0x1a: {  	s8 =	sadd.s32 $0xFFFFE003, lr  }
0x1b: {  	s9 =	sadd.s32 $0xFFFFFEF7, lr;
	s5 =	simm.s32 $0xFFFFFFFF;
	p2 =	slt.u32 s8, $0xFFFFF086  }
0x1c: {  	p1 =	slt.u32 s9, $0xF7A;
	s5 =	simm.s32 @!p2 $0x0  }
0x1d: {  	s5 =	simm.s32 @p1 $0x1;
	p0 =	seq.s32 s7, s2  }
0x1e: {  	s7 =	smul.u32 @!p0 $0xF7A, s2;
	p2 =	seq.s32 @!p0 s5, $0x0  }
0x1f: {  	s9 =	smul.u32 $0xF7A, s1;
	s8 =	simm.s32 @!p0 $0x1BF5;
	p2 =	por !p2, p0  }
0x20: {  	[sflag:s8] =	ssyncset.s32 @!p0 $0xFFFFF086;
	s6 =	sadd.s32 @!p0 s3, s7;
	s7 =	simm.s32 @!p0 $0x108  }
0x21: {  	s3 =	sadd.s32 s3, s9;
	s6 =	sadd.s32 @!p0 $0x88, s6;
	s7 =	simm.s32 @p2 $0x1082  }
0x22: {  	[simem:s7], [sflag:s8] =	dma.local @!p0 [hbm:s6], $0xF7A  }
0x23: {  	s9 =	sor.u32 $0xD0000000, s2;
	s6 =	simm.s32 $0x108;
	_ =	swait.ge @!p0 [sflag:s8], $0x0  }
0x24: {  	s3 =	sadd.s32 $0x88, s3;
	s6 =	simm.s32 @!p1 $0x1082;
	[sflag:s4] =	ssyncset.s32 $0xFFFFF086  }
0x25: {  	[simem:s6], [sflag:s4] =	dma.local [hbm:s3], $0xF7A  }
0x26: {  	[smem:$0x3F9E] =	sst s1;
	(tag) =	ssettag s2;
	_ =	strace s9  }
0x27: {  	s1 =	sld [smem:$0x3FAE]  }
0x28: {  	s2 =	sld [smem:$0x3FAF]  }
0x29: {  	s4 =	sld [smem:$0x3FB1]  }
0x2a: {  	p0 =	seq.s32 s5, $0x0;
	s5 =	sld [smem:$0x3FB2]  }
0x2b: {  	s6 =	sld [smem:$0x3FB3]  }
0x2c: {  	s7 =	sld [smem:$0x3FB4]  }
0x2d: {  	s3 =	simm.s32 $0x108;
	s8 =	sld [smem:$0x3FB5]  }
0x2e: {  	s3 =	simm.s32 @!p0 $0x1082;
	s9 =	sld [smem:$0x3FB6]  }
0x2f: {  	lr =	sadd.s32 s0, s3;
	s0 =	sld [smem:$0x3FAD]  }
0x30: {  	s3 =	sld [smem:$0x3FB0]  }
0x31: {  	[smem:$0x3FB9] =	sst s10  }
0x32: {  	s10 =	sld [smem:$0x3FB7];
	_ =	sdelay $0x3  }
0x33: {  	p0 =	seq.s32 s10, $0x1;
	s10 =	sld [smem:$0x3FB9];
	_ =	sdelay $0x3  }
0x34: {  	[smem:$0x3FB9] =	sst s10  }
0x35: {  	s10 =	sld [smem:$0x3FB8];
	_ =	sdelay $0x3  }
0x36: {  	p1 =	seq.s32 s10, $0x1;
	s10 =	sld [smem:$0x3FB9];
	_ =	sdelay $0x3  }
0x37: {  	[smem:$0x3FB9] =	sst s10  }
0x38: {  	s10 =	sld [smem:$0x3FBA]  }
0x39: {  	_ = 	snop;
	(pc) =	sbr.ind lr, $3  }
0x3a: {  	_ = 	snop  }
0x3b: {  	_ = 	snop  }
0x3c: {  	p2 =	seq.s32 s10, $0x1;
	s10 =	sld [smem:$0x3FB9]  }
0x3d: {  	_ =	shalt  }
0x3e: {  	_ =	shalt  }
0x3f: {  	_ =	shalt  }
0x40: {  	_ =	shalt  }
0x41: {  	_ =	shalt  }
0x42: {  	_ =	shalt  }
0x43: {  	_ =	shalt  }
0x44: {  	_ =	shalt  }
0x45: {  	_ =	shalt  }
0x46: {  	_ =	shalt  }
0x47: {  	_ =	shalt  }
0x48: {  	_ =	shalt  }
0x49: {  	_ =	shalt  }
0x4a: {  	_ =	shalt  }
0x4b: {  	_ =	shalt  }
0x4c: {  	_ =	shalt  }
0x4d: {  	_ =	shalt  }
0x4e: {  	_ =	shalt  }
0x4f: {  	_ =	shalt  }
0x50: {  	_ =	shalt  }
0x51: {  	_ =	shalt  }
0x52: {  	_ =	shalt  }
0x53: {  	_ =	shalt  }
0x54: {  	_ =	shalt  }
0x55: {  	_ =	shalt  }
0x56: {  	_ =	shalt  }
0x57: {  	_ =	shalt  }
0x58: {  	_ =	shalt  }
0x59: {  	_ =	shalt  }
0x5a: {  	_ =	shalt  }
0x5b: {  	_ =	shalt  }
0x5c: {  	_ =	shalt  }
0x5d: {  	_ =	shalt  }
0x5e: {  	_ =	shalt  }
0x5f: {  	_ =	shalt  }
0x60: {  	_ =	shalt  }
0x61: {  	_ =	shalt  }
0x62: {  	_ =	shalt  }
0x63: {  	_ =	shalt  }
0x64: {  	_ =	shalt  }
0x65: {  	_ =	shalt  }
0x66: {  	_ =	shalt  }
0x67: {  	_ =	shalt  }
0x68: {  	_ =	shalt  }
0x69: {  	_ =	shalt  }
0x6a: {  	_ =	shalt  }
0x6b: {  	_ =	shalt  }
0x6c: {  	_ =	shalt  }
0x6d: {  	_ =	shalt  }
0x6e: {  	_ =	shalt  }
0x6f: {  	_ =	shalt  }
0x70: {  	_ =	shalt  }
0x71: {  	_ =	shalt  }
0x72: {  	_ =	shalt  }
0x73: {  	_ =	shalt  }
0x74: {  	_ =	shalt  }
0x75: {  	_ =	shalt  }
0x76: {  	_ =	shalt  }
0x77: {  	_ =	shalt  }
0x78: {  	_ =	shalt  }
0x79: {  	_ =	shalt  }
0x7a: {  	_ =	shalt  }
0x7b: {  	_ =	shalt  }
0x7c: {  	_ =	shalt  }
0x7d: {  	_ =	shalt  }
0x7e: {  	_ =	shalt  }
0x7f: {  	_ =	shalt  }
0x80: {  	_ =	shalt  }
0x81: {  	_ =	shalt  }
0x82: {  	_ =	shalt  }
0x83: {  	_ =	shalt  }
0x84: {  	_ =	shalt  }
0x85: {  	_ =	shalt  }
0x86: {  	_ =	shalt  }
0x87: {  	_ =	shalt  }
.Lfunc_end0:
.L_simem_size_0:
called_computation_lowered:
.L_overlay_start_0:
0x88: {  	s2 =	sld [smem:$0x3FD9]  }
0x89: {  	s3 =	sld [smem:$0x3FFE];
	_ =	sdelay $0x1  }
0x8a: {  	s1 =	srdreg.scid  }
0x8b: {  	s0 =	sand.u32 $0x1, s1  }
0x8c: {  	s17 =	sshll.u32 s0, $0xA;
	s2 =	sadd.s32 s3, s2  }
0x8d: {  	s2 =	sadd.s32 s2, s17  }
0x8e: {  	[smem:$0x3FC5] =	sst s2  }
0x8f: {  	_ = 	snop  }
0x90: {  	s2 =	sld [smem:$0x3FC9]  }
0x91: {  	s18 =	sld [smem:$0x3FC7]  }
0x92: {  	s4 =	sld [smem:$0x3FD0];
	(tm) =	ssettm $0x1  }
0x93: {  	s5 =	sld [smem:$0x3FFB];
	_ =	sdelay $0x3  }
0x94: {  	_ =	strace s5  }
0x95: {  	s5 =	sld [smem:$0x3FFC];
	_ =	sdelay $0x3  }
0x96: {  	_ =	strace s5  }
0x97: {  	s5 =	sld [smem:$0x3FFD];
	_ =	sdelay $0x3  }
0x98: {  	_ =	strace s5  }
0x99: {  	_ =	strace $0x8FFFFFFF  }
0x9a: {  	s19 =	sld [smem:$0x3FDB];
	_ =	sdelay $0x1  }
0x9b: {  	s6 =	simm.s32 $_scs_section_size  }
0x9c: {  	s7 =	simm.s32 $_size__tile_overlayer_lowered;
	s8 =	simm.s32 $_tile_overlayer_lowered  }
0x9d: {  	s22 =	simm.s32 $0x1BFF;
	s21 =	sshll.u32 s8, $0x1;
	s5 =	sadd.s32 s6, s19  }
0x9e: {  	s9 =	simm.s32 $0x0;
	s20 =	sshll.u32 s7, $0x1;
	s7 =	sadd.s32 s21, s5  }
0x9f: {  	[timem:s9], [sflag:s22] =	dma.local [hbm:s7], s20  }
0xa0: {  	_ =	swait.ge [sflag:s22], s20  }
0xa1: {  	s6 =	ssub.s32 $0x0, s20;
	[sflag:s22] =	ssyncset.done $0x0  }
0xa2: {  	[sflag:s22] =	ssyncadd.s32 s6;
	_ =	sdelay $0x1  }
0xa3: {  	s23 =	simm.s32 $0x1B8B  }
0xa4: {  	_ =	swait.ge [sflag:s23], $0x1  }
0xa5: {  	[sflag:s23] =	ssyncset.done $0x0  }
0xa6: {  	s25 =	simm.s32 $0x1B8E;
	s24 =	sld [smem:$0x3FFE];
	[sflag:s23] =	ssyncadd.s32 $0xFFFFFFFF  }
0xa7: {  	s26 =	simm.s32 $execute0_lowered;
	[smem:$0x3FD2] =	sst s25  }
0xa8: {  	s7 =	sshll.u32 s26, $0x1;
	_ =	strace $0x80000046;
	[dreg:$0x1] =	wrdreg $0xFFFFFFFF  }
0xa9: {  	s28 =	simm.s32 $_size_execute0_lowered;
	s5 =	sadd.s32 s5, s7;
	[dreg:$0x0] =	wrdreg $0x0  }
0xaa: {  	s7 =	sshll.u32 s28, $0x1;
	[dreg:$0x2] =	wrdreg s5  }
0xab: {  	[dreg:$0x3] =	wrdreg s7  }
0xac: {  	[dreg:$0x4] =	wrdreg $0xC0  }
0xad: {  	_ =	task [dreg:s9], $0x5FFFF  }
0xae: {  	[dreg:$0x1] =	wrdreg $0xFFFFFFFF  }
0xaf: {  	[dreg:$0x0] =	wrdreg $0x60  }
0xb0: {  	[dreg:$0x2] =	wrdreg s2  }
0xb1: {  	[dreg:$0x3] =	wrdreg s24  }
0xb2: {  	[dreg:$0x4] =	wrdreg s18  }
0xb3: {  	[dreg:$0x5] =	wrdreg s4  }
0xb4: {  	[dreg:$0x6] =	wrdreg $0xA0000  }
0xb5: {  	[dreg:$0x7] =	wrdreg $0x9  }
0xb6: {  	_ =	task.clear_ibuf [dreg:s9], $0x8FFFF;
	_ =	strace $0x90000046  }
0xb7: {  	s29 =	simm.s32 $0x9;
	_ =	strace $0x80000048  }
0xb8: {  	_ =	swait.ge [sflag:s29], $0x1  }
0xb9: {  	[sflag:s29] =	ssyncadd.s32 $0xFFFFFFFF  }
0xba: {  	_ =	strace $0x90000048  }
0xbb: {  	_ =	sfence  }
0xbc: {  	s30 =	sld [smem:$0x0];
	_ =	sdelay $0x2  }
0xbd: {  	s31 =	sshll.u32 s1, $0xD;
	s1 =	sshrl.u32 s1, $0x2  }
0xbe: {  	s3 =	sand.u32 $0x4000, s31;
	s1 =	sadd.s32 s1, s30  }
0xbf: {  	s0 =	sor.u32 s3, s0;
	s1 =	sshll.u32 s1, $0x11  }
0xc0: {  	s0 =	sor.u32 s1, s0  }
0xc1: {  	s0 =	sadd.s32 $0x8F2B, s0  }
0xc2: {  	[sflag:s0] =	ssyncadd.remote.s32 $0x1  }
0xc3: {  	_ =	sfence.sel $0xFFFF  }
0xc4: {  	[dreg:$0x0] =	wrdreg $0xFFFFFFFF;
	(pc) =	sbr.abs _section_cstart, $3  }
0xc5: {  	[dreg:$0x1] =	wrdreg $0xFFFFFFFF  }
0xc6: {  	_ =	task.clear_ibuf [dreg:s9], $0x2FFFF;
	_ =	strace $0x9FFFFFFF  }
0xc7: {  	(tm) =	ssettm $0x7FFFFFFF  }
tec
execute0_lowered:
.L_overlay_start_1:
0x0: {  	(tag) =	ssettag $0x1  }
0x1: {  	s1 =	rddreg [dreg:$0x0]  }
0x2: {  	s0 =	rddreg [dreg:$0x1]  }
0x3: {  	s2 =	rddreg [dreg:$0x2]  }
0x4: {  	s19 =	srdreg.scid;
	s6 =	rddreg [dreg:$0x3]  }
0x5: {  	s11 =	stileid.u32;
	s3 =	rddreg [dreg:$0x4]  }
0x6: {  	s4 =	simm.s32 $0x0;
	s10 =	sand.u32 $0x1, s19;
	s20 =	sshll.u32 s11, $0x1  }
0x7: {  	[dreg:$0x6] =	wrdreg s2;
	s9 =	smul.u32 $0x50000, s11;
	s2 =	sor.u32 s10, s20  }
0x8: {  	[smem:$0x7FF] =	sst s4;
	s7 =	sadd.s32 $0xA600, s0;
	s5 =	smul.u32 $0x500, s2  }
0x9: {  	s0 =	sadd.s32 $0x600, s0;
	[dreg:$0x14] =	wrdreg s10;
	s2 =	smul.u32 $0x2800, s2  }
0xa: {  	s13 =	smul.u32 $0x14000, s11;
	s14 =	sshll.u32 s11, $0x6;
	_ =	strace $0x80000047  }
0xb: {  	s16 =	rddreg [dreg:$0x6];
	s8 =	sadd.s32 s7, s5;
	s2 =	sshrl.u32 s2, $0x3  }
0xc: {  	s5 =	sadd.s32 s0, s5;
	[dreg:$0x7] =	wrdreg s8;
	s21 =	sadd.s32 $0x100, s2  }
0xd: {  	s12 =	smul.u32 $0x140000, s10;
	[dreg:$0x8] =	wrdreg s5;
	s22 =	sadd.s32 s7, s21  }
0xe: {  	s24 =	sadd.s32 $0x200, s2;
	s23 =	sadd.s32 s0, s21;
	[dreg:$0x9] =	wrdreg s22  }
0xf: {  	s9 =	sshrl.u32 s9, $0x2;
	s25 =	sadd.s32 s7, s24;
	[dreg:$0xa] =	wrdreg s23  }
0x10: {  	s28 =	sadd.s32 $0x300, s2;
	s26 =	sadd.s32 s0, s24;
	[dreg:$0xb] =	wrdreg s25  }
0x11: {  	s9 =	sadd.s32 s9, s3;
	s31 =	sadd.s32 s7, s28;
	[dreg:$0xc] =	wrdreg s26  }
0x12: {  	s2 =	sadd.s32 $0x400, s2;
	s8 =	sadd.s32 s0, s28;
	[dreg:$0xd] =	wrdreg s31  }
0x13: {  	s5 =	sadd.s32 s13, s12;
	s7 =	sadd.s32 s7, s2;
	[dreg:$0xe] =	wrdreg s8  }
0x14: {  	s0 =	sadd.s32 s0, s2;
	s15 =	sshrl.u32 s5, $0x3;
	[dreg:$0xf] =	wrdreg s7  }
0x15: {  	s9 =	sshrl.u32 s9, $0x3;
	[dreg:$0x10] =	wrdreg s0;
	s17 =	sadd.s32 s6, s15  }
0x16: {  	s7 =	sor.u32 $0x1C04, s14;
	s6 =	simm.s32 $0x4;
	[dreg:$0x11] =	wrdreg s17  }
0x17: {  	[spmem:s9], [sflag:s7] =	dma.local [hbm:s16], $0x2800  }
0x18: {  	_ =	swait.ge [sflag:s6], $0x2800  }
0x19: {  	[sflag:s6] =	ssyncset.done $0x0  }
0x1a: {  	[sflag:s6] =	ssyncadd.s32 $0xFFFFD800  }
0x1b: {  	[bflag:$0x0] =	sbarrier.arrive $0xFFFF  }
0x1c: {  	s18 =	rddreg [dreg:$0x7]  }
0x1d: {  	[tilespmem:s4], [sflag:$0x4] =	stream.linear.gather [hbm4b:s18+s4], $0x800, $0x38;
	[tilespmem:$0x1E000] =	vst v63  }
0x1e: {  	_ =	swait.ge [sflag:s6], $0x800  }
0x1f: {  	[sflag:s6] =	ssyncset.done $0x0  }
0x20: {  	s28 =	simm.s32 $0x1000;
	s19 =	rddreg [dreg:$0x8];
	[sflag:s6] =	ssyncadd.s32 $0xFFFFF800  }
0x21: {  	[tilespmem:s28], [sflag:$0x4] =	stream.linear.gather [hbm4b:s19+s4], $0x800, $0x38;
	[tilespmem:$0x1E000] =	vst v63  }
0x22: {  	_ =	swait.ge [sflag:s6], $0x800  }
0x23: {  	[sflag:s6] =	ssyncset.done $0x0  }
0x24: {  	s21 =	simm.s32 $0x800;
	s20 =	rddreg [dreg:$0x9];
	[sflag:s6] =	ssyncadd.s32 $0xFFFFF800  }
0x25: {  	[tilespmem:s21], [sflag:$0x3] =	stream.linear.gather [hbm4b:s20+s4], $0x800, $0x38;
	[tilespmem:$0x1E000] =	vst v63  }
0x26: {  	s23 =	simm.s32 $0x1800;
	s22 =	rddreg [dreg:$0xa]  }
0x27: {  	[tilespmem:s23], [sflag:$0x3] =	stream.linear.gather [hbm4b:s22+s4], $0x800, $0x38;
	[tilespmem:$0x1E000] =	vst v63  }
0x28: {  	s11 =	simm.s32 $0x80;
	s12 =	simm.s32 $0x2000  }
0x29: {  	[tilespmem:s12], [sflag:$0x1] =	stream.indirect.gather [hbm4b:s1+s11], $0x80, s4, s11, $0xb8;
	[tilespmem:$0x1E000] =	vst v63  }
0x2a: {  	s13 =	simm.s32 $0x6000;
	s14 =	simm.s32 $0x1  }
0x2b: {  	[tilespmem:s13], [sflag:$0x2] =	stream.indirect.gather [hbm4b:s1+s11], $0x80, s11, s11, $0xb8;
	[tilespmem:$0x1E000] =	vst v63  }
0x2c: {  	_ =	swait.ge [sflag:s14], $0x4000  }
0x2d: {  	[sflag:s14] =	ssyncset.done $0x0  }
0x2e: {  	[sflag:s14] =	ssyncadd.s32 $0xFFFFC000  }
0x2f: {  	[spmem:s3] =	stream.indirect.scatter.add.f32 [tilespmem:s12], [sflag:$0x4], $0x80, s28, s11, $0xb8;
	[tilespmem:$0x1E000] =	vst v63  }
0x30: {  	_ =	swait.ge [sflag:s6], $0x4000  }
0x31: {  	[sflag:s6] =	ssyncset.done $0x0  }
0x32: {  	s24 =	simm.s32 $0x100;
	s16 =	simm.s32 $0x2;
	[sflag:s6] =	ssyncadd.s32 $0xFFFFC000  }
0x33: {  	[tilespmem:s12], [sflag:$0x1] =	stream.indirect.gather [hbm4b:s1+s11], $0x80, s24, s11, $0xb8;
	[tilespmem:$0x1E000] =	vst v63  }
0x34: {  	_ =	swait.ge [sflag:s16], $0x4000  }
0x35: {  	[sflag:s16] =	ssyncset.done $0x0  }
0x36: {  	s25 =	simm.s32 $0x1080;
	[sflag:s16] =	ssyncadd.s32 $0xFFFFC000  }
0x37: {  	[spmem:s3] =	stream.indirect.scatter.add.f32 [tilespmem:s13], [sflag:$0x4], $0x80, s25, s11, $0xb8;
	[tilespmem:$0x1E000] =	vst v63  }
0x38: {  	_ =	swait.ge [sflag:s6], $0x4000  }
0x39: {  	[sflag:s6] =	ssyncset.done $0x0  }
0x3a: {  	s26 =	simm.s32 $0x180;
	[sflag:s6] =	ssyncadd.s32 $0xFFFFC000  }
0x3b: {  	[tilespmem:s13], [sflag:$0x2] =	stream.indirect.gather [hbm4b:s1+s11], $0x80, s26, s11, $0xb8;
	[tilespmem:$0x1E000] =	vst v63  }
0x3c: {  	_ =	swait.ge [sflag:s14], $0x4000  }
0x3d: {  	[sflag:s14] =	ssyncset.done $0x0  }
0x3e: {  	s31 =	simm.s32 $0x1100;
	[sflag:s14] =	ssyncadd.s32 $0xFFFFC000  }
0x3f: {  	[spmem:s3] =	stream.indirect.scatter.add.f32 [tilespmem:s12], [sflag:$0x4], $0x80, s31, s11, $0xb8;
	[tilespmem:$0x1E000] =	vst v63  }
0x40: {  	_ =	swait.ge [sflag:s6], $0x4000  }
0x41: {  	[sflag:s6] =	ssyncset.done $0x0  }
0x42: {  	s2 =	simm.s32 $0x200;
	[sflag:s6] =	ssyncadd.s32 $0xFFFFC000  }
0x43: {  	[tilespmem:s12], [sflag:$0x1] =	stream.indirect.gather [hbm4b:s1+s11], $0x80, s2, s11, $0xb8;
	[tilespmem:$0x1E000] =	vst v63  }
0x44: {  	_ =	swait.ge [sflag:s16], $0x4000  }
0x45: {  	[sflag:s16] =	ssyncset.done $0x0  }
0x46: {  	s5 =	simm.s32 $0x1180;
	[sflag:s16] =	ssyncadd.s32 $0xFFFFC000  }
0x47: {  	[spmem:s3] =	stream.indirect.scatter.add.f32 [tilespmem:s13], [sflag:$0x4], $0x80, s5, s11, $0xb8;
	[tilespmem:$0x1E000] =	vst v63  }
0x48: {  	_ =	swait.ge [sflag:s6], $0x4000  }
0x49: {  	[sflag:s6] =	ssyncset.done $0x0  }
0x4a: {  	s8 =	simm.s32 $0x280;
	[sflag:s6] =	ssyncadd.s32 $0xFFFFC000  }
0x4b: {  	[tilespmem:s13], [sflag:$0x2] =	stream.indirect.gather [hbm4b:s1+s11], $0x80, s8, s11, $0xb8;
	[tilespmem:$0x1E000] =	vst v63  }
0x4c: {  	_ =	swait.ge [sflag:s14], $0x4000  }
0x4d: {  	[sflag:s14] =	ssyncset.done $0x0  }
0x4e: {  	s10 =	simm.s32 $0x1200;
	[sflag:s14] =	ssyncadd.s32 $0xFFFFC000  }
0x4f: {  	[spmem:s3] =	stream.indirect.scatter.add.f32 [tilespmem:s12], [sflag:$0x4], $0x80, s10, s11, $0xb8;
	[tilespmem:$0x1E000] =	vst v63  }
0x50: {  	_ =	swait.ge [sflag:s6], $0x4000  }
0x51: {  	[sflag:s6] =	ssyncset.done $0x0  }
0x52: {  	s15 =	simm.s32 $0x300;
	[sflag:s6] =	ssyncadd.s32 $0xFFFFC000  }
0x53: {  	[tilespmem:s12], [sflag:$0x1] =	stream.indirect.gather [hbm4b:s1+s11], $0x80, s15, s11, $0xb8;
	[tilespmem:$0x1E000] =	vst v63  }
0x54: {  	_ =	swait.ge [sflag:s16], $0x4000  }
0x55: {  	[sflag:s16] =	ssyncset.done $0x0  }
0x56: {  	s17 =	simm.s32 $0x1280;
	[sflag:s16] =	ssyncadd.s32 $0xFFFFC000  }
0x57: {  	[spmem:s3] =	stream.indirect.scatter.add.f32 [tilespmem:s13], [sflag:$0x4], $0x80, s17, s11, $0xb8;
	[tilespmem:$0x1E000] =	vst v63  }
0x58: {  	_ =	swait.ge [sflag:s6], $0x4000  }
0x59: {  	[sflag:s6] =	ssyncset.done $0x0  }
0x5a: {  	s18 =	simm.s32 $0x380;
	[sflag:s6] =	ssyncadd.s32 $0xFFFFC000  }
0x5b: {  	[tilespmem:s13], [sflag:$0x2] =	stream.indirect.gather [hbm4b:s1+s11], $0x80, s18, s11, $0xb8;
	[tilespmem:$0x1E000] =	vst v63  }
0x5c: {  	_ =	swait.ge [sflag:s14], $0x4000  }
0x5d: {  	[sflag:s14] =	ssyncset.done $0x0  }
0x5e: {  	s19 =	simm.s32 $0x1300;
	[sflag:s14] =	ssyncadd.s32 $0xFFFFC000  }
0x5f: {  	[spmem:s3] =	stream.indirect.scatter.add.f32 [tilespmem:s12], [sflag:$0x4], $0x80, s19, s11, $0xb8;
	[tilespmem:$0x1E000] =	vst v63  }
0x60: {  	_ =	swait.ge [sflag:s6], $0x4000  }
0x61: {  	[sflag:s6] =	ssyncset.done $0x0  }
0x62: {  	s20 =	simm.s32 $0x400;
	[sflag:s6] =	ssyncadd.s32 $0xFFFFC000  }
0x63: {  	[tilespmem:s12], [sflag:$0x1] =	stream.indirect.gather [hbm4b:s1+s11], $0x80, s20, s11, $0xb8;
	[tilespmem:$0x1E000] =	vst v63  }
0x64: {  	_ =	swait.ge [sflag:s16], $0x4000  }
0x65: {  	[sflag:s16] =	ssyncset.done $0x0  }
0x66: {  	s21 =	simm.s32 $0x1380;
	[sflag:s16] =	ssyncadd.s32 $0xFFFFC000  }
0x67: {  	[spmem:s3] =	stream.indirect.scatter.add.f32 [tilespmem:s13], [sflag:$0x4], $0x80, s21, s11, $0xb8;
	[tilespmem:$0x1E000] =	vst v63  }
0x68: {  	_ =	swait.ge [sflag:s6], $0x4000  }
0x69: {  	[sflag:s6] =	ssyncset.done $0x0  }
0x6a: {  	s22 =	simm.s32 $0x480;
	[sflag:s6] =	ssyncadd.s32 $0xFFFFC000  }
0x6b: {  	[tilespmem:s13], [sflag:$0x2] =	stream.indirect.gather [hbm4b:s1+s11], $0x80, s22, s11, $0xb8;
	[tilespmem:$0x1E000] =	vst v63  }
0x6c: {  	_ =	swait.ge [sflag:s14], $0x4000  }
0x6d: {  	[sflag:s14] =	ssyncset.done $0x0  }
0x6e: {  	s23 =	simm.s32 $0x1400;
	[sflag:s14] =	ssyncadd.s32 $0xFFFFC000  }
0x6f: {  	[spmem:s3] =	stream.indirect.scatter.add.f32 [tilespmem:s12], [sflag:$0x4], $0x80, s23, s11, $0xb8;
	[tilespmem:$0x1E000] =	vst v63  }
0x70: {  	_ =	swait.ge [sflag:s6], $0x4000  }
0x71: {  	[sflag:s6] =	ssyncset.done $0x0  }
0x72: {  	s24 =	simm.s32 $0x500;
	[sflag:s6] =	ssyncadd.s32 $0xFFFFC000  }
0x73: {  	[tilespmem:s12], [sflag:$0x1] =	stream.indirect.gather [hbm4b:s1+s11], $0x80, s24, s11, $0xb8;
	[tilespmem:$0x1E000] =	vst v63  }
0x74: {  	_ =	swait.ge [sflag:s16], $0x4000  }
0x75: {  	[sflag:s16] =	ssyncset.done $0x0  }
0x76: {  	s25 =	simm.s32 $0x1480;
	[sflag:s16] =	ssyncadd.s32 $0xFFFFC000  }
0x77: {  	[spmem:s3] =	stream.indirect.scatter.add.f32 [tilespmem:s13], [sflag:$0x4], $0x80, s25, s11, $0xb8;
	[tilespmem:$0x1E000] =	vst v63  }
0x78: {  	_ =	swait.ge [sflag:s6], $0x4000  }
0x79: {  	[sflag:s6] =	ssyncset.done $0x0  }
0x7a: {  	s26 =	simm.s32 $0x580;
	[sflag:s6] =	ssyncadd.s32 $0xFFFFC000  }
0x7b: {  	[tilespmem:s13], [sflag:$0x2] =	stream.indirect.gather [hbm4b:s1+s11], $0x80, s26, s11, $0xb8;
	[tilespmem:$0x1E000] =	vst v63  }
0x7c: {  	_ =	swait.ge [sflag:s14], $0x4000  }
0x7d: {  	[sflag:s14] =	ssyncset.done $0x0  }
0x7e: {  	s31 =	simm.s32 $0x1500;
	[sflag:s14] =	ssyncadd.s32 $0xFFFFC000  }
0x7f: {  	[spmem:s3] =	stream.indirect.scatter.add.f32 [tilespmem:s12], [sflag:$0x4], $0x80, s31, s11, $0xb8;
	[tilespmem:$0x1E000] =	vst v63  }
0x80: {  	_ =	swait.ge [sflag:s6], $0x4000  }
0x81: {  	[sflag:s6] =	ssyncset.done $0x0  }
0x82: {  	s2 =	simm.s32 $0x600;
	[sflag:s6] =	ssyncadd.s32 $0xFFFFC000  }
0x83: {  	[tilespmem:s12], [sflag:$0x1] =	stream.indirect.gather [hbm4b:s1+s11], $0x80, s2, s11, $0xb8;
	[tilespmem:$0x1E000] =	vst v63  }
0x84: {  	_ =	swait.ge [sflag:s16], $0x4000  }
0x85: {  	[sflag:s16] =	ssyncset.done $0x0  }
0x86: {  	s5 =	simm.s32 $0x1580;
	[sflag:s16] =	ssyncadd.s32 $0xFFFFC000  }
0x87: {  	[spmem:s3] =	stream.indirect.scatter.add.f32 [tilespmem:s13], [sflag:$0x4], $0x80, s5, s11, $0xb8;
	[tilespmem:$0x1E000] =	vst v63  }
0x88: {  	_ =	swait.ge [sflag:s6], $0x4000  }
0x89: {  	[sflag:s6] =	ssyncset.done $0x0  }
0x8a: {  	s8 =	simm.s32 $0x680;
	[sflag:s6] =	ssyncadd.s32 $0xFFFFC000  }
0x8b: {  	[tilespmem:s13], [sflag:$0x2] =	stream.indirect.gather [hbm4b:s1+s11], $0x80, s8, s11, $0xb8;
	[tilespmem:$0x1E000] =	vst v63  }
0x8c: {  	_ =	swait.ge [sflag:s14], $0x4000  }
0x8d: {  	[sflag:s14] =	ssyncset.done $0x0  }
0x8e: {  	s10 =	simm.s32 $0x1600;
	[sflag:s14] =	ssyncadd.s32 $0xFFFFC000  }
0x8f: {  	[spmem:s3] =	stream.indirect.scatter.add.f32 [tilespmem:s12], [sflag:$0x4], $0x80, s10, s11, $0xb8;
	[tilespmem:$0x1E000] =	vst v63  }
0x90: {  	_ =	swait.ge [sflag:s6], $0x4000  }
0x91: {  	[sflag:s6] =	ssyncset.done $0x0  }
0x92: {  	s15 =	simm.s32 $0x700;
	[sflag:s6] =	ssyncadd.s32 $0xFFFFC000  }
0x93: {  	[tilespmem:s12], [sflag:$0x1] =	stream.indirect.gather [hbm4b:s1+s11], $0x80, s15, s11, $0xb8;
	[tilespmem:$0x1E000] =	vst v63  }
0x94: {  	_ =	swait.ge [sflag:s16], $0x4000  }
0x95: {  	[sflag:s16] =	ssyncset.done $0x0  }
0x96: {  	s17 =	simm.s32 $0x1680;
	[sflag:s16] =	ssyncadd.s32 $0xFFFFC000  }
0x97: {  	[spmem:s3] =	stream.indirect.scatter.add.f32 [tilespmem:s13], [sflag:$0x4], $0x80, s17, s11, $0xb8;
	[tilespmem:$0x1E000] =	vst v63  }
0x98: {  	_ =	swait.ge [sflag:s6], $0x4000  }
0x99: {  	[sflag:s6] =	ssyncset.done $0x0  }
0x9a: {  	s18 =	simm.s32 $0x780;
	[sflag:s6] =	ssyncadd.s32 $0xFFFFC000  }
0x9b: {  	[tilespmem:s13], [sflag:$0x2] =	stream.indirect.gather [hbm4b:s1+s11], $0x80, s18, s11, $0xb8;
	[tilespmem:$0x1E000] =	vst v63  }
0x9c: {  	_ =	swait.ge [sflag:s14], $0x4000  }
0x9d: {  	[sflag:s14] =	ssyncset.done $0x0  }
0x9e: {  	s19 =	simm.s32 $0x1700;
	[sflag:s14] =	ssyncadd.s32 $0xFFFFC000  }
0x9f: {  	[spmem:s3] =	stream.indirect.scatter.add.f32 [tilespmem:s12], [sflag:$0x4], $0x80, s19, s11, $0xb8;
	[tilespmem:$0x1E000] =	vst v63  }
0xa0: {  	_ =	swait.ge [sflag:s6], $0x4000  }
0xa1: {  	[sflag:s6] =	ssyncset.done $0x0  }
0xa2: {  	[sflag:s6] =	ssyncadd.s32 $0xFFFFC000  }
0xa3: {  	_ =	swait.ge [sflag:s16], $0x4000  }
0xa4: {  	[sflag:s16] =	ssyncset.done $0x0  }
0xa5: {  	s20 =	simm.s32 $0x1780;
	[sflag:s16] =	ssyncadd.s32 $0xFFFFC000  }
0xa6: {  	[spmem:s3] =	stream.indirect.scatter.add.f32 [tilespmem:s13], [sflag:$0x4], $0x80, s20, s11, $0xb8;
	[tilespmem:$0x1E000] =	vst v63  }
0xa7: {  	_ =	swait.ge [sflag:s6], $0x4000  }
0xa8: {  	[sflag:s6] =	ssyncset.done $0x0  }
0xa9: {  	s29 =	simm.s32 $0x3;
	[sflag:s6] =	ssyncadd.s32 $0xFFFFC000  }
0xaa: {  	_ =	swait.ge [sflag:s29], $0x800  }
0xab: {  	[sflag:s29] =	ssyncset.done $0x0  }
0xac: {  	[sflag:s29] =	ssyncadd.s32 $0xFFFFF800  }
0xad: {  	_ =	swait.ge [sflag:s29], $0x800  }
0xae: {  	[sflag:s29] =	ssyncset.done $0x0  }
0xaf: {  	s21 =	rddreg [dreg:$0xb];
	[sflag:s29] =	ssyncadd.s32 $0xFFFFF800  }
0xb0: {  	[tilespmem:s4], [sflag:$0x3] =	stream.linear.gather [hbm4b:s21+s4], $0x800, $0x38;
	[tilespmem:$0x1E000] =	vst v63  }
0xb1: {  	s30 =	rddreg [dreg:$0xc]  }
0xb2: {  	[tilespmem:s28], [sflag:$0x3] =	stream.linear.gather [hbm4b:s30+s4], $0x800, $0x38;
	[tilespmem:$0x1E000] =	vst v63  }
0xb3: {  	s2 =	simm.s32 $0x800  }
0xb4: {  	[tilespmem:s12], [sflag:$0x1] =	stream.indirect.gather [hbm4b:s1+s11], $0x80, s2, s11, $0xb8;
	[tilespmem:$0x1E000] =	vst v63  }
0xb5: {  	s22 =	simm.s32 $0x880  }
0xb6: {  	[tilespmem:s13], [sflag:$0x2] =	stream.indirect.gather [hbm4b:s1+s11], $0x80, s22, s11, $0xb8;
	[tilespmem:$0x1E000] =	vst v63  }
0xb7: {  	_ =	swait.ge [sflag:s14], $0x4000  }
0xb8: {  	[sflag:s14] =	ssyncset.done $0x0  }
0xb9: {  	s0 =	simm.s32 $0x1800;
	[sflag:s14] =	ssyncadd.s32 $0xFFFFC000  }
0xba: {  	[spmem:s3] =	stream.indirect.scatter.add.f32 [tilespmem:s12], [sflag:$0x4], $0x80, s0, s11, $0xb8;
	[tilespmem:$0x1E000] =	vst v63  }
0xbb: {  	_ =	swait.ge [sflag:s6], $0x4000  }
0xbc: {  	[sflag:s6] =	ssyncset.done $0x0  }
0xbd: {  	s23 =	simm.s32 $0x900;
	[sflag:s6] =	ssyncadd.s32 $0xFFFFC000  }
0xbe: {  	[tilespmem:s12], [sflag:$0x1] =	stream.indirect.gather [hbm4b:s1+s11], $0x80, s23, s11, $0xb8;
	[tilespmem:$0x1E000] =	vst v63  }
0xbf: {  	_ =	swait.ge [sflag:s16], $0x4000  }
0xc0: {  	[sflag:s16] =	ssyncset.done $0x0  }
0xc1: {  	s24 =	simm.s32 $0x1880;
	[sflag:s16] =	ssyncadd.s32 $0xFFFFC000  }
0xc2: {  	[spmem:s3] =	stream.indirect.scatter.add.f32 [tilespmem:s13], [sflag:$0x4], $0x80, s24, s11, $0xb8;
	[tilespmem:$0x1E000] =	vst v63  }
0xc3: {  	_ =	swait.ge [sflag:s6], $0x4000  }
0xc4: {  	[sflag:s6] =	ssyncset.done $0x0  }
0xc5: {  	s25 =	simm.s32 $0x980;
	[sflag:s6] =	ssyncadd.s32 $0xFFFFC000  }
0xc6: {  	[tilespmem:s13], [sflag:$0x2] =	stream.indirect.gather [hbm4b:s1+s11], $0x80, s25, s11, $0xb8;
	[tilespmem:$0x1E000] =	vst v63  }
0xc7: {  	_ =	swait.ge [sflag:s14], $0x4000  }
0xc8: {  	[sflag:s14] =	ssyncset.done $0x0  }
0xc9: {  	s26 =	simm.s32 $0x1900;
	[sflag:s14] =	ssyncadd.s32 $0xFFFFC000  }
0xca: {  	[spmem:s3] =	stream.indirect.scatter.add.f32 [tilespmem:s12], [sflag:$0x4], $0x80, s26, s11, $0xb8;
	[tilespmem:$0x1E000] =	vst v63  }
0xcb: {  	_ =	swait.ge [sflag:s6], $0x4000  }
0xcc: {  	[sflag:s6] =	ssyncset.done $0x0  }
0xcd: {  	s31 =	simm.s32 $0xA00;
	[sflag:s6] =	ssyncadd.s32 $0xFFFFC000  }
0xce: {  	[tilespmem:s12], [sflag:$0x1] =	stream.indirect.gather [hbm4b:s1+s11], $0x80, s31, s11, $0xb8;
	[tilespmem:$0x1E000] =	vst v63  }
0xcf: {  	_ =	swait.ge [sflag:s16], $0x4000  }
0xd0: {  	[sflag:s16] =	ssyncset.done $0x0  }
0xd1: {  	s8 =	simm.s32 $0x1980;
	[sflag:s16] =	ssyncadd.s32 $0xFFFFC000  }
0xd2: {  	[spmem:s3] =	stream.indirect.scatter.add.f32 [tilespmem:s13], [sflag:$0x4], $0x80, s8, s11, $0xb8;
	[tilespmem:$0x1E000] =	vst v63  }
0xd3: {  	_ =	swait.ge [sflag:s6], $0x4000  }
0xd4: {  	[sflag:s6] =	ssyncset.done $0x0  }
0xd5: {  	s10 =	simm.s32 $0xA80;
	[sflag:s6] =	ssyncadd.s32 $0xFFFFC000  }
0xd6: {  	[tilespmem:s13], [sflag:$0x2] =	stream.indirect.gather [hbm4b:s1+s11], $0x80, s10, s11, $0xb8;
	[tilespmem:$0x1E000] =	vst v63  }
0xd7: {  	_ =	swait.ge [sflag:s14], $0x4000  }
0xd8: {  	[sflag:s14] =	ssyncset.done $0x0  }
0xd9: {  	s15 =	simm.s32 $0x1A00;
	[sflag:s14] =	ssyncadd.s32 $0xFFFFC000  }
0xda: {  	[spmem:s3] =	stream.indirect.scatter.add.f32 [tilespmem:s12], [sflag:$0x4], $0x80, s15, s11, $0xb8;
	[tilespmem:$0x1E000] =	vst v63  }
0xdb: {  	_ =	swait.ge [sflag:s6], $0x4000  }
0xdc: {  	[sflag:s6] =	ssyncset.done $0x0  }
0xdd: {  	s17 =	simm.s32 $0xB00;
	[sflag:s6] =	ssyncadd.s32 $0xFFFFC000  }
0xde: {  	[tilespmem:s12], [sflag:$0x1] =	stream.indirect.gather [hbm4b:s1+s11], $0x80, s17, s11, $0xb8;
	[tilespmem:$0x1E000] =	vst v63  }
0xdf: {  	_ =	swait.ge [sflag:s16], $0x4000  }
0xe0: {  	[sflag:s16] =	ssyncset.done $0x0  }
0xe1: {  	s18 =	simm.s32 $0x1A80;
	[sflag:s16] =	ssyncadd.s32 $0xFFFFC000  }
0xe2: {  	[spmem:s3] =	stream.indirect.scatter.add.f32 [tilespmem:s13], [sflag:$0x4], $0x80, s18, s11, $0xb8;
	[tilespmem:$0x1E000] =	vst v63  }
0xe3: {  	_ =	swait.ge [sflag:s6], $0x4000  }
0xe4: {  	[sflag:s6] =	ssyncset.done $0x0  }
0xe5: {  	s19 =	simm.s32 $0xB80;
	[sflag:s6] =	ssyncadd.s32 $0xFFFFC000  }
0xe6: {  	[tilespmem:s13], [sflag:$0x2] =	stream.indirect.gather [hbm4b:s1+s11], $0x80, s19, s11, $0xb8;
	[tilespmem:$0x1E000] =	vst v63  }
0xe7: {  	_ =	swait.ge [sflag:s14], $0x4000  }
0xe8: {  	[sflag:s14] =	ssyncset.done $0x0  }
0xe9: {  	s20 =	simm.s32 $0x1B00;
	[sflag:s14] =	ssyncadd.s32 $0xFFFFC000  }
0xea: {  	[spmem:s3] =	stream.indirect.scatter.add.f32 [tilespmem:s12], [sflag:$0x4], $0x80, s20, s11, $0xb8;
	[tilespmem:$0x1E000] =	vst v63  }
0xeb: {  	_ =	swait.ge [sflag:s6], $0x4000  }
0xec: {  	[sflag:s6] =	ssyncset.done $0x0  }
0xed: {  	s21 =	simm.s32 $0xC00;
	[sflag:s6] =	ssyncadd.s32 $0xFFFFC000  }
0xee: {  	[tilespmem:s12], [sflag:$0x1] =	stream.indirect.gather [hbm4b:s1+s11], $0x80, s21, s11, $0xb8;
	[tilespmem:$0x1E000] =	vst v63  }
0xef: {  	_ =	swait.ge [sflag:s16], $0x4000  }
0xf0: {  	[sflag:s16] =	ssyncset.done $0x0  }
0xf1: {  	s22 =	simm.s32 $0x1B80;
	[sflag:s16] =	ssyncadd.s32 $0xFFFFC000  }
0xf2: {  	[spmem:s3] =	stream.indirect.scatter.add.f32 [tilespmem:s13], [sflag:$0x4], $0x80, s22, s11, $0xb8;
	[tilespmem:$0x1E000] =	vst v63  }
0xf3: {  	_ =	swait.ge [sflag:s6], $0x4000  }
0xf4: {  	[sflag:s6] =	ssyncset.done $0x0  }
0xf5: {  	s23 =	simm.s32 $0xC80;
	[sflag:s6] =	ssyncadd.s32 $0xFFFFC000  }
0xf6: {  	[tilespmem:s13], [sflag:$0x2] =	stream.indirect.gather [hbm4b:s1+s11], $0x80, s23, s11, $0xb8;
	[tilespmem:$0x1E000] =	vst v63  }
0xf7: {  	_ =	swait.ge [sflag:s14], $0x4000  }
0xf8: {  	[sflag:s14] =	ssyncset.done $0x0  }
0xf9: {  	s24 =	simm.s32 $0x1C00;
	[sflag:s14] =	ssyncadd.s32 $0xFFFFC000  }
0xfa: {  	[spmem:s3] =	stream.indirect.scatter.add.f32 [tilespmem:s12], [sflag:$0x4], $0x80, s24, s11, $0xb8;
	[tilespmem:$0x1E000] =	vst v63  }
0xfb: {  	_ =	swait.ge [sflag:s6], $0x4000  }
0xfc: {  	[sflag:s6] =	ssyncset.done $0x0  }
0xfd: {  	s25 =	simm.s32 $0xD00;
	[sflag:s6] =	ssyncadd.s32 $0xFFFFC000  }
0xfe: {  	[tilespmem:s12], [sflag:$0x1] =	stream.indirect.gather [hbm4b:s1+s11], $0x80, s25, s11, $0xb8;
	[tilespmem:$0x1E000] =	vst v63  }
0xff: {  	_ =	swait.ge [sflag:s16], $0x4000  }
0x100: {  	[sflag:s16] =	ssyncset.done $0x0  }
0x101: {  	s26 =	simm.s32 $0x1C80;
	[sflag:s16] =	ssyncadd.s32 $0xFFFFC000  }
0x102: {  	[spmem:s3] =	stream.indirect.scatter.add.f32 [tilespmem:s13], [sflag:$0x4], $0x80, s26, s11, $0xb8;
	[tilespmem:$0x1E000] =	vst v63  }
0x103: {  	_ =	swait.ge [sflag:s6], $0x4000  }
0x104: {  	[sflag:s6] =	ssyncset.done $0x0  }
0x105: {  	s31 =	simm.s32 $0xD80;
	[sflag:s6] =	ssyncadd.s32 $0xFFFFC000  }
0x106: {  	[tilespmem:s13], [sflag:$0x2] =	stream.indirect.gather [hbm4b:s1+s11], $0x80, s31, s11, $0xb8;
	[tilespmem:$0x1E000] =	vst v63  }
0x107: {  	_ =	swait.ge [sflag:s14], $0x4000  }
0x108: {  	[sflag:s14] =	ssyncset.done $0x0  }
0x109: {  	s8 =	simm.s32 $0x1D00;
	[sflag:s14] =	ssyncadd.s32 $0xFFFFC000  }
0x10a: {  	[spmem:s3] =	stream.indirect.scatter.add.f32 [tilespmem:s12], [sflag:$0x4], $0x80, s8, s11, $0xb8;
	[tilespmem:$0x1E000] =	vst v63  }
0x10b: {  	_ =	swait.ge [sflag:s6], $0x4000  }
0x10c: {  	[sflag:s6] =	ssyncset.done $0x0  }
0x10d: {  	s10 =	simm.s32 $0xE00;
	[sflag:s6] =	ssyncadd.s32 $0xFFFFC000  }
0x10e: {  	[tilespmem:s12], [sflag:$0x1] =	stream.indirect.gather [hbm4b:s1+s11], $0x80, s10, s11, $0xb8;
	[tilespmem:$0x1E000] =	vst v63  }
0x10f: {  	_ =	swait.ge [sflag:s16], $0x4000  }
0x110: {  	[sflag:s16] =	ssyncset.done $0x0  }
0x111: {  	s15 =	simm.s32 $0x1D80;
	[sflag:s16] =	ssyncadd.s32 $0xFFFFC000  }
0x112: {  	[spmem:s3] =	stream.indirect.scatter.add.f32 [tilespmem:s13], [sflag:$0x4], $0x80, s15, s11, $0xb8;
	[tilespmem:$0x1E000] =	vst v63  }
0x113: {  	_ =	swait.ge [sflag:s6], $0x4000  }
0x114: {  	[sflag:s6] =	ssyncset.done $0x0  }
0x115: {  	s17 =	simm.s32 $0xE80;
	[sflag:s6] =	ssyncadd.s32 $0xFFFFC000  }
0x116: {  	[tilespmem:s13], [sflag:$0x2] =	stream.indirect.gather [hbm4b:s1+s11], $0x80, s17, s11, $0xb8;
	[tilespmem:$0x1E000] =	vst v63  }
0x117: {  	_ =	swait.ge [sflag:s14], $0x4000  }
0x118: {  	[sflag:s14] =	ssyncset.done $0x0  }
0x119: {  	s18 =	simm.s32 $0x1E00;
	[sflag:s14] =	ssyncadd.s32 $0xFFFFC000  }
0x11a: {  	[spmem:s3] =	stream.indirect.scatter.add.f32 [tilespmem:s12], [sflag:$0x4], $0x80, s18, s11, $0xb8;
	[tilespmem:$0x1E000] =	vst v63  }
0x11b: {  	_ =	swait.ge [sflag:s6], $0x4000  }
0x11c: {  	[sflag:s6] =	ssyncset.done $0x0  }
0x11d: {  	s19 =	simm.s32 $0xF00;
	[sflag:s6] =	ssyncadd.s32 $0xFFFFC000  }
0x11e: {  	[tilespmem:s12], [sflag:$0x1] =	stream.indirect.gather [hbm4b:s1+s11], $0x80, s19, s11, $0xb8;
	[tilespmem:$0x1E000] =	vst v63  }
0x11f: {  	_ =	swait.ge [sflag:s16], $0x4000  }
0x120: {  	[sflag:s16] =	ssyncset.done $0x0  }
0x121: {  	s20 =	simm.s32 $0x1E80;
	[sflag:s16] =	ssyncadd.s32 $0xFFFFC000  }
0x122: {  	[spmem:s3] =	stream.indirect.scatter.add.f32 [tilespmem:s13], [sflag:$0x4], $0x80, s20, s11, $0xb8;
	[tilespmem:$0x1E000] =	vst v63  }
0x123: {  	_ =	swait.ge [sflag:s6], $0x4000  }
0x124: {  	[sflag:s6] =	ssyncset.done $0x0  }
0x125: {  	s21 =	simm.s32 $0xF80;
	[sflag:s6] =	ssyncadd.s32 $0xFFFFC000  }
0x126: {  	[tilespmem:s13], [sflag:$0x2] =	stream.indirect.gather [hbm4b:s1+s11], $0x80, s21, s11, $0xb8;
	[tilespmem:$0x1E000] =	vst v63  }
0x127: {  	_ =	swait.ge [sflag:s14], $0x4000  }
0x128: {  	[sflag:s14] =	ssyncset.done $0x0  }
0x129: {  	s22 =	simm.s32 $0x1F00;
	[sflag:s14] =	ssyncadd.s32 $0xFFFFC000  }
0x12a: {  	[spmem:s3] =	stream.indirect.scatter.add.f32 [tilespmem:s12], [sflag:$0x4], $0x80, s22, s11, $0xb8;
	[tilespmem:$0x1E000] =	vst v63  }
0x12b: {  	_ =	swait.ge [sflag:s6], $0x4000  }
0x12c: {  	[sflag:s6] =	ssyncset.done $0x0  }
0x12d: {  	[sflag:s6] =	ssyncadd.s32 $0xFFFFC000  }
0x12e: {  	_ =	swait.ge [sflag:s16], $0x4000  }
0x12f: {  	[sflag:s16] =	ssyncset.done $0x0  }
0x130: {  	s23 =	simm.s32 $0x1F80;
	[sflag:s16] =	ssyncadd.s32 $0xFFFFC000  }
0x131: {  	[spmem:s3] =	stream.indirect.scatter.add.f32 [tilespmem:s13], [sflag:$0x4], $0x80, s23, s11, $0xb8;
	[tilespmem:$0x1E000] =	vst v63  }
0x132: {  	_ =	swait.ge [sflag:s6], $0x4000  }
0x133: {  	[sflag:s6] =	ssyncset.done $0x0  }
0x134: {  	[sflag:s6] =	ssyncadd.s32 $0xFFFFC000  }
0x135: {  	_ =	swait.ge [sflag:s29], $0x800  }
0x136: {  	[sflag:s29] =	ssyncset.done $0x0  }
0x137: {  	[sflag:s29] =	ssyncadd.s32 $0xFFFFF800  }
0x138: {  	_ =	swait.ge [sflag:s29], $0x800  }
0x139: {  	[sflag:s29] =	ssyncset.done $0x0  }
0x13a: {  	s24 =	rddreg [dreg:$0xd];
	[sflag:s29] =	ssyncadd.s32 $0xFFFFF800  }
0x13b: {  	[tilespmem:s2], [sflag:$0x3] =	stream.linear.gather [hbm4b:s24+s4], $0x800, $0x38;
	[tilespmem:$0x1E000] =	vst v63  }
0x13c: {  	s30 =	rddreg [dreg:$0xe]  }
0x13d: {  	[tilespmem:s0], [sflag:$0x3] =	stream.linear.gather [hbm4b:s30+s4], $0x800, $0x38;
	[tilespmem:$0x1E000] =	vst v63  }
0x13e: {  	_ = 	snop  }
0x13f: {  	[tilespmem:s12], [sflag:$0x1] =	stream.indirect.gather [hbm4b:s1+s11], $0x80, s4, s11, $0xb8;
	[tilespmem:$0x1E000] =	vst v63  }
0x140: {  	_ = 	snop  }
0x141: {  	[tilespmem:s13], [sflag:$0x2] =	stream.indirect.gather [hbm4b:s1+s11], $0x80, s11, s11, $0xb8;
	[tilespmem:$0x1E000] =	vst v63  }
0x142: {  	_ =	swait.ge [sflag:s14], $0x4000  }
0x143: {  	[sflag:s14] =	ssyncset.done $0x0  }
0x144: {  	[sflag:s14] =	ssyncadd.s32 $0xFFFFC000  }
0x145: {  	[spmem:s3] =	stream.indirect.scatter.add.f32 [tilespmem:s12], [sflag:$0x4], $0x80, s28, s11, $0xb8;
	[tilespmem:$0x1E000] =	vst v63  }
0x146: {  	_ =	swait.ge [sflag:s6], $0x4000  }
0x147: {  	[sflag:s6] =	ssyncset.done $0x0  }
0x148: {  	s25 =	simm.s32 $0x100;
	[sflag:s6] =	ssyncadd.s32 $0xFFFFC000  }
0x149: {  	[tilespmem:s12], [sflag:$0x1] =	stream.indirect.gather [hbm4b:s1+s11], $0x80, s25, s11, $0xb8;
	[tilespmem:$0x1E000] =	vst v63  }
0x14a: {  	_ =	swait.ge [sflag:s16], $0x4000  }
0x14b: {  	[sflag:s16] =	ssyncset.done $0x0  }
0x14c: {  	s26 =	simm.s32 $0x1080;
	[sflag:s16] =	ssyncadd.s32 $0xFFFFC000  }
0x14d: {  	[spmem:s3] =	stream.indirect.scatter.add.f32 [tilespmem:s13], [sflag:$0x4], $0x80, s26, s11, $0xb8;
	[tilespmem:$0x1E000] =	vst v63  }
0x14e: {  	_ =	swait.ge [sflag:s6], $0x4000  }
0x14f: {  	[sflag:s6] =	ssyncset.done $0x0  }
0x150: {  	s31 =	simm.s32 $0x180;
	[sflag:s6] =	ssyncadd.s32 $0xFFFFC000  }
0x151: {  	[tilespmem:s13], [sflag:$0x2] =	stream.indirect.gather [hbm4b:s1+s11], $0x80, s31, s11, $0xb8;
	[tilespmem:$0x1E000] =	vst v63  }
0x152: {  	_ =	swait.ge [sflag:s14], $0x4000  }
0x153: {  	[sflag:s14] =	ssyncset.done $0x0  }
0x154: {  	s8 =	simm.s32 $0x1100;
	[sflag:s14] =	ssyncadd.s32 $0xFFFFC000  }
0x155: {  	[spmem:s3] =	stream.indirect.scatter.add.f32 [tilespmem:s12], [sflag:$0x4], $0x80, s8, s11, $0xb8;
	[tilespmem:$0x1E000] =	vst v63  }
0x156: {  	_ =	swait.ge [sflag:s6], $0x4000  }
0x157: {  	[sflag:s6] =	ssyncset.done $0x0  }
0x158: {  	s10 =	simm.s32 $0x200;
	[sflag:s6] =	ssyncadd.s32 $0xFFFFC000  }
0x159: {  	[tilespmem:s12], [sflag:$0x1] =	stream.indirect.gather [hbm4b:s1+s11], $0x80, s10, s11, $0xb8;
	[tilespmem:$0x1E000] =	vst v63  }
0x15a: {  	_ =	swait.ge [sflag:s16], $0x4000  }
0x15b: {  	[sflag:s16] =	ssyncset.done $0x0  }
0x15c: {  	s15 =	simm.s32 $0x1180;
	[sflag:s16] =	ssyncadd.s32 $0xFFFFC000  }
0x15d: {  	[spmem:s3] =	stream.indirect.scatter.add.f32 [tilespmem:s13], [sflag:$0x4], $0x80, s15, s11, $0xb8;
	[tilespmem:$0x1E000] =	vst v63  }
0x15e: {  	_ =	swait.ge [sflag:s6], $0x4000  }
0x15f: {  	[sflag:s6] =	ssyncset.done $0x0  }
0x160: {  	s17 =	simm.s32 $0x280;
	[sflag:s6] =	ssyncadd.s32 $0xFFFFC000  }
0x161: {  	[tilespmem:s13], [sflag:$0x2] =	stream.indirect.gather [hbm4b:s1+s11], $0x80, s17, s11, $0xb8;
	[tilespmem:$0x1E000] =	vst v63  }
0x162: {  	_ =	swait.ge [sflag:s14], $0x4000  }
0x163: {  	[sflag:s14] =	ssyncset.done $0x0  }
0x164: {  	s18 =	simm.s32 $0x1200;
	[sflag:s14] =	ssyncadd.s32 $0xFFFFC000  }
0x165: {  	[spmem:s3] =	stream.indirect.scatter.add.f32 [tilespmem:s12], [sflag:$0x4], $0x80, s18, s11, $0xb8;
	[tilespmem:$0x1E000] =	vst v63  }
0x166: {  	_ =	swait.ge [sflag:s6], $0x4000  }
0x167: {  	[sflag:s6] =	ssyncset.done $0x0  }
0x168: {  	s19 =	simm.s32 $0x300;
	[sflag:s6] =	ssyncadd.s32 $0xFFFFC000  }
0x169: {  	[tilespmem:s12], [sflag:$0x1] =	stream.indirect.gather [hbm4b:s1+s11], $0x80, s19, s11, $0xb8;
	[tilespmem:$0x1E000] =	vst v63  }
0x16a: {  	_ =	swait.ge [sflag:s16], $0x4000  }
0x16b: {  	[sflag:s16] =	ssyncset.done $0x0  }
0x16c: {  	s20 =	simm.s32 $0x1280;
	[sflag:s16] =	ssyncadd.s32 $0xFFFFC000  }
0x16d: {  	[spmem:s3] =	stream.indirect.scatter.add.f32 [tilespmem:s13], [sflag:$0x4], $0x80, s20, s11, $0xb8;
	[tilespmem:$0x1E000] =	vst v63  }
0x16e: {  	_ =	swait.ge [sflag:s6], $0x4000  }
0x16f: {  	[sflag:s6] =	ssyncset.done $0x0  }
0x170: {  	s21 =	simm.s32 $0x380;
	[sflag:s6] =	ssyncadd.s32 $0xFFFFC000  }
0x171: {  	[tilespmem:s13], [sflag:$0x2] =	stream.indirect.gather [hbm4b:s1+s11], $0x80, s21, s11, $0xb8;
	[tilespmem:$0x1E000] =	vst v63  }
0x172: {  	_ =	swait.ge [sflag:s14], $0x4000  }
0x173: {  	[sflag:s14] =	ssyncset.done $0x0  }
0x174: {  	s22 =	simm.s32 $0x1300;
	[sflag:s14] =	ssyncadd.s32 $0xFFFFC000  }
0x175: {  	[spmem:s3] =	stream.indirect.scatter.add.f32 [tilespmem:s12], [sflag:$0x4], $0x80, s22, s11, $0xb8;
	[tilespmem:$0x1E000] =	vst v63  }
0x176: {  	_ =	swait.ge [sflag:s6], $0x4000  }
0x177: {  	[sflag:s6] =	ssyncset.done $0x0  }
0x178: {  	s23 =	simm.s32 $0x400;
	[sflag:s6] =	ssyncadd.s32 $0xFFFFC000  }
0x179: {  	[tilespmem:s12], [sflag:$0x1] =	stream.indirect.gather [hbm4b:s1+s11], $0x80, s23, s11, $0xb8;
	[tilespmem:$0x1E000] =	vst v63  }
0x17a: {  	_ =	swait.ge [sflag:s16], $0x4000  }
0x17b: {  	[sflag:s16] =	ssyncset.done $0x0  }
0x17c: {  	s24 =	simm.s32 $0x1380;
	[sflag:s16] =	ssyncadd.s32 $0xFFFFC000  }
0x17d: {  	[spmem:s3] =	stream.indirect.scatter.add.f32 [tilespmem:s13], [sflag:$0x4], $0x80, s24, s11, $0xb8;
	[tilespmem:$0x1E000] =	vst v63  }
0x17e: {  	_ =	swait.ge [sflag:s6], $0x4000  }
0x17f: {  	[sflag:s6] =	ssyncset.done $0x0  }
0x180: {  	s25 =	simm.s32 $0x480;
	[sflag:s6] =	ssyncadd.s32 $0xFFFFC000  }
0x181: {  	[tilespmem:s13], [sflag:$0x2] =	stream.indirect.gather [hbm4b:s1+s11], $0x80, s25, s11, $0xb8;
	[tilespmem:$0x1E000] =	vst v63  }
0x182: {  	_ =	swait.ge [sflag:s14], $0x4000  }
0x183: {  	[sflag:s14] =	ssyncset.done $0x0  }
0x184: {  	s26 =	simm.s32 $0x1400;
	[sflag:s14] =	ssyncadd.s32 $0xFFFFC000  }
0x185: {  	[spmem:s3] =	stream.indirect.scatter.add.f32 [tilespmem:s12], [sflag:$0x4], $0x80, s26, s11, $0xb8;
	[tilespmem:$0x1E000] =	vst v63  }
0x186: {  	_ =	swait.ge [sflag:s6], $0x4000  }
0x187: {  	[sflag:s6] =	ssyncset.done $0x0  }
0x188: {  	s31 =	simm.s32 $0x500;
	[sflag:s6] =	ssyncadd.s32 $0xFFFFC000  }
0x189: {  	[tilespmem:s12], [sflag:$0x1] =	stream.indirect.gather [hbm4b:s1+s11], $0x80, s31, s11, $0xb8;
	[tilespmem:$0x1E000] =	vst v63  }
0x18a: {  	_ =	swait.ge [sflag:s16], $0x4000  }
0x18b: {  	[sflag:s16] =	ssyncset.done $0x0  }
0x18c: {  	s30 =	simm.s32 $0x1480;
	[sflag:s16] =	ssyncadd.s32 $0xFFFFC000  }
0x18d: {  	[spmem:s3] =	stream.indirect.scatter.add.f32 [tilespmem:s13], [sflag:$0x4], $0x80, s30, s11, $0xb8;
	[tilespmem:$0x1E000] =	vst v63  }
0x18e: {  	_ =	swait.ge [sflag:s6], $0x4000  }
0x18f: {  	[sflag:s6] =	ssyncset.done $0x0  }
0x190: {  	s30 =	simm.s32 $0x580;
	[sflag:s6] =	ssyncadd.s32 $0xFFFFC000  }
0x191: {  	[tilespmem:s13], [sflag:$0x2] =	stream.indirect.gather [hbm4b:s1+s11], $0x80, s30, s11, $0xb8;
	[tilespmem:$0x1E000] =	vst v63  }
0x192: {  	_ =	swait.ge [sflag:s14], $0x4000  }
0x193: {  	[sflag:s14] =	ssyncset.done $0x0  }
0x194: {  	s30 =	simm.s32 $0x1500;
	[sflag:s14] =	ssyncadd.s32 $0xFFFFC000  }
0x195: {  	[spmem:s3] =	stream.indirect.scatter.add.f32 [tilespmem:s12], [sflag:$0x4], $0x80, s30, s11, $0xb8;
	[tilespmem:$0x1E000] =	vst v63  }
0x196: {  	_ =	swait.ge [sflag:s6], $0x4000  }
0x197: {  	[sflag:s6] =	ssyncset.done $0x0  }
0x198: {  	s30 =	simm.s32 $0x600;
	[sflag:s6] =	ssyncadd.s32 $0xFFFFC000  }
0x199: {  	[tilespmem:s12], [sflag:$0x1] =	stream.indirect.gather [hbm4b:s1+s11], $0x80, s30, s11, $0xb8;
	[tilespmem:$0x1E000] =	vst v63  }
0x19a: {  	_ =	swait.ge [sflag:s16], $0x4000  }
0x19b: {  	[sflag:s16] =	ssyncset.done $0x0  }
0x19c: {  	s30 =	simm.s32 $0x1580;
	[sflag:s16] =	ssyncadd.s32 $0xFFFFC000  }
0x19d: {  	[spmem:s3] =	stream.indirect.scatter.add.f32 [tilespmem:s13], [sflag:$0x4], $0x80, s30, s11, $0xb8;
	[tilespmem:$0x1E000] =	vst v63  }
0x19e: {  	_ =	swait.ge [sflag:s6], $0x4000  }
0x19f: {  	[sflag:s6] =	ssyncset.done $0x0  }
0x1a0: {  	s30 =	simm.s32 $0x680;
	[sflag:s6] =	ssyncadd.s32 $0xFFFFC000  }
0x1a1: {  	[tilespmem:s13], [sflag:$0x2] =	stream.indirect.gather [hbm4b:s1+s11], $0x80, s30, s11, $0xb8;
	[tilespmem:$0x1E000] =	vst v63  }
0x1a2: {  	_ =	swait.ge [sflag:s14], $0x4000  }
0x1a3: {  	[sflag:s14] =	ssyncset.done $0x0  }
0x1a4: {  	s30 =	simm.s32 $0x1600;
	[sflag:s14] =	ssyncadd.s32 $0xFFFFC000  }
0x1a5: {  	[spmem:s3] =	stream.indirect.scatter.add.f32 [tilespmem:s12], [sflag:$0x4], $0x80, s30, s11, $0xb8;
	[tilespmem:$0x1E000] =	vst v63  }
0x1a6: {  	_ =	swait.ge [sflag:s6], $0x4000  }
0x1a7: {  	[sflag:s6] =	ssyncset.done $0x0  }
0x1a8: {  	s30 =	simm.s32 $0x700;
	[sflag:s6] =	ssyncadd.s32 $0xFFFFC000  }
0x1a9: {  	[tilespmem:s12], [sflag:$0x1] =	stream.indirect.gather [hbm4b:s1+s11], $0x80, s30, s11, $0xb8;
	[tilespmem:$0x1E000] =	vst v63  }
0x1aa: {  	_ =	swait.ge [sflag:s16], $0x4000  }
0x1ab: {  	[sflag:s16] =	ssyncset.done $0x0  }
0x1ac: {  	s30 =	simm.s32 $0x1680;
	[sflag:s16] =	ssyncadd.s32 $0xFFFFC000  }
0x1ad: {  	[spmem:s3] =	stream.indirect.scatter.add.f32 [tilespmem:s13], [sflag:$0x4], $0x80, s30, s11, $0xb8;
	[tilespmem:$0x1E000] =	vst v63  }
0x1ae: {  	_ =	swait.ge [sflag:s6], $0x4000  }
0x1af: {  	[sflag:s6] =	ssyncset.done $0x0  }
0x1b0: {  	s30 =	simm.s32 $0x780;
	[sflag:s6] =	ssyncadd.s32 $0xFFFFC000  }
0x1b1: {  	[tilespmem:s13], [sflag:$0x2] =	stream.indirect.gather [hbm4b:s1+s11], $0x80, s30, s11, $0xb8;
	[tilespmem:$0x1E000] =	vst v63  }
0x1b2: {  	_ =	swait.ge [sflag:s14], $0x4000  }
0x1b3: {  	[sflag:s14] =	ssyncset.done $0x0  }
0x1b4: {  	s30 =	simm.s32 $0x1700;
	[sflag:s14] =	ssyncadd.s32 $0xFFFFC000  }
0x1b5: {  	[spmem:s3] =	stream.indirect.scatter.add.f32 [tilespmem:s12], [sflag:$0x4], $0x80, s30, s11, $0xb8;
	[tilespmem:$0x1E000] =	vst v63  }
0x1b6: {  	_ =	swait.ge [sflag:s6], $0x4000  }
0x1b7: {  	[sflag:s6] =	ssyncset.done $0x0  }
0x1b8: {  	[sflag:s6] =	ssyncadd.s32 $0xFFFFC000  }
0x1b9: {  	_ =	swait.ge [sflag:s16], $0x4000  }
0x1ba: {  	[sflag:s16] =	ssyncset.done $0x0  }
0x1bb: {  	s30 =	simm.s32 $0x1780;
	[sflag:s16] =	ssyncadd.s32 $0xFFFFC000  }
0x1bc: {  	[spmem:s3] =	stream.indirect.scatter.add.f32 [tilespmem:s13], [sflag:$0x4], $0x80, s30, s11, $0xb8;
	[tilespmem:$0x1E000] =	vst v63  }
0x1bd: {  	_ =	swait.ge [sflag:s6], $0x4000  }
0x1be: {  	[sflag:s6] =	ssyncset.done $0x0  }
0x1bf: {  	[sflag:s6] =	ssyncadd.s32 $0xFFFFC000  }
0x1c0: {  	_ =	swait.ge [sflag:s29], $0x800  }
0x1c1: {  	[sflag:s29] =	ssyncset.done $0x0  }
0x1c2: {  	[sflag:s29] =	ssyncadd.s32 $0xFFFFF800  }
0x1c3: {  	_ =	swait.ge [sflag:s29], $0x800  }
0x1c4: {  	s30 =	rddreg [dreg:$0xf]  }
0x1c5: {  	[sflag:s29] =	ssyncset.done $0x0;
	[dreg:$0x15] =	wrdreg s30  }
0x1c6: {  	[sflag:s29] =	ssyncadd.s32 $0xFFFFF800;
	s2 =	rddreg [dreg:$0x15]  }
0x1c7: {  	[tilespmem:s4], [sflag:$0x3] =	stream.linear.gather [hbm4b:s2+s4], $0x800, $0x38;
	[tilespmem:$0x1E000] =	vst v63  }
0x1c8: {  	s30 =	rddreg [dreg:$0x10]  }
0x1c9: {  	[tilespmem:s28], [sflag:$0x3] =	stream.linear.gather [hbm4b:s30+s4], $0x800, $0x38;
	[tilespmem:$0x1E000] =	vst v63  }
0x1ca: {  	s5 =	simm.s32 $0x800  }
0x1cb: {  	[tilespmem:s12], [sflag:$0x1] =	stream.indirect.gather [hbm4b:s1+s11], $0x80, s5, s11, $0xb8;
	[tilespmem:$0x1E000] =	vst v63  }
0x1cc: {  	s2 =	simm.s32 $0x880  }
0x1cd: {  	[tilespmem:s13], [sflag:$0x2] =	stream.indirect.gather [hbm4b:s1+s11], $0x80, s2, s11, $0xb8;
	[tilespmem:$0x1E000] =	vst v63  }
0x1ce: {  	_ =	swait.ge [sflag:s14], $0x4000  }
0x1cf: {  	[sflag:s14] =	ssyncset.done $0x0  }
0x1d0: {  	s0 =	simm.s32 $0x1800;
	[sflag:s14] =	ssyncadd.s32 $0xFFFFC000  }
0x1d1: {  	[spmem:s3] =	stream.indirect.scatter.add.f32 [tilespmem:s12], [sflag:$0x4], $0x80, s0, s11, $0xb8;
	[tilespmem:$0x1E000] =	vst v63  }
0x1d2: {  	_ =	swait.ge [sflag:s6], $0x4000  }
0x1d3: {  	[sflag:s6] =	ssyncset.done $0x0  }
0x1d4: {  	s5 =	simm.s32 $0x900;
	[sflag:s6] =	ssyncadd.s32 $0xFFFFC000  }
0x1d5: {  	[tilespmem:s12], [sflag:$0x1] =	stream.indirect.gather [hbm4b:s1+s11], $0x80, s5, s11, $0xb8;
	[tilespmem:$0x1E000] =	vst v63  }
0x1d6: {  	_ =	swait.ge [sflag:s16], $0x4000  }
0x1d7: {  	[sflag:s16] =	ssyncset.done $0x0  }
0x1d8: {  	s2 =	simm.s32 $0x1880;
	[sflag:s16] =	ssyncadd.s32 $0xFFFFC000  }
0x1d9: {  	[spmem:s3] =	stream.indirect.scatter.add.f32 [tilespmem:s13], [sflag:$0x4], $0x80, s2, s11, $0xb8;
	[tilespmem:$0x1E000] =	vst v63  }
0x1da: {  	_ =	swait.ge [sflag:s6], $0x4000  }
0x1db: {  	[sflag:s6] =	ssyncset.done $0x0  }
0x1dc: {  	s5 =	simm.s32 $0x980;
	[sflag:s6] =	ssyncadd.s32 $0xFFFFC000  }
0x1dd: {  	[tilespmem:s13], [sflag:$0x2] =	stream.indirect.gather [hbm4b:s1+s11], $0x80, s5, s11, $0xb8;
	[tilespmem:$0x1E000] =	vst v63  }
0x1de: {  	_ =	swait.ge [sflag:s14], $0x4000  }
0x1df: {  	[sflag:s14] =	ssyncset.done $0x0  }
0x1e0: {  	s2 =	simm.s32 $0x1900;
	[sflag:s14] =	ssyncadd.s32 $0xFFFFC000  }
0x1e1: {  	[spmem:s3] =	stream.indirect.scatter.add.f32 [tilespmem:s12], [sflag:$0x4], $0x80, s2, s11, $0xb8;
	[tilespmem:$0x1E000] =	vst v63  }
0x1e2: {  	_ =	swait.ge [sflag:s6], $0x4000  }
0x1e3: {  	[sflag:s6] =	ssyncset.done $0x0  }
0x1e4: {  	s5 =	simm.s32 $0xA00;
	[sflag:s6] =	ssyncadd.s32 $0xFFFFC000  }
0x1e5: {  	[tilespmem:s12], [sflag:$0x1] =	stream.indirect.gather [hbm4b:s1+s11], $0x80, s5, s11, $0xb8;
	[tilespmem:$0x1E000] =	vst v63  }
0x1e6: {  	_ =	swait.ge [sflag:s16], $0x4000  }
0x1e7: {  	[sflag:s16] =	ssyncset.done $0x0  }
0x1e8: {  	s2 =	simm.s32 $0x1980;
	[sflag:s16] =	ssyncadd.s32 $0xFFFFC000  }
0x1e9: {  	[spmem:s3] =	stream.indirect.scatter.add.f32 [tilespmem:s13], [sflag:$0x4], $0x80, s2, s11, $0xb8;
	[tilespmem:$0x1E000] =	vst v63  }
0x1ea: {  	_ =	swait.ge [sflag:s6], $0x4000  }
0x1eb: {  	[sflag:s6] =	ssyncset.done $0x0  }
0x1ec: {  	s5 =	simm.s32 $0xA80;
	[sflag:s6] =	ssyncadd.s32 $0xFFFFC000  }
0x1ed: {  	[tilespmem:s13], [sflag:$0x2] =	stream.indirect.gather [hbm4b:s1+s11], $0x80, s5, s11, $0xb8;
	[tilespmem:$0x1E000] =	vst v63  }
0x1ee: {  	_ =	swait.ge [sflag:s14], $0x4000  }
0x1ef: {  	[sflag:s14] =	ssyncset.done $0x0  }
0x1f0: {  	s2 =	simm.s32 $0x1A00;
	[sflag:s14] =	ssyncadd.s32 $0xFFFFC000  }
0x1f1: {  	[spmem:s3] =	stream.indirect.scatter.add.f32 [tilespmem:s12], [sflag:$0x4], $0x80, s2, s11, $0xb8;
	[tilespmem:$0x1E000] =	vst v63  }
0x1f2: {  	_ =	swait.ge [sflag:s6], $0x4000  }
0x1f3: {  	[sflag:s6] =	ssyncset.done $0x0  }
0x1f4: {  	s5 =	simm.s32 $0xB00;
	[sflag:s6] =	ssyncadd.s32 $0xFFFFC000  }
0x1f5: {  	[tilespmem:s12], [sflag:$0x1] =	stream.indirect.gather [hbm4b:s1+s11], $0x80, s5, s11, $0xb8;
	[tilespmem:$0x1E000] =	vst v63  }
0x1f6: {  	_ =	swait.ge [sflag:s16], $0x4000  }
0x1f7: {  	[sflag:s16] =	ssyncset.done $0x0  }
0x1f8: {  	s2 =	simm.s32 $0x1A80;
	[sflag:s16] =	ssyncadd.s32 $0xFFFFC000  }
0x1f9: {  	[spmem:s3] =	stream.indirect.scatter.add.f32 [tilespmem:s13], [sflag:$0x4], $0x80, s2, s11, $0xb8;
	[tilespmem:$0x1E000] =	vst v63  }
0x1fa: {  	_ =	swait.ge [sflag:s6], $0x4000  }
0x1fb: {  	[sflag:s6] =	ssyncset.done $0x0  }
0x1fc: {  	s5 =	simm.s32 $0xB80;
	[sflag:s6] =	ssyncadd.s32 $0xFFFFC000  }
0x1fd: {  	[tilespmem:s13], [sflag:$0x2] =	stream.indirect.gather [hbm4b:s1+s11], $0x80, s5, s11, $0xb8;
	[tilespmem:$0x1E000] =	vst v63  }
0x1fe: {  	_ =	swait.ge [sflag:s14], $0x4000  }
0x1ff: {  	[sflag:s14] =	ssyncset.done $0x0  }
0x200: {  	s2 =	simm.s32 $0x1B00;
	[sflag:s14] =	ssyncadd.s32 $0xFFFFC000  }
0x201: {  	[spmem:s3] =	stream.indirect.scatter.add.f32 [tilespmem:s12], [sflag:$0x4], $0x80, s2, s11, $0xb8;
	[tilespmem:$0x1E000] =	vst v63  }
0x202: {  	_ =	swait.ge [sflag:s6], $0x4000  }
0x203: {  	[sflag:s6] =	ssyncset.done $0x0  }
0x204: {  	s5 =	simm.s32 $0xC00;
	[sflag:s6] =	ssyncadd.s32 $0xFFFFC000  }
0x205: {  	[tilespmem:s12], [sflag:$0x1] =	stream.indirect.gather [hbm4b:s1+s11], $0x80, s5, s11, $0xb8;
	[tilespmem:$0x1E000] =	vst v63  }
0x206: {  	_ =	swait.ge [sflag:s16], $0x4000  }
0x207: {  	[sflag:s16] =	ssyncset.done $0x0  }
0x208: {  	s2 =	simm.s32 $0x1B80;
	[sflag:s16] =	ssyncadd.s32 $0xFFFFC000  }
0x209: {  	[spmem:s3] =	stream.indirect.scatter.add.f32 [tilespmem:s13], [sflag:$0x4], $0x80, s2, s11, $0xb8;
	[tilespmem:$0x1E000] =	vst v63  }
0x20a: {  	_ =	swait.ge [sflag:s6], $0x4000  }
0x20b: {  	[sflag:s6] =	ssyncset.done $0x0  }
0x20c: {  	s5 =	simm.s32 $0xC80;
	[sflag:s6] =	ssyncadd.s32 $0xFFFFC000  }
0x20d: {  	[tilespmem:s13], [sflag:$0x2] =	stream.indirect.gather [hbm4b:s1+s11], $0x80, s5, s11, $0xb8;
	[tilespmem:$0x1E000] =	vst v63  }
0x20e: {  	_ =	swait.ge [sflag:s14], $0x4000  }
0x20f: {  	[sflag:s14] =	ssyncset.done $0x0  }
0x210: {  	s2 =	simm.s32 $0x1C00;
	[sflag:s14] =	ssyncadd.s32 $0xFFFFC000  }
0x211: {  	[spmem:s3] =	stream.indirect.scatter.add.f32 [tilespmem:s12], [sflag:$0x4], $0x80, s2, s11, $0xb8;
	[tilespmem:$0x1E000] =	vst v63  }
0x212: {  	_ =	swait.ge [sflag:s6], $0x4000  }
0x213: {  	[sflag:s6] =	ssyncset.done $0x0  }
0x214: {  	s5 =	simm.s32 $0xD00;
	[sflag:s6] =	ssyncadd.s32 $0xFFFFC000  }
0x215: {  	[tilespmem:s12], [sflag:$0x1] =	stream.indirect.gather [hbm4b:s1+s11], $0x80, s5, s11, $0xb8;
	[tilespmem:$0x1E000] =	vst v63  }
0x216: {  	_ =	swait.ge [sflag:s16], $0x4000  }
0x217: {  	[sflag:s16] =	ssyncset.done $0x0  }
0x218: {  	s2 =	simm.s32 $0x1C80;
	[sflag:s16] =	ssyncadd.s32 $0xFFFFC000  }
0x219: {  	[spmem:s3] =	stream.indirect.scatter.add.f32 [tilespmem:s13], [sflag:$0x4], $0x80, s2, s11, $0xb8;
	[tilespmem:$0x1E000] =	vst v63  }
0x21a: {  	_ =	swait.ge [sflag:s6], $0x4000  }
0x21b: {  	[sflag:s6] =	ssyncset.done $0x0  }
0x21c: {  	s5 =	simm.s32 $0xD80;
	[sflag:s6] =	ssyncadd.s32 $0xFFFFC000  }
0x21d: {  	[tilespmem:s13], [sflag:$0x2] =	stream.indirect.gather [hbm4b:s1+s11], $0x80, s5, s11, $0xb8;
	[tilespmem:$0x1E000] =	vst v63  }
0x21e: {  	_ =	swait.ge [sflag:s14], $0x4000  }
0x21f: {  	[sflag:s14] =	ssyncset.done $0x0  }
0x220: {  	s2 =	simm.s32 $0x1D00;
	[sflag:s14] =	ssyncadd.s32 $0xFFFFC000  }
0x221: {  	[spmem:s3] =	stream.indirect.scatter.add.f32 [tilespmem:s12], [sflag:$0x4], $0x80, s2, s11, $0xb8;
	[tilespmem:$0x1E000] =	vst v63  }
0x222: {  	_ =	swait.ge [sflag:s6], $0x4000  }
0x223: {  	[sflag:s6] =	ssyncset.done $0x0  }
0x224: {  	s5 =	simm.s32 $0xE00;
	[sflag:s6] =	ssyncadd.s32 $0xFFFFC000  }
0x225: {  	[tilespmem:s12], [sflag:$0x1] =	stream.indirect.gather [hbm4b:s1+s11], $0x80, s5, s11, $0xb8;
	[tilespmem:$0x1E000] =	vst v63  }
0x226: {  	_ =	swait.ge [sflag:s16], $0x4000  }
0x227: {  	[sflag:s16] =	ssyncset.done $0x0  }
0x228: {  	s2 =	simm.s32 $0x1D80;
	[sflag:s16] =	ssyncadd.s32 $0xFFFFC000  }
0x229: {  	[spmem:s3] =	stream.indirect.scatter.add.f32 [tilespmem:s13], [sflag:$0x4], $0x80, s2, s11, $0xb8;
	[tilespmem:$0x1E000] =	vst v63  }
0x22a: {  	_ =	swait.ge [sflag:s6], $0x4000  }
0x22b: {  	[sflag:s6] =	ssyncset.done $0x0  }
0x22c: {  	s5 =	simm.s32 $0xE80;
	[sflag:s6] =	ssyncadd.s32 $0xFFFFC000  }
0x22d: {  	[tilespmem:s13], [sflag:$0x2] =	stream.indirect.gather [hbm4b:s1+s11], $0x80, s5, s11, $0xb8;
	[tilespmem:$0x1E000] =	vst v63  }
0x22e: {  	_ =	swait.ge [sflag:s14], $0x4000  }
0x22f: {  	[sflag:s14] =	ssyncset.done $0x0  }
0x230: {  	s2 =	simm.s32 $0x1E00;
	[sflag:s14] =	ssyncadd.s32 $0xFFFFC000  }
0x231: {  	[spmem:s3] =	stream.indirect.scatter.add.f32 [tilespmem:s12], [sflag:$0x4], $0x80, s2, s11, $0xb8;
	[tilespmem:$0x1E000] =	vst v63  }
0x232: {  	_ =	swait.ge [sflag:s6], $0x4000  }
0x233: {  	[sflag:s6] =	ssyncset.done $0x0  }
0x234: {  	s5 =	simm.s32 $0xF00;
	[sflag:s6] =	ssyncadd.s32 $0xFFFFC000  }
0x235: {  	[tilespmem:s12], [sflag:$0x1] =	stream.indirect.gather [hbm4b:s1+s11], $0x80, s5, s11, $0xb8;
	[tilespmem:$0x1E000] =	vst v63  }
0x236: {  	_ =	swait.ge [sflag:s16], $0x4000  }
0x237: {  	[sflag:s16] =	ssyncset.done $0x0  }
0x238: {  	s2 =	simm.s32 $0x1E80;
	[sflag:s16] =	ssyncadd.s32 $0xFFFFC000  }
0x239: {  	[spmem:s3] =	stream.indirect.scatter.add.f32 [tilespmem:s13], [sflag:$0x4], $0x80, s2, s11, $0xb8;
	[tilespmem:$0x1E000] =	vst v63  }
0x23a: {  	_ =	swait.ge [sflag:s6], $0x4000  }
0x23b: {  	[sflag:s6] =	ssyncset.done $0x0  }
0x23c: {  	s5 =	simm.s32 $0xF80;
	[sflag:s6] =	ssyncadd.s32 $0xFFFFC000  }
0x23d: {  	[tilespmem:s13], [sflag:$0x2] =	stream.indirect.gather [hbm4b:s1+s11], $0x80, s5, s11, $0xb8;
	[tilespmem:$0x1E000] =	vst v63  }
0x23e: {  	_ =	swait.ge [sflag:s14], $0x4000  }
0x23f: {  	[sflag:s14] =	ssyncset.done $0x0  }
0x240: {  	s2 =	simm.s32 $0x1F00;
	[sflag:s14] =	ssyncadd.s32 $0xFFFFC000  }
0x241: {  	[spmem:s3] =	stream.indirect.scatter.add.f32 [tilespmem:s12], [sflag:$0x4], $0x80, s2, s11, $0xb8;
	[tilespmem:$0x1E000] =	vst v63  }
0x242: {  	_ =	swait.ge [sflag:s6], $0x4000  }
0x243: {  	[sflag:s6] =	ssyncset.done $0x0  }
0x244: {  	[sflag:s6] =	ssyncadd.s32 $0xFFFFC000  }
0x245: {  	_ =	swait.ge [sflag:s16], $0x4000  }
0x246: {  	[sflag:s16] =	ssyncset.done $0x0  }
0x247: {  	s5 =	simm.s32 $0x1F80;
	[sflag:s16] =	ssyncadd.s32 $0xFFFFC000  }
0x248: {  	[spmem:s3] =	stream.indirect.scatter.add.f32 [tilespmem:s13], [sflag:$0x4], $0x80, s5, s11, $0xb8;
	[tilespmem:$0x1E000] =	vst v63  }
0x249: {  	_ =	swait.ge [sflag:s6], $0x4000  }
0x24a: {  	[sflag:s6] =	ssyncset.done $0x0  }
0x24b: {  	[sflag:s6] =	ssyncadd.s32 $0xFFFFC000  }
0x24c: {  	_ =	swait.ge [sflag:s29], $0x800  }
0x24d: {  	[sflag:s29] =	ssyncset.done $0x0  }
0x24e: {  	[sflag:s29] =	ssyncadd.s32 $0xFFFFF800  }
0x24f: {  	_ =	swait.ge [sflag:s29], $0x800  }
0x250: {  	[sflag:s29] =	ssyncset.done $0x0  }
0x251: {  	[sflag:s29] =	ssyncadd.s32 $0xFFFFF800  }
0x252: {  	[tilespmem:s12], [sflag:$0x1] =	stream.indirect.gather [hbm4b:s1+s11], $0x80, s4, s11, $0xb8;
	[tilespmem:$0x1E000] =	vst v63  }
0x253: {  	_ = 	snop  }
0x254: {  	[tilespmem:s13], [sflag:$0x2] =	stream.indirect.gather [hbm4b:s1+s11], $0x80, s11, s11, $0xb8;
	[tilespmem:$0x1E000] =	vst v63  }
0x255: {  	_ =	swait.ge [sflag:s14], $0x4000  }
0x256: {  	[sflag:s14] =	ssyncset.done $0x0  }
0x257: {  	[sflag:s14] =	ssyncadd.s32 $0xFFFFC000  }
0x258: {  	[spmem:s3] =	stream.indirect.scatter.add.f32 [tilespmem:s12], [sflag:$0x4], $0x80, s28, s11, $0xb8;
	[tilespmem:$0x1E000] =	vst v63  }
0x259: {  	_ =	swait.ge [sflag:s6], $0x4000  }
0x25a: {  	[sflag:s6] =	ssyncset.done $0x0  }
0x25b: {  	s28 =	simm.s32 $0x100;
	[sflag:s6] =	ssyncadd.s32 $0xFFFFC000  }
0x25c: {  	[tilespmem:s12], [sflag:$0x1] =	stream.indirect.gather [hbm4b:s1+s11], $0x80, s28, s11, $0xb8;
	[tilespmem:$0x1E000] =	vst v63  }
0x25d: {  	_ =	swait.ge [sflag:s16], $0x4000  }
0x25e: {  	[sflag:s16] =	ssyncset.done $0x0  }
0x25f: {  	s2 =	simm.s32 $0x1080;
	[sflag:s16] =	ssyncadd.s32 $0xFFFFC000  }
0x260: {  	[spmem:s3] =	stream.indirect.scatter.add.f32 [tilespmem:s13], [sflag:$0x4], $0x80, s2, s11, $0xb8;
	[tilespmem:$0x1E000] =	vst v63  }
0x261: {  	_ =	swait.ge [sflag:s6], $0x4000  }
0x262: {  	[sflag:s6] =	ssyncset.done $0x0  }
0x263: {  	s5 =	simm.s32 $0x180;
	[sflag:s6] =	ssyncadd.s32 $0xFFFFC000  }
0x264: {  	[tilespmem:s13], [sflag:$0x2] =	stream.indirect.gather [hbm4b:s1+s11], $0x80, s5, s11, $0xb8;
	[tilespmem:$0x1E000] =	vst v63  }
0x265: {  	_ =	swait.ge [sflag:s14], $0x4000  }
0x266: {  	[sflag:s14] =	ssyncset.done $0x0  }
0x267: {  	[sflag:s14] =	ssyncadd.s32 $0xFFFFC000  }
0x268: {  	[spmem:s3] =	stream.indirect.scatter.add.f32 [tilespmem:s12], [sflag:$0x4], $0x80, s8, s11, $0xb8;
	[tilespmem:$0x1E000] =	vst v63  }
0x269: {  	_ =	swait.ge [sflag:s6], $0x4000  }
0x26a: {  	[sflag:s6] =	ssyncset.done $0x0  }
0x26b: {  	[sflag:s6] =	ssyncadd.s32 $0xFFFFC000  }
0x26c: {  	[tilespmem:s12], [sflag:$0x1] =	stream.indirect.gather [hbm4b:s1+s11], $0x80, s10, s11, $0xb8;
	[tilespmem:$0x1E000] =	vst v63  }
0x26d: {  	_ =	swait.ge [sflag:s16], $0x4000  }
0x26e: {  	[sflag:s16] =	ssyncset.done $0x0  }
0x26f: {  	[sflag:s16] =	ssyncadd.s32 $0xFFFFC000  }
0x270: {  	[spmem:s3] =	stream.indirect.scatter.add.f32 [tilespmem:s13], [sflag:$0x4], $0x80, s15, s11, $0xb8;
	[tilespmem:$0x1E000] =	vst v63  }
0x271: {  	_ =	swait.ge [sflag:s6], $0x4000  }
0x272: {  	[sflag:s6] =	ssyncset.done $0x0  }
0x273: {  	[sflag:s6] =	ssyncadd.s32 $0xFFFFC000  }
0x274: {  	[tilespmem:s13], [sflag:$0x2] =	stream.indirect.gather [hbm4b:s1+s11], $0x80, s17, s11, $0xb8;
	[tilespmem:$0x1E000] =	vst v63  }
0x275: {  	_ =	swait.ge [sflag:s14], $0x4000  }
0x276: {  	[sflag:s14] =	ssyncset.done $0x0  }
0x277: {  	[sflag:s14] =	ssyncadd.s32 $0xFFFFC000  }
0x278: {  	[spmem:s3] =	stream.indirect.scatter.add.f32 [tilespmem:s12], [sflag:$0x4], $0x80, s18, s11, $0xb8;
	[tilespmem:$0x1E000] =	vst v63  }
0x279: {  	_ =	swait.ge [sflag:s6], $0x4000  }
0x27a: {  	[sflag:s6] =	ssyncset.done $0x0  }
0x27b: {  	[sflag:s6] =	ssyncadd.s32 $0xFFFFC000  }
0x27c: {  	[tilespmem:s12], [sflag:$0x1] =	stream.indirect.gather [hbm4b:s1+s11], $0x80, s19, s11, $0xb8;
	[tilespmem:$0x1E000] =	vst v63  }
0x27d: {  	_ =	swait.ge [sflag:s16], $0x4000  }
0x27e: {  	[sflag:s16] =	ssyncset.done $0x0  }
0x27f: {  	[sflag:s16] =	ssyncadd.s32 $0xFFFFC000  }
0x280: {  	[spmem:s3] =	stream.indirect.scatter.add.f32 [tilespmem:s13], [sflag:$0x4], $0x80, s20, s11, $0xb8;
	[tilespmem:$0x1E000] =	vst v63  }
0x281: {  	_ =	swait.ge [sflag:s6], $0x4000  }
0x282: {  	[sflag:s6] =	ssyncset.done $0x0  }
0x283: {  	[sflag:s6] =	ssyncadd.s32 $0xFFFFC000  }
0x284: {  	[tilespmem:s13], [sflag:$0x2] =	stream.indirect.gather [hbm4b:s1+s11], $0x80, s21, s11, $0xb8;
	[tilespmem:$0x1E000] =	vst v63  }
0x285: {  	_ =	swait.ge [sflag:s14], $0x4000  }
0x286: {  	[sflag:s14] =	ssyncset.done $0x0  }
0x287: {  	[sflag:s14] =	ssyncadd.s32 $0xFFFFC000  }
0x288: {  	[spmem:s3] =	stream.indirect.scatter.add.f32 [tilespmem:s12], [sflag:$0x4], $0x80, s22, s11, $0xb8;
	[tilespmem:$0x1E000] =	vst v63  }
0x289: {  	_ =	swait.ge [sflag:s6], $0x4000  }
0x28a: {  	[sflag:s6] =	ssyncset.done $0x0  }
0x28b: {  	[sflag:s6] =	ssyncadd.s32 $0xFFFFC000  }
0x28c: {  	[tilespmem:s12], [sflag:$0x1] =	stream.indirect.gather [hbm4b:s1+s11], $0x80, s23, s11, $0xb8;
	[tilespmem:$0x1E000] =	vst v63  }
0x28d: {  	_ =	swait.ge [sflag:s16], $0x4000  }
0x28e: {  	[sflag:s16] =	ssyncset.done $0x0  }
0x28f: {  	[sflag:s16] =	ssyncadd.s32 $0xFFFFC000  }
0x290: {  	[spmem:s3] =	stream.indirect.scatter.add.f32 [tilespmem:s13], [sflag:$0x4], $0x80, s24, s11, $0xb8;
	[tilespmem:$0x1E000] =	vst v63  }
0x291: {  	_ =	swait.ge [sflag:s6], $0x4000  }
0x292: {  	[sflag:s6] =	ssyncset.done $0x0  }
0x293: {  	[sflag:s6] =	ssyncadd.s32 $0xFFFFC000  }
0x294: {  	[tilespmem:s13], [sflag:$0x2] =	stream.indirect.gather [hbm4b:s1+s11], $0x80, s25, s11, $0xb8;
	[tilespmem:$0x1E000] =	vst v63  }
0x295: {  	_ =	swait.ge [sflag:s14], $0x4000  }
0x296: {  	[sflag:s14] =	ssyncset.done $0x0  }
0x297: {  	[sflag:s14] =	ssyncadd.s32 $0xFFFFC000  }
0x298: {  	[spmem:s3] =	stream.indirect.scatter.add.f32 [tilespmem:s12], [sflag:$0x4], $0x80, s26, s11, $0xb8;
	[tilespmem:$0x1E000] =	vst v63  }
0x299: {  	_ =	swait.ge [sflag:s6], $0x4000  }
0x29a: {  	[sflag:s6] =	ssyncset.done $0x0  }
0x29b: {  	[sflag:s6] =	ssyncadd.s32 $0xFFFFC000  }
0x29c: {  	[tilespmem:s12], [sflag:$0x1] =	stream.indirect.gather [hbm4b:s1+s11], $0x80, s31, s11, $0xb8;
	[tilespmem:$0x1E000] =	vst v63  }
0x29d: {  	_ =	swait.ge [sflag:s16], $0x4000  }
0x29e: {  	[sflag:s16] =	ssyncset.done $0x0  }
0x29f: {  	s10 =	simm.s32 $0x1480;
	[sflag:s16] =	ssyncadd.s32 $0xFFFFC000  }
0x2a0: {  	[spmem:s3] =	stream.indirect.scatter.add.f32 [tilespmem:s13], [sflag:$0x4], $0x80, s10, s11, $0xb8;
	[tilespmem:$0x1E000] =	vst v63  }
0x2a1: {  	_ =	swait.ge [sflag:s6], $0x4000  }
0x2a2: {  	[sflag:s6] =	ssyncset.done $0x0  }
0x2a3: {  	s15 =	simm.s32 $0x580;
	[sflag:s6] =	ssyncadd.s32 $0xFFFFC000  }
0x2a4: {  	[tilespmem:s13], [sflag:$0x2] =	stream.indirect.gather [hbm4b:s1+s11], $0x80, s15, s11, $0xb8;
	[tilespmem:$0x1E000] =	vst v63  }
0x2a5: {  	_ =	swait.ge [sflag:s14], $0x4000  }
0x2a6: {  	[sflag:s14] =	ssyncset.done $0x0  }
0x2a7: {  	s17 =	simm.s32 $0x1500;
	[sflag:s14] =	ssyncadd.s32 $0xFFFFC000  }
0x2a8: {  	[spmem:s3] =	stream.indirect.scatter.add.f32 [tilespmem:s12], [sflag:$0x4], $0x80, s17, s11, $0xb8;
	[tilespmem:$0x1E000] =	vst v63  }
0x2a9: {  	_ =	swait.ge [sflag:s6], $0x4000  }
0x2aa: {  	[sflag:s6] =	ssyncset.done $0x0  }
0x2ab: {  	s18 =	simm.s32 $0x600;
	[sflag:s6] =	ssyncadd.s32 $0xFFFFC000  }
0x2ac: {  	[tilespmem:s12], [sflag:$0x1] =	stream.indirect.gather [hbm4b:s1+s11], $0x80, s18, s11, $0xb8;
	[tilespmem:$0x1E000] =	vst v63  }
0x2ad: {  	_ =	swait.ge [sflag:s16], $0x4000  }
0x2ae: {  	[sflag:s16] =	ssyncset.done $0x0  }
0x2af: {  	s19 =	simm.s32 $0x1580;
	[sflag:s16] =	ssyncadd.s32 $0xFFFFC000  }
0x2b0: {  	[spmem:s3] =	stream.indirect.scatter.add.f32 [tilespmem:s13], [sflag:$0x4], $0x80, s19, s11, $0xb8;
	[tilespmem:$0x1E000] =	vst v63  }
0x2b1: {  	_ =	swait.ge [sflag:s6], $0x4000  }
0x2b2: {  	[sflag:s6] =	ssyncset.done $0x0  }
0x2b3: {  	s20 =	simm.s32 $0x680;
	[sflag:s6] =	ssyncadd.s32 $0xFFFFC000  }
0x2b4: {  	[tilespmem:s13], [sflag:$0x2] =	stream.indirect.gather [hbm4b:s1+s11], $0x80, s20, s11, $0xb8;
	[tilespmem:$0x1E000] =	vst v63  }
0x2b5: {  	_ =	swait.ge [sflag:s14], $0x4000  }
0x2b6: {  	[sflag:s14] =	ssyncset.done $0x0  }
0x2b7: {  	s21 =	simm.s32 $0x1600;
	[sflag:s14] =	ssyncadd.s32 $0xFFFFC000  }
0x2b8: {  	[spmem:s3] =	stream.indirect.scatter.add.f32 [tilespmem:s12], [sflag:$0x4], $0x80, s21, s11, $0xb8;
	[tilespmem:$0x1E000] =	vst v63  }
0x2b9: {  	_ =	swait.ge [sflag:s6], $0x4000  }
0x2ba: {  	[sflag:s6] =	ssyncset.done $0x0  }
0x2bb: {  	s22 =	simm.s32 $0x700;
	[sflag:s6] =	ssyncadd.s32 $0xFFFFC000  }
0x2bc: {  	[tilespmem:s12], [sflag:$0x1] =	stream.indirect.gather [hbm4b:s1+s11], $0x80, s22, s11, $0xb8;
	[tilespmem:$0x1E000] =	vst v63  }
0x2bd: {  	_ =	swait.ge [sflag:s16], $0x4000  }
0x2be: {  	[sflag:s16] =	ssyncset.done $0x0  }
0x2bf: {  	s23 =	simm.s32 $0x1680;
	[sflag:s16] =	ssyncadd.s32 $0xFFFFC000  }
0x2c0: {  	[spmem:s3] =	stream.indirect.scatter.add.f32 [tilespmem:s13], [sflag:$0x4], $0x80, s23, s11, $0xb8;
	[tilespmem:$0x1E000] =	vst v63  }
0x2c1: {  	_ =	swait.ge [sflag:s6], $0x4000  }
0x2c2: {  	[sflag:s6] =	ssyncset.done $0x0  }
0x2c3: {  	s24 =	simm.s32 $0x780;
	[sflag:s6] =	ssyncadd.s32 $0xFFFFC000  }
0x2c4: {  	[tilespmem:s13], [sflag:$0x2] =	stream.indirect.gather [hbm4b:s1+s11], $0x80, s24, s11, $0xb8;
	[tilespmem:$0x1E000] =	vst v63  }
0x2c5: {  	_ =	swait.ge [sflag:s14], $0x4000  }
0x2c6: {  	[sflag:s14] =	ssyncset.done $0x0  }
0x2c7: {  	s25 =	simm.s32 $0x1700;
	[sflag:s14] =	ssyncadd.s32 $0xFFFFC000  }
0x2c8: {  	[spmem:s3] =	stream.indirect.scatter.add.f32 [tilespmem:s12], [sflag:$0x4], $0x80, s25, s11, $0xb8;
	[tilespmem:$0x1E000] =	vst v63  }
0x2c9: {  	_ =	swait.ge [sflag:s6], $0x4000  }
0x2ca: {  	[sflag:s6] =	ssyncset.done $0x0  }
0x2cb: {  	[sflag:s6] =	ssyncadd.s32 $0xFFFFC000  }
0x2cc: {  	_ =	swait.ge [sflag:s16], $0x4000  }
0x2cd: {  	[sflag:s16] =	ssyncset.done $0x0  }
0x2ce: {  	s26 =	simm.s32 $0x1780;
	[sflag:s16] =	ssyncadd.s32 $0xFFFFC000  }
0x2cf: {  	[spmem:s3] =	stream.indirect.scatter.add.f32 [tilespmem:s13], [sflag:$0x4], $0x80, s26, s11, $0xb8;
	[tilespmem:$0x1E000] =	vst v63  }
0x2d0: {  	_ =	swait.ge [sflag:s6], $0x4000  }
0x2d1: {  	[sflag:s6] =	ssyncset.done $0x0  }
0x2d2: {  	[sflag:s6] =	ssyncadd.s32 $0xFFFFC000  }
0x2d3: {  	[bflag:$0x0] =	sbarrier.arrive $0xFFFF  }
0x2d4: {  	s28 =	rddreg [dreg:$0x14]  }
0x2d5: {  	s0 =	ssub.s32 $0x2, s28  }
0x2d6: {  	s30 =	sshrl.u32 s0, $0x1  }
0x2d7: {  	s30 =	ssub.s32 s0, s30  }
0x2d8: {  	s30 =	smax.u32 s30, $0x1  }
0x2d9: {  	p0 =	sne.s32 s30, $0x1  }
.Ltmp0:
0x2da: {  	s31 =	rddreg [dreg:$0x11];
	(pc) =	sbr.rel @!p0 .LBB2_3-.Ltmp0, $4  }
0x2db: {  	[dreg:$0x12] =	wrdreg s7  }
0x2dc: {  	[dreg:$0x13] =	wrdreg s9  }
0x2dd: {  	[hbm:s31], [sflag:s7] =	dma.local [spmem:s9], $0x2800  }
0x2de: {  	_ =	swait.ge [sflag:s6], $0x2800;
	s30 =	sadd.s32 $0xFFFFFFFF, s30  }
0x2df: {  	s10 =	simm.s32 $0x800  }
0x2e0: {  	s8 =	simm.s32 $0x1800;
	s7 =	simm.s32 $0x900;
	s9 =	simm.s32 $0x1880  }
0x2e1: {  	s15 =	simm.s32 $0x980;
	s17 =	simm.s32 $0x1900;
	s18 =	simm.s32 $0xA00  }
0x2e2: {  	s19 =	simm.s32 $0x1980;
	s20 =	simm.s32 $0xA80;
	s21 =	simm.s32 $0x1A00  }
0x2e3: {  	s22 =	simm.s32 $0xB00;
	s23 =	simm.s32 $0x1A80;
	s24 =	simm.s32 $0xB80  }
0x2e4: {  	s25 =	simm.s32 $0x1B00;
	s26 =	simm.s32 $0xC00;
	s28 =	simm.s32 $0x1B80  }
.LBB2_2:
0x2e5: {  	s31 =	rddreg [dreg:$0x6]  }
0x2e6: {  	[sflag:s6] =	ssyncset.done $0x0;
	s0 =	rddreg [dreg:$0x12]  }
0x2e7: {  	s2 =	rddreg [dreg:$0x13];
	[sflag:s6] =	ssyncadd.s32 $0xFFFFD800  }
0x2e8: {  	[spmem:s2], [sflag:s0] =	dma.local [hbm:s31], $0x2800  }
0x2e9: {  	_ =	swait.ge [sflag:s6], $0x2800  }
0x2ea: {  	[sflag:s6] =	ssyncset.done $0x0  }
0x2eb: {  	[sflag:s6] =	ssyncadd.s32 $0xFFFFD800  }
0x2ec: {  	[bflag:$0x0] =	sbarrier.arrive $0xFFFF  }
0x2ed: {  	s2 =	rddreg [dreg:$0x7]  }
0x2ee: {  	[tilespmem:s4], [sflag:$0x4] =	stream.linear.gather [hbm4b:s2+s4], $0x800, $0x38;
	[tilespmem:$0x1E000] =	vst v63  }
0x2ef: {  	_ =	swait.ge [sflag:s6], $0x800  }
0x2f0: {  	[sflag:s6] =	ssyncset.done $0x0  }
0x2f1: {  	s0 =	simm.s32 $0x1000;
	s5 =	rddreg [dreg:$0x8];
	[sflag:s6] =	ssyncadd.s32 $0xFFFFF800  }
0x2f2: {  	[tilespmem:s0], [sflag:$0x4] =	stream.linear.gather [hbm4b:s5+s4], $0x800, $0x38;
	[tilespmem:$0x1E000] =	vst v63  }
0x2f3: {  	_ =	swait.ge [sflag:s6], $0x800  }
0x2f4: {  	[sflag:s6] =	ssyncset.done $0x0  }
0x2f5: {  	s2 =	rddreg [dreg:$0x9];
	[sflag:s6] =	ssyncadd.s32 $0xFFFFF800  }
0x2f6: {  	[tilespmem:s10], [sflag:$0x3] =	stream.linear.gather [hbm4b:s2+s4], $0x800, $0x38;
	[tilespmem:$0x1E000] =	vst v63  }
0x2f7: {  	s5 =	rddreg [dreg:$0xa]  }
0x2f8: {  	[tilespmem:s8], [sflag:$0x3] =	stream.linear.gather [hbm4b:s5+s4], $0x800, $0x38;
	[tilespmem:$0x1E000] =	vst v63  }
0x2f9: {  	_ = 	snop  }
0x2fa: {  	[tilespmem:s12], [sflag:$0x1] =	stream.indirect.gather [hbm4b:s1+s11], $0x80, s4, s11, $0xb8;
	[tilespmem:$0x1E000] =	vst v63  }
0x2fb: {  	_ = 	snop  }
0x2fc: {  	[tilespmem:s13], [sflag:$0x2] =	stream.indirect.gather [hbm4b:s1+s11], $0x80, s11, s11, $0xb8;
	[tilespmem:$0x1E000] =	vst v63  }
0x2fd: {  	_ =	swait.ge [sflag:s14], $0x4000  }
0x2fe: {  	[sflag:s14] =	ssyncset.done $0x0  }
0x2ff: {  	[sflag:s14] =	ssyncadd.s32 $0xFFFFC000  }
0x300: {  	[spmem:s3] =	stream.indirect.scatter.add.f32 [tilespmem:s12], [sflag:$0x4], $0x80, s0, s11, $0xb8;
	[tilespmem:$0x1E000] =	vst v63  }
0x301: {  	_ =	swait.ge [sflag:s6], $0x4000  }
0x302: {  	[sflag:s6] =	ssyncset.done $0x0  }
0x303: {  	s31 =	simm.s32 $0x100;
	[sflag:s6] =	ssyncadd.s32 $0xFFFFC000  }
0x304: {  	[tilespmem:s12], [sflag:$0x1] =	stream.indirect.gather [hbm4b:s1+s11], $0x80, s31, s11, $0xb8;
	[tilespmem:$0x1E000] =	vst v63  }
0x305: {  	_ =	swait.ge [sflag:s16], $0x4000  }
0x306: {  	[sflag:s16] =	ssyncset.done $0x0  }
0x307: {  	s5 =	simm.s32 $0x1080;
	[sflag:s16] =	ssyncadd.s32 $0xFFFFC000  }
0x308: {  	[spmem:s3] =	stream.indirect.scatter.add.f32 [tilespmem:s13], [sflag:$0x4], $0x80, s5, s11, $0xb8;
	[tilespmem:$0x1E000] =	vst v63  }
0x309: {  	_ =	swait.ge [sflag:s6], $0x4000  }
0x30a: {  	[sflag:s6] =	ssyncset.done $0x0  }
0x30b: {  	s31 =	simm.s32 $0x180;
	[sflag:s6] =	ssyncadd.s32 $0xFFFFC000  }
0x30c: {  	[tilespmem:s13], [sflag:$0x2] =	stream.indirect.gather [hbm4b:s1+s11], $0x80, s31, s11, $0xb8;
	[tilespmem:$0x1E000] =	vst v63  }
0x30d: {  	_ =	swait.ge [sflag:s14], $0x4000  }
0x30e: {  	[sflag:s14] =	ssyncset.done $0x0  }
0x30f: {  	s5 =	simm.s32 $0x1100;
	[sflag:s14] =	ssyncadd.s32 $0xFFFFC000  }
0x310: {  	[spmem:s3] =	stream.indirect.scatter.add.f32 [tilespmem:s12], [sflag:$0x4], $0x80, s5, s11, $0xb8;
	[tilespmem:$0x1E000] =	vst v63  }
0x311: {  	_ =	swait.ge [sflag:s6], $0x4000  }
0x312: {  	[sflag:s6] =	ssyncset.done $0x0  }
0x313: {  	s31 =	simm.s32 $0x200;
	[sflag:s6] =	ssyncadd.s32 $0xFFFFC000  }
0x314: {  	[tilespmem:s12], [sflag:$0x1] =	stream.indirect.gather [hbm4b:s1+s11], $0x80, s31, s11, $0xb8;
	[tilespmem:$0x1E000] =	vst v63  }
0x315: {  	_ =	swait.ge [sflag:s16], $0x4000  }
0x316: {  	[sflag:s16] =	ssyncset.done $0x0  }
0x317: {  	s5 =	simm.s32 $0x1180;
	[sflag:s16] =	ssyncadd.s32 $0xFFFFC000  }
0x318: {  	[spmem:s3] =	stream.indirect.scatter.add.f32 [tilespmem:s13], [sflag:$0x4], $0x80, s5, s11, $0xb8;
	[tilespmem:$0x1E000] =	vst v63  }
0x319: {  	_ =	swait.ge [sflag:s6], $0x4000  }
0x31a: {  	[sflag:s6] =	ssyncset.done $0x0  }
0x31b: {  	s31 =	simm.s32 $0x280;
	[sflag:s6] =	ssyncadd.s32 $0xFFFFC000  }
0x31c: {  	[tilespmem:s13], [sflag:$0x2] =	stream.indirect.gather [hbm4b:s1+s11], $0x80, s31, s11, $0xb8;
	[tilespmem:$0x1E000] =	vst v63  }
0x31d: {  	_ =	swait.ge [sflag:s14], $0x4000  }
0x31e: {  	[sflag:s14] =	ssyncset.done $0x0  }
0x31f: {  	s5 =	simm.s32 $0x1200;
	[sflag:s14] =	ssyncadd.s32 $0xFFFFC000  }
0x320: {  	[spmem:s3] =	stream.indirect.scatter.add.f32 [tilespmem:s12], [sflag:$0x4], $0x80, s5, s11, $0xb8;
	[tilespmem:$0x1E000] =	vst v63  }
0x321: {  	_ =	swait.ge [sflag:s6], $0x4000  }
0x322: {  	[sflag:s6] =	ssyncset.done $0x0  }
0x323: {  	s31 =	simm.s32 $0x300;
	[sflag:s6] =	ssyncadd.s32 $0xFFFFC000  }
0x324: {  	[tilespmem:s12], [sflag:$0x1] =	stream.indirect.gather [hbm4b:s1+s11], $0x80, s31, s11, $0xb8;
	[tilespmem:$0x1E000] =	vst v63  }
0x325: {  	_ =	swait.ge [sflag:s16], $0x4000  }
0x326: {  	[sflag:s16] =	ssyncset.done $0x0  }
0x327: {  	s5 =	simm.s32 $0x1280;
	[sflag:s16] =	ssyncadd.s32 $0xFFFFC000  }
0x328: {  	[spmem:s3] =	stream.indirect.scatter.add.f32 [tilespmem:s13], [sflag:$0x4], $0x80, s5, s11, $0xb8;
	[tilespmem:$0x1E000] =	vst v63  }
0x329: {  	_ =	swait.ge [sflag:s6], $0x4000  }
0x32a: {  	[sflag:s6] =	ssyncset.done $0x0  }
0x32b: {  	s31 =	simm.s32 $0x380;
	[sflag:s6] =	ssyncadd.s32 $0xFFFFC000  }
0x32c: {  	[tilespmem:s13], [sflag:$0x2] =	stream.indirect.gather [hbm4b:s1+s11], $0x80, s31, s11, $0xb8;
	[tilespmem:$0x1E000] =	vst v63  }
0x32d: {  	_ =	swait.ge [sflag:s14], $0x4000  }
0x32e: {  	[sflag:s14] =	ssyncset.done $0x0  }
0x32f: {  	s5 =	simm.s32 $0x1300;
	[sflag:s14] =	ssyncadd.s32 $0xFFFFC000  }
0x330: {  	[spmem:s3] =	stream.indirect.scatter.add.f32 [tilespmem:s12], [sflag:$0x4], $0x80, s5, s11, $0xb8;
	[tilespmem:$0x1E000] =	vst v63  }
0x331: {  	_ =	swait.ge [sflag:s6], $0x4000  }
0x332: {  	[sflag:s6] =	ssyncset.done $0x0  }
0x333: {  	s31 =	simm.s32 $0x400;
	[sflag:s6] =	ssyncadd.s32 $0xFFFFC000  }
0x334: {  	[tilespmem:s12], [sflag:$0x1] =	stream.indirect.gather [hbm4b:s1+s11], $0x80, s31, s11, $0xb8;
	[tilespmem:$0x1E000] =	vst v63  }
0x335: {  	_ =	swait.ge [sflag:s16], $0x4000  }
0x336: {  	[sflag:s16] =	ssyncset.done $0x0  }
0x337: {  	s5 =	simm.s32 $0x1380;
	[sflag:s16] =	ssyncadd.s32 $0xFFFFC000  }
0x338: {  	[spmem:s3] =	stream.indirect.scatter.add.f32 [tilespmem:s13], [sflag:$0x4], $0x80, s5, s11, $0xb8;
	[tilespmem:$0x1E000] =	vst v63  }
0x339: {  	_ =	swait.ge [sflag:s6], $0x4000  }
0x33a: {  	[sflag:s6] =	ssyncset.done $0x0  }
0x33b: {  	s31 =	simm.s32 $0x480;
	[sflag:s6] =	ssyncadd.s32 $0xFFFFC000  }
0x33c: {  	[tilespmem:s13], [sflag:$0x2] =	stream.indirect.gather [hbm4b:s1+s11], $0x80, s31, s11, $0xb8;
	[tilespmem:$0x1E000] =	vst v63  }
0x33d: {  	_ =	swait.ge [sflag:s14], $0x4000  }
0x33e: {  	[sflag:s14] =	ssyncset.done $0x0  }
0x33f: {  	s5 =	simm.s32 $0x1400;
	[sflag:s14] =	ssyncadd.s32 $0xFFFFC000  }
0x340: {  	[spmem:s3] =	stream.indirect.scatter.add.f32 [tilespmem:s12], [sflag:$0x4], $0x80, s5, s11, $0xb8;
	[tilespmem:$0x1E000] =	vst v63  }
0x341: {  	_ =	swait.ge [sflag:s6], $0x4000  }
0x342: {  	[sflag:s6] =	ssyncset.done $0x0  }
0x343: {  	s31 =	simm.s32 $0x500;
	[sflag:s6] =	ssyncadd.s32 $0xFFFFC000  }
0x344: {  	[tilespmem:s12], [sflag:$0x1] =	stream.indirect.gather [hbm4b:s1+s11], $0x80, s31, s11, $0xb8;
	[tilespmem:$0x1E000] =	vst v63  }
0x345: {  	_ =	swait.ge [sflag:s16], $0x4000  }
0x346: {  	[sflag:s16] =	ssyncset.done $0x0  }
0x347: {  	s5 =	simm.s32 $0x1480;
	[sflag:s16] =	ssyncadd.s32 $0xFFFFC000  }
0x348: {  	[spmem:s3] =	stream.indirect.scatter.add.f32 [tilespmem:s13], [sflag:$0x4], $0x80, s5, s11, $0xb8;
	[tilespmem:$0x1E000] =	vst v63  }
0x349: {  	_ =	swait.ge [sflag:s6], $0x4000  }
0x34a: {  	[sflag:s6] =	ssyncset.done $0x0  }
0x34b: {  	s31 =	simm.s32 $0x580;
	[sflag:s6] =	ssyncadd.s32 $0xFFFFC000  }
0x34c: {  	[tilespmem:s13], [sflag:$0x2] =	stream.indirect.gather [hbm4b:s1+s11], $0x80, s31, s11, $0xb8;
	[tilespmem:$0x1E000] =	vst v63  }
0x34d: {  	_ =	swait.ge [sflag:s14], $0x4000  }
0x34e: {  	[sflag:s14] =	ssyncset.done $0x0  }
0x34f: {  	s5 =	simm.s32 $0x1500;
	[sflag:s14] =	ssyncadd.s32 $0xFFFFC000  }
0x350: {  	[spmem:s3] =	stream.indirect.scatter.add.f32 [tilespmem:s12], [sflag:$0x4], $0x80, s5, s11, $0xb8;
	[tilespmem:$0x1E000] =	vst v63  }
0x351: {  	_ =	swait.ge [sflag:s6], $0x4000  }
0x352: {  	[sflag:s6] =	ssyncset.done $0x0  }
0x353: {  	s31 =	simm.s32 $0x600;
	[sflag:s6] =	ssyncadd.s32 $0xFFFFC000  }
0x354: {  	[tilespmem:s12], [sflag:$0x1] =	stream.indirect.gather [hbm4b:s1+s11], $0x80, s31, s11, $0xb8;
	[tilespmem:$0x1E000] =	vst v63  }
0x355: {  	_ =	swait.ge [sflag:s16], $0x4000  }
0x356: {  	[sflag:s16] =	ssyncset.done $0x0  }
0x357: {  	s5 =	simm.s32 $0x1580;
	[sflag:s16] =	ssyncadd.s32 $0xFFFFC000  }
0x358: {  	[spmem:s3] =	stream.indirect.scatter.add.f32 [tilespmem:s13], [sflag:$0x4], $0x80, s5, s11, $0xb8;
	[tilespmem:$0x1E000] =	vst v63  }
0x359: {  	_ =	swait.ge [sflag:s6], $0x4000  }
0x35a: {  	[sflag:s6] =	ssyncset.done $0x0  }
0x35b: {  	s31 =	simm.s32 $0x680;
	[sflag:s6] =	ssyncadd.s32 $0xFFFFC000  }
0x35c: {  	[tilespmem:s13], [sflag:$0x2] =	stream.indirect.gather [hbm4b:s1+s11], $0x80, s31, s11, $0xb8;
	[tilespmem:$0x1E000] =	vst v63  }
0x35d: {  	_ =	swait.ge [sflag:s14], $0x4000  }
0x35e: {  	[sflag:s14] =	ssyncset.done $0x0  }
0x35f: {  	s5 =	simm.s32 $0x1600;
	[sflag:s14] =	ssyncadd.s32 $0xFFFFC000  }
0x360: {  	[spmem:s3] =	stream.indirect.scatter.add.f32 [tilespmem:s12], [sflag:$0x4], $0x80, s5, s11, $0xb8;
	[tilespmem:$0x1E000] =	vst v63  }
0x361: {  	_ =	swait.ge [sflag:s6], $0x4000  }
0x362: {  	[sflag:s6] =	ssyncset.done $0x0  }
0x363: {  	s31 =	simm.s32 $0x700;
	[sflag:s6] =	ssyncadd.s32 $0xFFFFC000  }
0x364: {  	[tilespmem:s12], [sflag:$0x1] =	stream.indirect.gather [hbm4b:s1+s11], $0x80, s31, s11, $0xb8;
	[tilespmem:$0x1E000] =	vst v63  }
0x365: {  	_ =	swait.ge [sflag:s16], $0x4000  }
0x366: {  	[sflag:s16] =	ssyncset.done $0x0  }
0x367: {  	s5 =	simm.s32 $0x1680;
	[sflag:s16] =	ssyncadd.s32 $0xFFFFC000  }
0x368: {  	[spmem:s3] =	stream.indirect.scatter.add.f32 [tilespmem:s13], [sflag:$0x4], $0x80, s5, s11, $0xb8;
	[tilespmem:$0x1E000] =	vst v63  }
0x369: {  	_ =	swait.ge [sflag:s6], $0x4000  }
0x36a: {  	[sflag:s6] =	ssyncset.done $0x0  }
0x36b: {  	s31 =	simm.s32 $0x780;
	[sflag:s6] =	ssyncadd.s32 $0xFFFFC000  }
0x36c: {  	[tilespmem:s13], [sflag:$0x2] =	stream.indirect.gather [hbm4b:s1+s11], $0x80, s31, s11, $0xb8;
	[tilespmem:$0x1E000] =	vst v63  }
0x36d: {  	_ =	swait.ge [sflag:s14], $0x4000  }
0x36e: {  	[sflag:s14] =	ssyncset.done $0x0  }
0x36f: {  	s5 =	simm.s32 $0x1700;
	[sflag:s14] =	ssyncadd.s32 $0xFFFFC000  }
0x370: {  	[spmem:s3] =	stream.indirect.scatter.add.f32 [tilespmem:s12], [sflag:$0x4], $0x80, s5, s11, $0xb8;
	[tilespmem:$0x1E000] =	vst v63  }
0x371: {  	_ =	swait.ge [sflag:s6], $0x4000  }
0x372: {  	[sflag:s6] =	ssyncset.done $0x0  }
0x373: {  	[sflag:s6] =	ssyncadd.s32 $0xFFFFC000  }
0x374: {  	_ =	swait.ge [sflag:s16], $0x4000  }
0x375: {  	[sflag:s16] =	ssyncset.done $0x0  }
0x376: {  	s31 =	simm.s32 $0x1780;
	[sflag:s16] =	ssyncadd.s32 $0xFFFFC000  }
0x377: {  	[spmem:s3] =	stream.indirect.scatter.add.f32 [tilespmem:s13], [sflag:$0x4], $0x80, s31, s11, $0xb8;
	[tilespmem:$0x1E000] =	vst v63  }
0x378: {  	_ =	swait.ge [sflag:s6], $0x4000  }
0x379: {  	[sflag:s6] =	ssyncset.done $0x0  }
0x37a: {  	[sflag:s6] =	ssyncadd.s32 $0xFFFFC000  }
0x37b: {  	_ =	swait.ge [sflag:s29], $0x800  }
0x37c: {  	[sflag:s29] =	ssyncset.done $0x0  }
0x37d: {  	[sflag:s29] =	ssyncadd.s32 $0xFFFFF800  }
0x37e: {  	_ =	swait.ge [sflag:s29], $0x800  }
0x37f: {  	[sflag:s29] =	ssyncset.done $0x0  }
0x380: {  	s2 =	rddreg [dreg:$0xb];
	[sflag:s29] =	ssyncadd.s32 $0xFFFFF800  }
0x381: {  	[tilespmem:s4], [sflag:$0x3] =	stream.linear.gather [hbm4b:s2+s4], $0x800, $0x38;
	[tilespmem:$0x1E000] =	vst v63  }
0x382: {  	s5 =	rddreg [dreg:$0xc]  }
0x383: {  	[tilespmem:s0], [sflag:$0x3] =	stream.linear.gather [hbm4b:s5+s4], $0x800, $0x38;
	[tilespmem:$0x1E000] =	vst v63  }
0x384: {  	_ = 	snop  }
0x385: {  	[tilespmem:s12], [sflag:$0x1] =	stream.indirect.gather [hbm4b:s1+s11], $0x80, s10, s11, $0xb8;
	[tilespmem:$0x1E000] =	vst v63  }
0x386: {  	s5 =	simm.s32 $0x880  }
0x387: {  	[tilespmem:s13], [sflag:$0x2] =	stream.indirect.gather [hbm4b:s1+s11], $0x80, s5, s11, $0xb8;
	[tilespmem:$0x1E000] =	vst v63  }
0x388: {  	_ =	swait.ge [sflag:s14], $0x4000  }
0x389: {  	[sflag:s14] =	ssyncset.done $0x0  }
0x38a: {  	[sflag:s14] =	ssyncadd.s32 $0xFFFFC000  }
0x38b: {  	[spmem:s3] =	stream.indirect.scatter.add.f32 [tilespmem:s12], [sflag:$0x4], $0x80, s8, s11, $0xb8;
	[tilespmem:$0x1E000] =	vst v63  }
0x38c: {  	_ =	swait.ge [sflag:s6], $0x4000  }
0x38d: {  	[sflag:s6] =	ssyncset.done $0x0  }
0x38e: {  	[sflag:s6] =	ssyncadd.s32 $0xFFFFC000  }
0x38f: {  	[tilespmem:s12], [sflag:$0x1] =	stream.indirect.gather [hbm4b:s1+s11], $0x80, s7, s11, $0xb8;
	[tilespmem:$0x1E000] =	vst v63  }
0x390: {  	_ =	swait.ge [sflag:s16], $0x4000  }
0x391: {  	[sflag:s16] =	ssyncset.done $0x0  }
0x392: {  	[sflag:s16] =	ssyncadd.s32 $0xFFFFC000  }
0x393: {  	[spmem:s3] =	stream.indirect.scatter.add.f32 [tilespmem:s13], [sflag:$0x4], $0x80, s9, s11, $0xb8;
	[tilespmem:$0x1E000] =	vst v63  }
0x394: {  	_ =	swait.ge [sflag:s6], $0x4000  }
0x395: {  	[sflag:s6] =	ssyncset.done $0x0  }
0x396: {  	[sflag:s6] =	ssyncadd.s32 $0xFFFFC000  }
0x397: {  	[tilespmem:s13], [sflag:$0x2] =	stream.indirect.gather [hbm4b:s1+s11], $0x80, s15, s11, $0xb8;
	[tilespmem:$0x1E000] =	vst v63  }
0x398: {  	_ =	swait.ge [sflag:s14], $0x4000  }
0x399: {  	[sflag:s14] =	ssyncset.done $0x0  }
0x39a: {  	[sflag:s14] =	ssyncadd.s32 $0xFFFFC000  }
0x39b: {  	[spmem:s3] =	stream.indirect.scatter.add.f32 [tilespmem:s12], [sflag:$0x4], $0x80, s17, s11, $0xb8;
	[tilespmem:$0x1E000] =	vst v63  }
0x39c: {  	_ =	swait.ge [sflag:s6], $0x4000  }
0x39d: {  	[sflag:s6] =	ssyncset.done $0x0  }
0x39e: {  	[sflag:s6] =	ssyncadd.s32 $0xFFFFC000  }
0x39f: {  	[tilespmem:s12], [sflag:$0x1] =	stream.indirect.gather [hbm4b:s1+s11], $0x80, s18, s11, $0xb8;
	[tilespmem:$0x1E000] =	vst v63  }
0x3a0: {  	_ =	swait.ge [sflag:s16], $0x4000  }
0x3a1: {  	[sflag:s16] =	ssyncset.done $0x0  }
0x3a2: {  	[sflag:s16] =	ssyncadd.s32 $0xFFFFC000  }
0x3a3: {  	[spmem:s3] =	stream.indirect.scatter.add.f32 [tilespmem:s13], [sflag:$0x4], $0x80, s19, s11, $0xb8;
	[tilespmem:$0x1E000] =	vst v63  }
0x3a4: {  	_ =	swait.ge [sflag:s6], $0x4000  }
0x3a5: {  	[sflag:s6] =	ssyncset.done $0x0  }
0x3a6: {  	[sflag:s6] =	ssyncadd.s32 $0xFFFFC000  }
0x3a7: {  	[tilespmem:s13], [sflag:$0x2] =	stream.indirect.gather [hbm4b:s1+s11], $0x80, s20, s11, $0xb8;
	[tilespmem:$0x1E000] =	vst v63  }
0x3a8: {  	_ =	swait.ge [sflag:s14], $0x4000  }
0x3a9: {  	[sflag:s14] =	ssyncset.done $0x0  }
0x3aa: {  	[sflag:s14] =	ssyncadd.s32 $0xFFFFC000  }
0x3ab: {  	[spmem:s3] =	stream.indirect.scatter.add.f32 [tilespmem:s12], [sflag:$0x4], $0x80, s21, s11, $0xb8;
	[tilespmem:$0x1E000] =	vst v63  }
0x3ac: {  	_ =	swait.ge [sflag:s6], $0x4000  }
0x3ad: {  	[sflag:s6] =	ssyncset.done $0x0  }
0x3ae: {  	[sflag:s6] =	ssyncadd.s32 $0xFFFFC000  }
0x3af: {  	[tilespmem:s12], [sflag:$0x1] =	stream.indirect.gather [hbm4b:s1+s11], $0x80, s22, s11, $0xb8;
	[tilespmem:$0x1E000] =	vst v63  }
0x3b0: {  	_ =	swait.ge [sflag:s16], $0x4000  }
0x3b1: {  	[sflag:s16] =	ssyncset.done $0x0  }
0x3b2: {  	[sflag:s16] =	ssyncadd.s32 $0xFFFFC000  }
0x3b3: {  	[spmem:s3] =	stream.indirect.scatter.add.f32 [tilespmem:s13], [sflag:$0x4], $0x80, s23, s11, $0xb8;
	[tilespmem:$0x1E000] =	vst v63  }
0x3b4: {  	_ =	swait.ge [sflag:s6], $0x4000  }
0x3b5: {  	[sflag:s6] =	ssyncset.done $0x0  }
0x3b6: {  	[sflag:s6] =	ssyncadd.s32 $0xFFFFC000  }
0x3b7: {  	[tilespmem:s13], [sflag:$0x2] =	stream.indirect.gather [hbm4b:s1+s11], $0x80, s24, s11, $0xb8;
	[tilespmem:$0x1E000] =	vst v63  }
0x3b8: {  	_ =	swait.ge [sflag:s14], $0x4000  }
0x3b9: {  	[sflag:s14] =	ssyncset.done $0x0  }
0x3ba: {  	[sflag:s14] =	ssyncadd.s32 $0xFFFFC000  }
0x3bb: {  	[spmem:s3] =	stream.indirect.scatter.add.f32 [tilespmem:s12], [sflag:$0x4], $0x80, s25, s11, $0xb8;
	[tilespmem:$0x1E000] =	vst v63  }
0x3bc: {  	_ =	swait.ge [sflag:s6], $0x4000  }
0x3bd: {  	[sflag:s6] =	ssyncset.done $0x0  }
0x3be: {  	[sflag:s6] =	ssyncadd.s32 $0xFFFFC000  }
0x3bf: {  	[tilespmem:s12], [sflag:$0x1] =	stream.indirect.gather [hbm4b:s1+s11], $0x80, s26, s11, $0xb8;
	[tilespmem:$0x1E000] =	vst v63  }
0x3c0: {  	_ =	swait.ge [sflag:s16], $0x4000  }
0x3c1: {  	[sflag:s16] =	ssyncset.done $0x0  }
0x3c2: {  	[sflag:s16] =	ssyncadd.s32 $0xFFFFC000  }
0x3c3: {  	[spmem:s3] =	stream.indirect.scatter.add.f32 [tilespmem:s13], [sflag:$0x4], $0x80, s28, s11, $0xb8;
	[tilespmem:$0x1E000] =	vst v63  }
0x3c4: {  	_ =	swait.ge [sflag:s6], $0x4000  }
0x3c5: {  	[sflag:s6] =	ssyncset.done $0x0  }
0x3c6: {  	s31 =	simm.s32 $0xC80;
	[sflag:s6] =	ssyncadd.s32 $0xFFFFC000  }
0x3c7: {  	[tilespmem:s13], [sflag:$0x2] =	stream.indirect.gather [hbm4b:s1+s11], $0x80, s31, s11, $0xb8;
	[tilespmem:$0x1E000] =	vst v63  }
0x3c8: {  	_ =	swait.ge [sflag:s14], $0x4000  }
0x3c9: {  	[sflag:s14] =	ssyncset.done $0x0  }
0x3ca: {  	s31 =	simm.s32 $0x1C00;
	[sflag:s14] =	ssyncadd.s32 $0xFFFFC000  }
0x3cb: {  	[spmem:s3] =	stream.indirect.scatter.add.f32 [tilespmem:s12], [sflag:$0x4], $0x80, s31, s11, $0xb8;
	[tilespmem:$0x1E000] =	vst v63  }
0x3cc: {  	_ =	swait.ge [sflag:s6], $0x4000  }
0x3cd: {  	[sflag:s6] =	ssyncset.done $0x0  }
0x3ce: {  	s31 =	simm.s32 $0xD00;
	[sflag:s6] =	ssyncadd.s32 $0xFFFFC000  }
0x3cf: {  	[tilespmem:s12], [sflag:$0x1] =	stream.indirect.gather [hbm4b:s1+s11], $0x80, s31, s11, $0xb8;
	[tilespmem:$0x1E000] =	vst v63  }
0x3d0: {  	_ =	swait.ge [sflag:s16], $0x4000  }
0x3d1: {  	[sflag:s16] =	ssyncset.done $0x0  }
0x3d2: {  	s31 =	simm.s32 $0x1C80;
	[sflag:s16] =	ssyncadd.s32 $0xFFFFC000  }
0x3d3: {  	[spmem:s3] =	stream.indirect.scatter.add.f32 [tilespmem:s13], [sflag:$0x4], $0x80, s31, s11, $0xb8;
	[tilespmem:$0x1E000] =	vst v63  }
0x3d4: {  	_ =	swait.ge [sflag:s6], $0x4000  }
0x3d5: {  	[sflag:s6] =	ssyncset.done $0x0  }
0x3d6: {  	s31 =	simm.s32 $0xD80;
	[sflag:s6] =	ssyncadd.s32 $0xFFFFC000  }
0x3d7: {  	[tilespmem:s13], [sflag:$0x2] =	stream.indirect.gather [hbm4b:s1+s11], $0x80, s31, s11, $0xb8;
	[tilespmem:$0x1E000] =	vst v63  }
0x3d8: {  	_ =	swait.ge [sflag:s14], $0x4000  }
0x3d9: {  	[sflag:s14] =	ssyncset.done $0x0  }
0x3da: {  	s31 =	simm.s32 $0x1D00;
	[sflag:s14] =	ssyncadd.s32 $0xFFFFC000  }
0x3db: {  	[spmem:s3] =	stream.indirect.scatter.add.f32 [tilespmem:s12], [sflag:$0x4], $0x80, s31, s11, $0xb8;
	[tilespmem:$0x1E000] =	vst v63  }
0x3dc: {  	_ =	swait.ge [sflag:s6], $0x4000  }
0x3dd: {  	[sflag:s6] =	ssyncset.done $0x0  }
0x3de: {  	s31 =	simm.s32 $0xE00;
	[sflag:s6] =	ssyncadd.s32 $0xFFFFC000  }
0x3df: {  	[tilespmem:s12], [sflag:$0x1] =	stream.indirect.gather [hbm4b:s1+s11], $0x80, s31, s11, $0xb8;
	[tilespmem:$0x1E000] =	vst v63  }
0x3e0: {  	_ =	swait.ge [sflag:s16], $0x4000  }
0x3e1: {  	[sflag:s16] =	ssyncset.done $0x0  }
0x3e2: {  	s31 =	simm.s32 $0x1D80;
	[sflag:s16] =	ssyncadd.s32 $0xFFFFC000  }
0x3e3: {  	[spmem:s3] =	stream.indirect.scatter.add.f32 [tilespmem:s13], [sflag:$0x4], $0x80, s31, s11, $0xb8;
	[tilespmem:$0x1E000] =	vst v63  }
0x3e4: {  	_ =	swait.ge [sflag:s6], $0x4000  }
0x3e5: {  	[sflag:s6] =	ssyncset.done $0x0  }
0x3e6: {  	s31 =	simm.s32 $0xE80;
	[sflag:s6] =	ssyncadd.s32 $0xFFFFC000  }
0x3e7: {  	[tilespmem:s13], [sflag:$0x2] =	stream.indirect.gather [hbm4b:s1+s11], $0x80, s31, s11, $0xb8;
	[tilespmem:$0x1E000] =	vst v63  }
0x3e8: {  	_ =	swait.ge [sflag:s14], $0x4000  }
0x3e9: {  	[sflag:s14] =	ssyncset.done $0x0  }
0x3ea: {  	s31 =	simm.s32 $0x1E00;
	[sflag:s14] =	ssyncadd.s32 $0xFFFFC000  }
0x3eb: {  	[spmem:s3] =	stream.indirect.scatter.add.f32 [tilespmem:s12], [sflag:$0x4], $0x80, s31, s11, $0xb8;
	[tilespmem:$0x1E000] =	vst v63  }
0x3ec: {  	_ =	swait.ge [sflag:s6], $0x4000  }
0x3ed: {  	[sflag:s6] =	ssyncset.done $0x0  }
0x3ee: {  	s31 =	simm.s32 $0xF00;
	[sflag:s6] =	ssyncadd.s32 $0xFFFFC000  }
0x3ef: {  	[tilespmem:s12], [sflag:$0x1] =	stream.indirect.gather [hbm4b:s1+s11], $0x80, s31, s11, $0xb8;
	[tilespmem:$0x1E000] =	vst v63  }
0x3f0: {  	_ =	swait.ge [sflag:s16], $0x4000  }
0x3f1: {  	[sflag:s16] =	ssyncset.done $0x0  }
0x3f2: {  	s31 =	simm.s32 $0x1E80;
	[sflag:s16] =	ssyncadd.s32 $0xFFFFC000  }
0x3f3: {  	[spmem:s3] =	stream.indirect.scatter.add.f32 [tilespmem:s13], [sflag:$0x4], $0x80, s31, s11, $0xb8;
	[tilespmem:$0x1E000] =	vst v63  }
0x3f4: {  	_ =	swait.ge [sflag:s6], $0x4000  }
0x3f5: {  	[sflag:s6] =	ssyncset.done $0x0  }
0x3f6: {  	s31 =	simm.s32 $0xF80;
	[sflag:s6] =	ssyncadd.s32 $0xFFFFC000  }
0x3f7: {  	[tilespmem:s13], [sflag:$0x2] =	stream.indirect.gather [hbm4b:s1+s11], $0x80, s31, s11, $0xb8;
	[tilespmem:$0x1E000] =	vst v63  }
0x3f8: {  	_ =	swait.ge [sflag:s14], $0x4000  }
0x3f9: {  	[sflag:s14] =	ssyncset.done $0x0  }
0x3fa: {  	s31 =	simm.s32 $0x1F00;
	[sflag:s14] =	ssyncadd.s32 $0xFFFFC000  }
0x3fb: {  	[spmem:s3] =	stream.indirect.scatter.add.f32 [tilespmem:s12], [sflag:$0x4], $0x80, s31, s11, $0xb8;
	[tilespmem:$0x1E000] =	vst v63  }
0x3fc: {  	_ =	swait.ge [sflag:s6], $0x4000  }
0x3fd: {  	[sflag:s6] =	ssyncset.done $0x0  }
0x3fe: {  	[sflag:s6] =	ssyncadd.s32 $0xFFFFC000  }
0x3ff: {  	_ =	swait.ge [sflag:s16], $0x4000  }
0x400: {  	[sflag:s16] =	ssyncset.done $0x0  }
0x401: {  	s31 =	simm.s32 $0x1F80;
	[sflag:s16] =	ssyncadd.s32 $0xFFFFC000  }
0x402: {  	[spmem:s3] =	stream.indirect.scatter.add.f32 [tilespmem:s13], [sflag:$0x4], $0x80, s31, s11, $0xb8;
	[tilespmem:$0x1E000] =	vst v63  }
0x403: {  	_ =	swait.ge [sflag:s6], $0x4000  }
0x404: {  	[sflag:s6] =	ssyncset.done $0x0  }
0x405: {  	[sflag:s6] =	ssyncadd.s32 $0xFFFFC000  }
0x406: {  	_ =	swait.ge [sflag:s29], $0x800  }
0x407: {  	[sflag:s29] =	ssyncset.done $0x0  }
0x408: {  	[sflag:s29] =	ssyncadd.s32 $0xFFFFF800  }
0x409: {  	_ =	swait.ge [sflag:s29], $0x800  }
0x40a: {  	[sflag:s29] =	ssyncset.done $0x0  }
0x40b: {  	s2 =	rddreg [dreg:$0xd];
	[sflag:s29] =	ssyncadd.s32 $0xFFFFF800  }
0x40c: {  	[tilespmem:s10], [sflag:$0x3] =	stream.linear.gather [hbm4b:s2+s4], $0x800, $0x38;
	[tilespmem:$0x1E000] =	vst v63  }
0x40d: {  	s31 =	rddreg [dreg:$0xe]  }
0x40e: {  	[tilespmem:s8], [sflag:$0x3] =	stream.linear.gather [hbm4b:s31+s4], $0x800, $0x38;
	[tilespmem:$0x1E000] =	vst v63  }
0x40f: {  	_ = 	snop  }
0x410: {  	[tilespmem:s12], [sflag:$0x1] =	stream.indirect.gather [hbm4b:s1+s11], $0x80, s4, s11, $0xb8;
	[tilespmem:$0x1E000] =	vst v63  }
0x411: {  	_ = 	snop  }
0x412: {  	[tilespmem:s13], [sflag:$0x2] =	stream.indirect.gather [hbm4b:s1+s11], $0x80, s11, s11, $0xb8;
	[tilespmem:$0x1E000] =	vst v63  }
0x413: {  	_ =	swait.ge [sflag:s14], $0x4000  }
0x414: {  	[sflag:s14] =	ssyncset.done $0x0  }
0x415: {  	[sflag:s14] =	ssyncadd.s32 $0xFFFFC000  }
0x416: {  	[spmem:s3] =	stream.indirect.scatter.add.f32 [tilespmem:s12], [sflag:$0x4], $0x80, s0, s11, $0xb8;
	[tilespmem:$0x1E000] =	vst v63  }
0x417: {  	_ =	swait.ge [sflag:s6], $0x4000  }
0x418: {  	[sflag:s6] =	ssyncset.done $0x0  }
0x419: {  	s31 =	simm.s32 $0x100;
	[sflag:s6] =	ssyncadd.s32 $0xFFFFC000  }
0x41a: {  	[tilespmem:s12], [sflag:$0x1] =	stream.indirect.gather [hbm4b:s1+s11], $0x80, s31, s11, $0xb8;
	[tilespmem:$0x1E000] =	vst v63  }
0x41b: {  	_ =	swait.ge [sflag:s16], $0x4000  }
0x41c: {  	[sflag:s16] =	ssyncset.done $0x0  }
0x41d: {  	s31 =	simm.s32 $0x1080;
	[sflag:s16] =	ssyncadd.s32 $0xFFFFC000  }
0x41e: {  	[spmem:s3] =	stream.indirect.scatter.add.f32 [tilespmem:s13], [sflag:$0x4], $0x80, s31, s11, $0xb8;
	[tilespmem:$0x1E000] =	vst v63  }
0x41f: {  	_ =	swait.ge [sflag:s6], $0x4000  }
0x420: {  	[sflag:s6] =	ssyncset.done $0x0  }
0x421: {  	s31 =	simm.s32 $0x180;
	[sflag:s6] =	ssyncadd.s32 $0xFFFFC000  }
0x422: {  	[tilespmem:s13], [sflag:$0x2] =	stream.indirect.gather [hbm4b:s1+s11], $0x80, s31, s11, $0xb8;
	[tilespmem:$0x1E000] =	vst v63  }
0x423: {  	_ =	swait.ge [sflag:s14], $0x4000  }
0x424: {  	[sflag:s14] =	ssyncset.done $0x0  }
0x425: {  	s31 =	simm.s32 $0x1100;
	[sflag:s14] =	ssyncadd.s32 $0xFFFFC000  }
0x426: {  	[spmem:s3] =	stream.indirect.scatter.add.f32 [tilespmem:s12], [sflag:$0x4], $0x80, s31, s11, $0xb8;
	[tilespmem:$0x1E000] =	vst v63  }
0x427: {  	_ =	swait.ge [sflag:s6], $0x4000  }
0x428: {  	[sflag:s6] =	ssyncset.done $0x0  }
0x429: {  	s31 =	simm.s32 $0x200;
	[sflag:s6] =	ssyncadd.s32 $0xFFFFC000  }
0x42a: {  	[tilespmem:s12], [sflag:$0x1] =	stream.indirect.gather [hbm4b:s1+s11], $0x80, s31, s11, $0xb8;
	[tilespmem:$0x1E000] =	vst v63  }
0x42b: {  	_ =	swait.ge [sflag:s16], $0x4000  }
0x42c: {  	[sflag:s16] =	ssyncset.done $0x0  }
0x42d: {  	s31 =	simm.s32 $0x1180;
	[sflag:s16] =	ssyncadd.s32 $0xFFFFC000  }
0x42e: {  	[spmem:s3] =	stream.indirect.scatter.add.f32 [tilespmem:s13], [sflag:$0x4], $0x80, s31, s11, $0xb8;
	[tilespmem:$0x1E000] =	vst v63  }
0x42f: {  	_ =	swait.ge [sflag:s6], $0x4000  }
0x430: {  	[sflag:s6] =	ssyncset.done $0x0  }
0x431: {  	s31 =	simm.s32 $0x280;
	[sflag:s6] =	ssyncadd.s32 $0xFFFFC000  }
0x432: {  	[tilespmem:s13], [sflag:$0x2] =	stream.indirect.gather [hbm4b:s1+s11], $0x80, s31, s11, $0xb8;
	[tilespmem:$0x1E000] =	vst v63  }
0x433: {  	_ =	swait.ge [sflag:s14], $0x4000  }
0x434: {  	[sflag:s14] =	ssyncset.done $0x0  }
0x435: {  	s31 =	simm.s32 $0x1200;
	[sflag:s14] =	ssyncadd.s32 $0xFFFFC000  }
0x436: {  	[spmem:s3] =	stream.indirect.scatter.add.f32 [tilespmem:s12], [sflag:$0x4], $0x80, s31, s11, $0xb8;
	[tilespmem:$0x1E000] =	vst v63  }
0x437: {  	_ =	swait.ge [sflag:s6], $0x4000  }
0x438: {  	[sflag:s6] =	ssyncset.done $0x0  }
0x439: {  	s31 =	simm.s32 $0x300;
	[sflag:s6] =	ssyncadd.s32 $0xFFFFC000  }
0x43a: {  	[tilespmem:s12], [sflag:$0x1] =	stream.indirect.gather [hbm4b:s1+s11], $0x80, s31, s11, $0xb8;
	[tilespmem:$0x1E000] =	vst v63  }
0x43b: {  	_ =	swait.ge [sflag:s16], $0x4000  }
0x43c: {  	[sflag:s16] =	ssyncset.done $0x0  }
0x43d: {  	s31 =	simm.s32 $0x1280;
	[sflag:s16] =	ssyncadd.s32 $0xFFFFC000  }
0x43e: {  	[spmem:s3] =	stream.indirect.scatter.add.f32 [tilespmem:s13], [sflag:$0x4], $0x80, s31, s11, $0xb8;
	[tilespmem:$0x1E000] =	vst v63  }
0x43f: {  	_ =	swait.ge [sflag:s6], $0x4000  }
0x440: {  	[sflag:s6] =	ssyncset.done $0x0  }
0x441: {  	s31 =	simm.s32 $0x380;
	[sflag:s6] =	ssyncadd.s32 $0xFFFFC000  }
0x442: {  	[tilespmem:s13], [sflag:$0x2] =	stream.indirect.gather [hbm4b:s1+s11], $0x80, s31, s11, $0xb8;
	[tilespmem:$0x1E000] =	vst v63  }
0x443: {  	_ =	swait.ge [sflag:s14], $0x4000  }
0x444: {  	[sflag:s14] =	ssyncset.done $0x0  }
0x445: {  	s31 =	simm.s32 $0x1300;
	[sflag:s14] =	ssyncadd.s32 $0xFFFFC000  }
0x446: {  	[spmem:s3] =	stream.indirect.scatter.add.f32 [tilespmem:s12], [sflag:$0x4], $0x80, s31, s11, $0xb8;
	[tilespmem:$0x1E000] =	vst v63  }
0x447: {  	_ =	swait.ge [sflag:s6], $0x4000  }
0x448: {  	[sflag:s6] =	ssyncset.done $0x0  }
0x449: {  	s31 =	simm.s32 $0x400;
	[sflag:s6] =	ssyncadd.s32 $0xFFFFC000  }
0x44a: {  	[tilespmem:s12], [sflag:$0x1] =	stream.indirect.gather [hbm4b:s1+s11], $0x80, s31, s11, $0xb8;
	[tilespmem:$0x1E000] =	vst v63  }
0x44b: {  	_ =	swait.ge [sflag:s16], $0x4000  }
0x44c: {  	[sflag:s16] =	ssyncset.done $0x0  }
0x44d: {  	s31 =	simm.s32 $0x1380;
	[sflag:s16] =	ssyncadd.s32 $0xFFFFC000  }
0x44e: {  	[spmem:s3] =	stream.indirect.scatter.add.f32 [tilespmem:s13], [sflag:$0x4], $0x80, s31, s11, $0xb8;
	[tilespmem:$0x1E000] =	vst v63  }
0x44f: {  	_ =	swait.ge [sflag:s6], $0x4000  }
0x450: {  	[sflag:s6] =	ssyncset.done $0x0  }
0x451: {  	s31 =	simm.s32 $0x480;
	[sflag:s6] =	ssyncadd.s32 $0xFFFFC000  }
0x452: {  	[tilespmem:s13], [sflag:$0x2] =	stream.indirect.gather [hbm4b:s1+s11], $0x80, s31, s11, $0xb8;
	[tilespmem:$0x1E000] =	vst v63  }
0x453: {  	_ =	swait.ge [sflag:s14], $0x4000  }
0x454: {  	[sflag:s14] =	ssyncset.done $0x0  }
0x455: {  	s31 =	simm.s32 $0x1400;
	[sflag:s14] =	ssyncadd.s32 $0xFFFFC000  }
0x456: {  	[spmem:s3] =	stream.indirect.scatter.add.f32 [tilespmem:s12], [sflag:$0x4], $0x80, s31, s11, $0xb8;
	[tilespmem:$0x1E000] =	vst v63  }
0x457: {  	_ =	swait.ge [sflag:s6], $0x4000  }
0x458: {  	[sflag:s6] =	ssyncset.done $0x0  }
0x459: {  	s31 =	simm.s32 $0x500;
	[sflag:s6] =	ssyncadd.s32 $0xFFFFC000  }
0x45a: {  	[tilespmem:s12], [sflag:$0x1] =	stream.indirect.gather [hbm4b:s1+s11], $0x80, s31, s11, $0xb8;
	[tilespmem:$0x1E000] =	vst v63  }
0x45b: {  	_ =	swait.ge [sflag:s16], $0x4000  }
0x45c: {  	[sflag:s16] =	ssyncset.done $0x0  }
0x45d: {  	s31 =	simm.s32 $0x1480;
	[sflag:s16] =	ssyncadd.s32 $0xFFFFC000  }
0x45e: {  	[spmem:s3] =	stream.indirect.scatter.add.f32 [tilespmem:s13], [sflag:$0x4], $0x80, s31, s11, $0xb8;
	[tilespmem:$0x1E000] =	vst v63  }
0x45f: {  	_ =	swait.ge [sflag:s6], $0x4000  }
0x460: {  	[sflag:s6] =	ssyncset.done $0x0  }
0x461: {  	s31 =	simm.s32 $0x580;
	[sflag:s6] =	ssyncadd.s32 $0xFFFFC000  }
0x462: {  	[tilespmem:s13], [sflag:$0x2] =	stream.indirect.gather [hbm4b:s1+s11], $0x80, s31, s11, $0xb8;
	[tilespmem:$0x1E000] =	vst v63  }
0x463: {  	_ =	swait.ge [sflag:s14], $0x4000  }
0x464: {  	[sflag:s14] =	ssyncset.done $0x0  }
0x465: {  	s31 =	simm.s32 $0x1500;
	[sflag:s14] =	ssyncadd.s32 $0xFFFFC000  }
0x466: {  	[spmem:s3] =	stream.indirect.scatter.add.f32 [tilespmem:s12], [sflag:$0x4], $0x80, s31, s11, $0xb8;
	[tilespmem:$0x1E000] =	vst v63  }
0x467: {  	_ =	swait.ge [sflag:s6], $0x4000  }
0x468: {  	[sflag:s6] =	ssyncset.done $0x0  }
0x469: {  	s31 =	simm.s32 $0x600;
	[sflag:s6] =	ssyncadd.s32 $0xFFFFC000  }
0x46a: {  	[tilespmem:s12], [sflag:$0x1] =	stream.indirect.gather [hbm4b:s1+s11], $0x80, s31, s11, $0xb8;
	[tilespmem:$0x1E000] =	vst v63  }
0x46b: {  	_ =	swait.ge [sflag:s16], $0x4000  }
0x46c: {  	[sflag:s16] =	ssyncset.done $0x0  }
0x46d: {  	s31 =	simm.s32 $0x1580;
	[sflag:s16] =	ssyncadd.s32 $0xFFFFC000  }
0x46e: {  	[spmem:s3] =	stream.indirect.scatter.add.f32 [tilespmem:s13], [sflag:$0x4], $0x80, s31, s11, $0xb8;
	[tilespmem:$0x1E000] =	vst v63  }
0x46f: {  	_ =	swait.ge [sflag:s6], $0x4000  }
0x470: {  	[sflag:s6] =	ssyncset.done $0x0  }
0x471: {  	s31 =	simm.s32 $0x680;
	[sflag:s6] =	ssyncadd.s32 $0xFFFFC000  }
0x472: {  	[tilespmem:s13], [sflag:$0x2] =	stream.indirect.gather [hbm4b:s1+s11], $0x80, s31, s11, $0xb8;
	[tilespmem:$0x1E000] =	vst v63  }
0x473: {  	_ =	swait.ge [sflag:s14], $0x4000  }
0x474: {  	[sflag:s14] =	ssyncset.done $0x0  }
0x475: {  	s31 =	simm.s32 $0x1600;
	[sflag:s14] =	ssyncadd.s32 $0xFFFFC000  }
0x476: {  	[spmem:s3] =	stream.indirect.scatter.add.f32 [tilespmem:s12], [sflag:$0x4], $0x80, s31, s11, $0xb8;
	[tilespmem:$0x1E000] =	vst v63  }
0x477: {  	_ =	swait.ge [sflag:s6], $0x4000  }
0x478: {  	[sflag:s6] =	ssyncset.done $0x0  }
0x479: {  	s31 =	simm.s32 $0x700;
	[sflag:s6] =	ssyncadd.s32 $0xFFFFC000  }
0x47a: {  	[tilespmem:s12], [sflag:$0x1] =	stream.indirect.gather [hbm4b:s1+s11], $0x80, s31, s11, $0xb8;
	[tilespmem:$0x1E000] =	vst v63  }
0x47b: {  	_ =	swait.ge [sflag:s16], $0x4000  }
0x47c: {  	[sflag:s16] =	ssyncset.done $0x0  }
0x47d: {  	s31 =	simm.s32 $0x1680;
	[sflag:s16] =	ssyncadd.s32 $0xFFFFC000  }
0x47e: {  	[spmem:s3] =	stream.indirect.scatter.add.f32 [tilespmem:s13], [sflag:$0x4], $0x80, s31, s11, $0xb8;
	[tilespmem:$0x1E000] =	vst v63  }
0x47f: {  	_ =	swait.ge [sflag:s6], $0x4000  }
0x480: {  	[sflag:s6] =	ssyncset.done $0x0  }
0x481: {  	s31 =	simm.s32 $0x780;
	[sflag:s6] =	ssyncadd.s32 $0xFFFFC000  }
0x482: {  	[tilespmem:s13], [sflag:$0x2] =	stream.indirect.gather [hbm4b:s1+s11], $0x80, s31, s11, $0xb8;
	[tilespmem:$0x1E000] =	vst v63  }
0x483: {  	_ =	swait.ge [sflag:s14], $0x4000  }
0x484: {  	[sflag:s14] =	ssyncset.done $0x0  }
0x485: {  	s31 =	simm.s32 $0x1700;
	[sflag:s14] =	ssyncadd.s32 $0xFFFFC000  }
0x486: {  	[spmem:s3] =	stream.indirect.scatter.add.f32 [tilespmem:s12], [sflag:$0x4], $0x80, s31, s11, $0xb8;
	[tilespmem:$0x1E000] =	vst v63  }
0x487: {  	_ =	swait.ge [sflag:s6], $0x4000  }
0x488: {  	[sflag:s6] =	ssyncset.done $0x0  }
0x489: {  	[sflag:s6] =	ssyncadd.s32 $0xFFFFC000  }
0x48a: {  	_ =	swait.ge [sflag:s16], $0x4000  }
0x48b: {  	[sflag:s16] =	ssyncset.done $0x0  }
0x48c: {  	s31 =	simm.s32 $0x1780;
	[sflag:s16] =	ssyncadd.s32 $0xFFFFC000  }
0x48d: {  	[spmem:s3] =	stream.indirect.scatter.add.f32 [tilespmem:s13], [sflag:$0x4], $0x80, s31, s11, $0xb8;
	[tilespmem:$0x1E000] =	vst v63  }
0x48e: {  	_ =	swait.ge [sflag:s6], $0x4000  }
0x48f: {  	[sflag:s6] =	ssyncset.done $0x0  }
0x490: {  	[sflag:s6] =	ssyncadd.s32 $0xFFFFC000  }
0x491: {  	_ =	swait.ge [sflag:s29], $0x800  }
0x492: {  	[sflag:s29] =	ssyncset.done $0x0  }
0x493: {  	[sflag:s29] =	ssyncadd.s32 $0xFFFFF800  }
0x494: {  	_ =	swait.ge [sflag:s29], $0x800  }
0x495: {  	[sflag:s29] =	ssyncset.done $0x0  }
0x496: {  	s2 =	rddreg [dreg:$0xf];
	[sflag:s29] =	ssyncadd.s32 $0xFFFFF800  }
0x497: {  	[tilespmem:s4], [sflag:$0x3] =	stream.linear.gather [hbm4b:s2+s4], $0x800, $0x38;
	[tilespmem:$0x1E000] =	vst v63  }
0x498: {  	s31 =	rddreg [dreg:$0x10]  }
0x499: {  	[tilespmem:s0], [sflag:$0x3] =	stream.linear.gather [hbm4b:s31+s4], $0x800, $0x38;
	[tilespmem:$0x1E000] =	vst v63  }
0x49a: {  	_ = 	snop  }
0x49b: {  	[tilespmem:s12], [sflag:$0x1] =	stream.indirect.gather [hbm4b:s1+s11], $0x80, s10, s11, $0xb8;
	[tilespmem:$0x1E000] =	vst v63  }
0x49c: {  	_ = 	snop  }
0x49d: {  	[tilespmem:s13], [sflag:$0x2] =	stream.indirect.gather [hbm4b:s1+s11], $0x80, s5, s11, $0xb8;
	[tilespmem:$0x1E000] =	vst v63  }
0x49e: {  	_ =	swait.ge [sflag:s14], $0x4000  }
0x49f: {  	[sflag:s14] =	ssyncset.done $0x0  }
0x4a0: {  	[sflag:s14] =	ssyncadd.s32 $0xFFFFC000  }
0x4a1: {  	[spmem:s3] =	stream.indirect.scatter.add.f32 [tilespmem:s12], [sflag:$0x4], $0x80, s8, s11, $0xb8;
	[tilespmem:$0x1E000] =	vst v63  }
0x4a2: {  	_ =	swait.ge [sflag:s6], $0x4000  }
0x4a3: {  	[sflag:s6] =	ssyncset.done $0x0  }
0x4a4: {  	[sflag:s6] =	ssyncadd.s32 $0xFFFFC000  }
0x4a5: {  	[tilespmem:s12], [sflag:$0x1] =	stream.indirect.gather [hbm4b:s1+s11], $0x80, s7, s11, $0xb8;
	[tilespmem:$0x1E000] =	vst v63  }
0x4a6: {  	_ =	swait.ge [sflag:s16], $0x4000  }
0x4a7: {  	[sflag:s16] =	ssyncset.done $0x0  }
0x4a8: {  	[sflag:s16] =	ssyncadd.s32 $0xFFFFC000  }
0x4a9: {  	[spmem:s3] =	stream.indirect.scatter.add.f32 [tilespmem:s13], [sflag:$0x4], $0x80, s9, s11, $0xb8;
	[tilespmem:$0x1E000] =	vst v63  }
0x4aa: {  	_ =	swait.ge [sflag:s6], $0x4000  }
0x4ab: {  	[sflag:s6] =	ssyncset.done $0x0  }
0x4ac: {  	[sflag:s6] =	ssyncadd.s32 $0xFFFFC000  }
0x4ad: {  	[tilespmem:s13], [sflag:$0x2] =	stream.indirect.gather [hbm4b:s1+s11], $0x80, s15, s11, $0xb8;
	[tilespmem:$0x1E000] =	vst v63  }
0x4ae: {  	_ =	swait.ge [sflag:s14], $0x4000  }
0x4af: {  	[sflag:s14] =	ssyncset.done $0x0  }
0x4b0: {  	[sflag:s14] =	ssyncadd.s32 $0xFFFFC000  }
0x4b1: {  	[spmem:s3] =	stream.indirect.scatter.add.f32 [tilespmem:s12], [sflag:$0x4], $0x80, s17, s11, $0xb8;
	[tilespmem:$0x1E000] =	vst v63  }
0x4b2: {  	_ =	swait.ge [sflag:s6], $0x4000  }
0x4b3: {  	[sflag:s6] =	ssyncset.done $0x0  }
0x4b4: {  	[sflag:s6] =	ssyncadd.s32 $0xFFFFC000  }
0x4b5: {  	[tilespmem:s12], [sflag:$0x1] =	stream.indirect.gather [hbm4b:s1+s11], $0x80, s18, s11, $0xb8;
	[tilespmem:$0x1E000] =	vst v63  }
0x4b6: {  	_ =	swait.ge [sflag:s16], $0x4000  }
0x4b7: {  	[sflag:s16] =	ssyncset.done $0x0  }
0x4b8: {  	[sflag:s16] =	ssyncadd.s32 $0xFFFFC000  }
0x4b9: {  	[spmem:s3] =	stream.indirect.scatter.add.f32 [tilespmem:s13], [sflag:$0x4], $0x80, s19, s11, $0xb8;
	[tilespmem:$0x1E000] =	vst v63  }
0x4ba: {  	_ =	swait.ge [sflag:s6], $0x4000  }
0x4bb: {  	[sflag:s6] =	ssyncset.done $0x0  }
0x4bc: {  	[sflag:s6] =	ssyncadd.s32 $0xFFFFC000  }
0x4bd: {  	[tilespmem:s13], [sflag:$0x2] =	stream.indirect.gather [hbm4b:s1+s11], $0x80, s20, s11, $0xb8;
	[tilespmem:$0x1E000] =	vst v63  }
0x4be: {  	_ =	swait.ge [sflag:s14], $0x4000  }
0x4bf: {  	[sflag:s14] =	ssyncset.done $0x0  }
0x4c0: {  	[sflag:s14] =	ssyncadd.s32 $0xFFFFC000  }
0x4c1: {  	[spmem:s3] =	stream.indirect.scatter.add.f32 [tilespmem:s12], [sflag:$0x4], $0x80, s21, s11, $0xb8;
	[tilespmem:$0x1E000] =	vst v63  }
0x4c2: {  	_ =	swait.ge [sflag:s6], $0x4000  }
0x4c3: {  	[sflag:s6] =	ssyncset.done $0x0  }
0x4c4: {  	[sflag:s6] =	ssyncadd.s32 $0xFFFFC000  }
0x4c5: {  	[tilespmem:s12], [sflag:$0x1] =	stream.indirect.gather [hbm4b:s1+s11], $0x80, s22, s11, $0xb8;
	[tilespmem:$0x1E000] =	vst v63  }
0x4c6: {  	_ =	swait.ge [sflag:s16], $0x4000  }
0x4c7: {  	[sflag:s16] =	ssyncset.done $0x0  }
0x4c8: {  	[sflag:s16] =	ssyncadd.s32 $0xFFFFC000  }
0x4c9: {  	[spmem:s3] =	stream.indirect.scatter.add.f32 [tilespmem:s13], [sflag:$0x4], $0x80, s23, s11, $0xb8;
	[tilespmem:$0x1E000] =	vst v63  }
0x4ca: {  	_ =	swait.ge [sflag:s6], $0x4000  }
0x4cb: {  	[sflag:s6] =	ssyncset.done $0x0  }
0x4cc: {  	[sflag:s6] =	ssyncadd.s32 $0xFFFFC000  }
0x4cd: {  	[tilespmem:s13], [sflag:$0x2] =	stream.indirect.gather [hbm4b:s1+s11], $0x80, s24, s11, $0xb8;
	[tilespmem:$0x1E000] =	vst v63  }
0x4ce: {  	_ =	swait.ge [sflag:s14], $0x4000  }
0x4cf: {  	[sflag:s14] =	ssyncset.done $0x0  }
0x4d0: {  	[sflag:s14] =	ssyncadd.s32 $0xFFFFC000  }
0x4d1: {  	[spmem:s3] =	stream.indirect.scatter.add.f32 [tilespmem:s12], [sflag:$0x4], $0x80, s25, s11, $0xb8;
	[tilespmem:$0x1E000] =	vst v63  }
0x4d2: {  	_ =	swait.ge [sflag:s6], $0x4000  }
0x4d3: {  	[sflag:s6] =	ssyncset.done $0x0  }
0x4d4: {  	[sflag:s6] =	ssyncadd.s32 $0xFFFFC000  }
0x4d5: {  	[tilespmem:s12], [sflag:$0x1] =	stream.indirect.gather [hbm4b:s1+s11], $0x80, s26, s11, $0xb8;
	[tilespmem:$0x1E000] =	vst v63  }
0x4d6: {  	_ =	swait.ge [sflag:s16], $0x4000  }
0x4d7: {  	[sflag:s16] =	ssyncset.done $0x0  }
0x4d8: {  	[sflag:s16] =	ssyncadd.s32 $0xFFFFC000  }
0x4d9: {  	[spmem:s3] =	stream.indirect.scatter.add.f32 [tilespmem:s13], [sflag:$0x4], $0x80, s28, s11, $0xb8;
	[tilespmem:$0x1E000] =	vst v63  }
0x4da: {  	_ =	swait.ge [sflag:s6], $0x4000  }
0x4db: {  	[sflag:s6] =	ssyncset.done $0x0  }
0x4dc: {  	s31 =	simm.s32 $0xC80;
	[sflag:s6] =	ssyncadd.s32 $0xFFFFC000  }
0x4dd: {  	[tilespmem:s13], [sflag:$0x2] =	stream.indirect.gather [hbm4b:s1+s11], $0x80, s31, s11, $0xb8;
	[tilespmem:$0x1E000] =	vst v63  }
0x4de: {  	_ =	swait.ge [sflag:s14], $0x4000  }
0x4df: {  	[sflag:s14] =	ssyncset.done $0x0  }
0x4e0: {  	s5 =	simm.s32 $0x1C00;
	[sflag:s14] =	ssyncadd.s32 $0xFFFFC000  }
0x4e1: {  	[spmem:s3] =	stream.indirect.scatter.add.f32 [tilespmem:s12], [sflag:$0x4], $0x80, s5, s11, $0xb8;
	[tilespmem:$0x1E000] =	vst v63  }
0x4e2: {  	_ =	swait.ge [sflag:s6], $0x4000  }
0x4e3: {  	[sflag:s6] =	ssyncset.done $0x0  }
0x4e4: {  	s31 =	simm.s32 $0xD00;
	[sflag:s6] =	ssyncadd.s32 $0xFFFFC000  }
0x4e5: {  	[tilespmem:s12], [sflag:$0x1] =	stream.indirect.gather [hbm4b:s1+s11], $0x80, s31, s11, $0xb8;
	[tilespmem:$0x1E000] =	vst v63  }
0x4e6: {  	_ =	swait.ge [sflag:s16], $0x4000  }
0x4e7: {  	[sflag:s16] =	ssyncset.done $0x0  }
0x4e8: {  	s5 =	simm.s32 $0x1C80;
	[sflag:s16] =	ssyncadd.s32 $0xFFFFC000  }
0x4e9: {  	[spmem:s3] =	stream.indirect.scatter.add.f32 [tilespmem:s13], [sflag:$0x4], $0x80, s5, s11, $0xb8;
	[tilespmem:$0x1E000] =	vst v63  }
0x4ea: {  	_ =	swait.ge [sflag:s6], $0x4000  }
0x4eb: {  	[sflag:s6] =	ssyncset.done $0x0  }
0x4ec: {  	s31 =	simm.s32 $0xD80;
	[sflag:s6] =	ssyncadd.s32 $0xFFFFC000  }
0x4ed: {  	[tilespmem:s13], [sflag:$0x2] =	stream.indirect.gather [hbm4b:s1+s11], $0x80, s31, s11, $0xb8;
	[tilespmem:$0x1E000] =	vst v63  }
0x4ee: {  	_ =	swait.ge [sflag:s14], $0x4000  }
0x4ef: {  	[sflag:s14] =	ssyncset.done $0x0  }
0x4f0: {  	s5 =	simm.s32 $0x1D00;
	[sflag:s14] =	ssyncadd.s32 $0xFFFFC000  }
0x4f1: {  	[spmem:s3] =	stream.indirect.scatter.add.f32 [tilespmem:s12], [sflag:$0x4], $0x80, s5, s11, $0xb8;
	[tilespmem:$0x1E000] =	vst v63  }
0x4f2: {  	_ =	swait.ge [sflag:s6], $0x4000  }
0x4f3: {  	[sflag:s6] =	ssyncset.done $0x0  }
0x4f4: {  	s31 =	simm.s32 $0xE00;
	[sflag:s6] =	ssyncadd.s32 $0xFFFFC000  }
0x4f5: {  	[tilespmem:s12], [sflag:$0x1] =	stream.indirect.gather [hbm4b:s1+s11], $0x80, s31, s11, $0xb8;
	[tilespmem:$0x1E000] =	vst v63  }
0x4f6: {  	_ =	swait.ge [sflag:s16], $0x4000  }
0x4f7: {  	[sflag:s16] =	ssyncset.done $0x0  }
0x4f8: {  	s5 =	simm.s32 $0x1D80;
	[sflag:s16] =	ssyncadd.s32 $0xFFFFC000  }
0x4f9: {  	[spmem:s3] =	stream.indirect.scatter.add.f32 [tilespmem:s13], [sflag:$0x4], $0x80, s5, s11, $0xb8;
	[tilespmem:$0x1E000] =	vst v63  }
0x4fa: {  	_ =	swait.ge [sflag:s6], $0x4000  }
0x4fb: {  	[sflag:s6] =	ssyncset.done $0x0  }
0x4fc: {  	s31 =	simm.s32 $0xE80;
	[sflag:s6] =	ssyncadd.s32 $0xFFFFC000  }
0x4fd: {  	[tilespmem:s13], [sflag:$0x2] =	stream.indirect.gather [hbm4b:s1+s11], $0x80, s31, s11, $0xb8;
	[tilespmem:$0x1E000] =	vst v63  }
0x4fe: {  	_ =	swait.ge [sflag:s14], $0x4000  }
0x4ff: {  	[sflag:s14] =	ssyncset.done $0x0  }
0x500: {  	s5 =	simm.s32 $0x1E00;
	[sflag:s14] =	ssyncadd.s32 $0xFFFFC000  }
0x501: {  	[spmem:s3] =	stream.indirect.scatter.add.f32 [tilespmem:s12], [sflag:$0x4], $0x80, s5, s11, $0xb8;
	[tilespmem:$0x1E000] =	vst v63  }
0x502: {  	_ =	swait.ge [sflag:s6], $0x4000  }
0x503: {  	[sflag:s6] =	ssyncset.done $0x0  }
0x504: {  	s31 =	simm.s32 $0xF00;
	[sflag:s6] =	ssyncadd.s32 $0xFFFFC000  }
0x505: {  	[tilespmem:s12], [sflag:$0x1] =	stream.indirect.gather [hbm4b:s1+s11], $0x80, s31, s11, $0xb8;
	[tilespmem:$0x1E000] =	vst v63  }
0x506: {  	_ =	swait.ge [sflag:s16], $0x4000  }
0x507: {  	[sflag:s16] =	ssyncset.done $0x0  }
0x508: {  	s5 =	simm.s32 $0x1E80;
	[sflag:s16] =	ssyncadd.s32 $0xFFFFC000  }
0x509: {  	[spmem:s3] =	stream.indirect.scatter.add.f32 [tilespmem:s13], [sflag:$0x4], $0x80, s5, s11, $0xb8;
	[tilespmem:$0x1E000] =	vst v63  }
0x50a: {  	_ =	swait.ge [sflag:s6], $0x4000  }
0x50b: {  	[sflag:s6] =	ssyncset.done $0x0  }
0x50c: {  	s31 =	simm.s32 $0xF80;
	[sflag:s6] =	ssyncadd.s32 $0xFFFFC000  }
0x50d: {  	[tilespmem:s13], [sflag:$0x2] =	stream.indirect.gather [hbm4b:s1+s11], $0x80, s31, s11, $0xb8;
	[tilespmem:$0x1E000] =	vst v63  }
0x50e: {  	_ =	swait.ge [sflag:s14], $0x4000  }
0x50f: {  	[sflag:s14] =	ssyncset.done $0x0  }
0x510: {  	s5 =	simm.s32 $0x1F00;
	[sflag:s14] =	ssyncadd.s32 $0xFFFFC000  }
0x511: {  	[spmem:s3] =	stream.indirect.scatter.add.f32 [tilespmem:s12], [sflag:$0x4], $0x80, s5, s11, $0xb8;
	[tilespmem:$0x1E000] =	vst v63  }
0x512: {  	_ =	swait.ge [sflag:s6], $0x4000  }
0x513: {  	[sflag:s6] =	ssyncset.done $0x0  }
0x514: {  	[sflag:s6] =	ssyncadd.s32 $0xFFFFC000  }
0x515: {  	_ =	swait.ge [sflag:s16], $0x4000  }
0x516: {  	[sflag:s16] =	ssyncset.done $0x0  }
0x517: {  	s31 =	simm.s32 $0x1F80;
	[sflag:s16] =	ssyncadd.s32 $0xFFFFC000  }
0x518: {  	[spmem:s3] =	stream.indirect.scatter.add.f32 [tilespmem:s13], [sflag:$0x4], $0x80, s31, s11, $0xb8;
	[tilespmem:$0x1E000] =	vst v63  }
0x519: {  	_ =	swait.ge [sflag:s6], $0x4000  }
0x51a: {  	[sflag:s6] =	ssyncset.done $0x0  }
0x51b: {  	[sflag:s6] =	ssyncadd.s32 $0xFFFFC000  }
0x51c: {  	_ =	swait.ge [sflag:s29], $0x800  }
0x51d: {  	[sflag:s29] =	ssyncset.done $0x0  }
0x51e: {  	[sflag:s29] =	ssyncadd.s32 $0xFFFFF800  }
0x51f: {  	_ =	swait.ge [sflag:s29], $0x800  }
0x520: {  	[sflag:s29] =	ssyncset.done $0x0  }
0x521: {  	[sflag:s29] =	ssyncadd.s32 $0xFFFFF800  }
0x522: {  	[tilespmem:s12], [sflag:$0x1] =	stream.indirect.gather [hbm4b:s1+s11], $0x80, s4, s11, $0xb8;
	[tilespmem:$0x1E000] =	vst v63  }
0x523: {  	_ = 	snop  }
0x524: {  	[tilespmem:s13], [sflag:$0x2] =	stream.indirect.gather [hbm4b:s1+s11], $0x80, s11, s11, $0xb8;
	[tilespmem:$0x1E000] =	vst v63  }
0x525: {  	_ =	swait.ge [sflag:s14], $0x4000  }
0x526: {  	[sflag:s14] =	ssyncset.done $0x0  }
0x527: {  	[sflag:s14] =	ssyncadd.s32 $0xFFFFC000  }
0x528: {  	[spmem:s3] =	stream.indirect.scatter.add.f32 [tilespmem:s12], [sflag:$0x4], $0x80, s0, s11, $0xb8;
	[tilespmem:$0x1E000] =	vst v63  }
0x529: {  	_ =	swait.ge [sflag:s6], $0x4000  }
0x52a: {  	[sflag:s6] =	ssyncset.done $0x0  }
0x52b: {  	s5 =	simm.s32 $0x100;
	[sflag:s6] =	ssyncadd.s32 $0xFFFFC000  }
0x52c: {  	[tilespmem:s12], [sflag:$0x1] =	stream.indirect.gather [hbm4b:s1+s11], $0x80, s5, s11, $0xb8;
	[tilespmem:$0x1E000] =	vst v63  }
0x52d: {  	_ =	swait.ge [sflag:s16], $0x4000  }
0x52e: {  	[sflag:s16] =	ssyncset.done $0x0  }
0x52f: {  	s31 =	simm.s32 $0x1080;
	[sflag:s16] =	ssyncadd.s32 $0xFFFFC000  }
0x530: {  	[spmem:s3] =	stream.indirect.scatter.add.f32 [tilespmem:s13], [sflag:$0x4], $0x80, s31, s11, $0xb8;
	[tilespmem:$0x1E000] =	vst v63  }
0x531: {  	_ =	swait.ge [sflag:s6], $0x4000  }
0x532: {  	[sflag:s6] =	ssyncset.done $0x0  }
0x533: {  	s2 =	simm.s32 $0x180;
	[sflag:s6] =	ssyncadd.s32 $0xFFFFC000  }
0x534: {  	[tilespmem:s13], [sflag:$0x2] =	stream.indirect.gather [hbm4b:s1+s11], $0x80, s2, s11, $0xb8;
	[tilespmem:$0x1E000] =	vst v63  }
0x535: {  	_ =	swait.ge [sflag:s14], $0x4000  }
0x536: {  	[sflag:s14] =	ssyncset.done $0x0  }
0x537: {  	s5 =	simm.s32 $0x1100;
	[sflag:s14] =	ssyncadd.s32 $0xFFFFC000  }
0x538: {  	[spmem:s3] =	stream.indirect.scatter.add.f32 [tilespmem:s12], [sflag:$0x4], $0x80, s5, s11, $0xb8;
	[tilespmem:$0x1E000] =	vst v63  }
0x539: {  	_ =	swait.ge [sflag:s6], $0x4000  }
0x53a: {  	[sflag:s6] =	ssyncset.done $0x0  }
0x53b: {  	s31 =	simm.s32 $0x200;
	[sflag:s6] =	ssyncadd.s32 $0xFFFFC000  }
0x53c: {  	[tilespmem:s12], [sflag:$0x1] =	stream.indirect.gather [hbm4b:s1+s11], $0x80, s31, s11, $0xb8;
	[tilespmem:$0x1E000] =	vst v63  }
0x53d: {  	_ =	swait.ge [sflag:s16], $0x4000  }
0x53e: {  	[sflag:s16] =	ssyncset.done $0x0  }
0x53f: {  	s2 =	simm.s32 $0x1180;
	[sflag:s16] =	ssyncadd.s32 $0xFFFFC000  }
0x540: {  	[spmem:s3] =	stream.indirect.scatter.add.f32 [tilespmem:s13], [sflag:$0x4], $0x80, s2, s11, $0xb8;
	[tilespmem:$0x1E000] =	vst v63  }
0x541: {  	_ =	swait.ge [sflag:s6], $0x4000  }
0x542: {  	[sflag:s6] =	ssyncset.done $0x0  }
0x543: {  	s5 =	simm.s32 $0x280;
	[sflag:s6] =	ssyncadd.s32 $0xFFFFC000  }
0x544: {  	[tilespmem:s13], [sflag:$0x2] =	stream.indirect.gather [hbm4b:s1+s11], $0x80, s5, s11, $0xb8;
	[tilespmem:$0x1E000] =	vst v63  }
0x545: {  	_ =	swait.ge [sflag:s14], $0x4000  }
0x546: {  	[sflag:s14] =	ssyncset.done $0x0  }
0x547: {  	s31 =	simm.s32 $0x1200;
	[sflag:s14] =	ssyncadd.s32 $0xFFFFC000  }
0x548: {  	[spmem:s3] =	stream.indirect.scatter.add.f32 [tilespmem:s12], [sflag:$0x4], $0x80, s31, s11, $0xb8;
	[tilespmem:$0x1E000] =	vst v63  }
0x549: {  	_ =	swait.ge [sflag:s6], $0x4000  }
0x54a: {  	[sflag:s6] =	ssyncset.done $0x0  }
0x54b: {  	s2 =	simm.s32 $0x300;
	[sflag:s6] =	ssyncadd.s32 $0xFFFFC000  }
0x54c: {  	[tilespmem:s12], [sflag:$0x1] =	stream.indirect.gather [hbm4b:s1+s11], $0x80, s2, s11, $0xb8;
	[tilespmem:$0x1E000] =	vst v63  }
0x54d: {  	_ =	swait.ge [sflag:s16], $0x4000  }
0x54e: {  	[sflag:s16] =	ssyncset.done $0x0  }
0x54f: {  	s5 =	simm.s32 $0x1280;
	[sflag:s16] =	ssyncadd.s32 $0xFFFFC000  }
0x550: {  	[spmem:s3] =	stream.indirect.scatter.add.f32 [tilespmem:s13], [sflag:$0x4], $0x80, s5, s11, $0xb8;
	[tilespmem:$0x1E000] =	vst v63  }
0x551: {  	_ =	swait.ge [sflag:s6], $0x4000  }
0x552: {  	[sflag:s6] =	ssyncset.done $0x0  }
0x553: {  	s31 =	simm.s32 $0x380;
	[sflag:s6] =	ssyncadd.s32 $0xFFFFC000  }
0x554: {  	[tilespmem:s13], [sflag:$0x2] =	stream.indirect.gather [hbm4b:s1+s11], $0x80, s31, s11, $0xb8;
	[tilespmem:$0x1E000] =	vst v63  }
0x555: {  	_ =	swait.ge [sflag:s14], $0x4000  }
0x556: {  	[sflag:s14] =	ssyncset.done $0x0  }
0x557: {  	s2 =	simm.s32 $0x1300;
	[sflag:s14] =	ssyncadd.s32 $0xFFFFC000  }
0x558: {  	[spmem:s3] =	stream.indirect.scatter.add.f32 [tilespmem:s12], [sflag:$0x4], $0x80, s2, s11, $0xb8;
	[tilespmem:$0x1E000] =	vst v63  }
0x559: {  	_ =	swait.ge [sflag:s6], $0x4000  }
0x55a: {  	[sflag:s6] =	ssyncset.done $0x0  }
0x55b: {  	s5 =	simm.s32 $0x400;
	[sflag:s6] =	ssyncadd.s32 $0xFFFFC000  }
0x55c: {  	[tilespmem:s12], [sflag:$0x1] =	stream.indirect.gather [hbm4b:s1+s11], $0x80, s5, s11, $0xb8;
	[tilespmem:$0x1E000] =	vst v63  }
0x55d: {  	_ =	swait.ge [sflag:s16], $0x4000  }
0x55e: {  	[sflag:s16] =	ssyncset.done $0x0  }
0x55f: {  	s31 =	simm.s32 $0x1380;
	[sflag:s16] =	ssyncadd.s32 $0xFFFFC000  }
0x560: {  	[spmem:s3] =	stream.indirect.scatter.add.f32 [tilespmem:s13], [sflag:$0x4], $0x80, s31, s11, $0xb8;
	[tilespmem:$0x1E000] =	vst v63  }
0x561: {  	_ =	swait.ge [sflag:s6], $0x4000  }
0x562: {  	[sflag:s6] =	ssyncset.done $0x0  }
0x563: {  	s2 =	simm.s32 $0x480;
	[sflag:s6] =	ssyncadd.s32 $0xFFFFC000  }
0x564: {  	[tilespmem:s13], [sflag:$0x2] =	stream.indirect.gather [hbm4b:s1+s11], $0x80, s2, s11, $0xb8;
	[tilespmem:$0x1E000] =	vst v63  }
0x565: {  	_ =	swait.ge [sflag:s14], $0x4000  }
0x566: {  	[sflag:s14] =	ssyncset.done $0x0  }
0x567: {  	s5 =	simm.s32 $0x1400;
	[sflag:s14] =	ssyncadd.s32 $0xFFFFC000  }
0x568: {  	[spmem:s3] =	stream.indirect.scatter.add.f32 [tilespmem:s12], [sflag:$0x4], $0x80, s5, s11, $0xb8;
	[tilespmem:$0x1E000] =	vst v63  }
0x569: {  	_ =	swait.ge [sflag:s6], $0x4000  }
0x56a: {  	[sflag:s6] =	ssyncset.done $0x0  }
0x56b: {  	s31 =	simm.s32 $0x500;
	[sflag:s6] =	ssyncadd.s32 $0xFFFFC000  }
0x56c: {  	[tilespmem:s12], [sflag:$0x1] =	stream.indirect.gather [hbm4b:s1+s11], $0x80, s31, s11, $0xb8;
	[tilespmem:$0x1E000] =	vst v63  }
0x56d: {  	_ =	swait.ge [sflag:s16], $0x4000  }
0x56e: {  	[sflag:s16] =	ssyncset.done $0x0  }
0x56f: {  	s2 =	simm.s32 $0x1480;
	[sflag:s16] =	ssyncadd.s32 $0xFFFFC000  }
0x570: {  	[spmem:s3] =	stream.indirect.scatter.add.f32 [tilespmem:s13], [sflag:$0x4], $0x80, s2, s11, $0xb8;
	[tilespmem:$0x1E000] =	vst v63  }
0x571: {  	_ =	swait.ge [sflag:s6], $0x4000  }
0x572: {  	[sflag:s6] =	ssyncset.done $0x0  }
0x573: {  	s5 =	simm.s32 $0x580;
	[sflag:s6] =	ssyncadd.s32 $0xFFFFC000  }
0x574: {  	[tilespmem:s13], [sflag:$0x2] =	stream.indirect.gather [hbm4b:s1+s11], $0x80, s5, s11, $0xb8;
	[tilespmem:$0x1E000] =	vst v63  }
0x575: {  	_ =	swait.ge [sflag:s14], $0x4000  }
0x576: {  	[sflag:s14] =	ssyncset.done $0x0  }
0x577: {  	s31 =	simm.s32 $0x1500;
	[sflag:s14] =	ssyncadd.s32 $0xFFFFC000  }
0x578: {  	[spmem:s3] =	stream.indirect.scatter.add.f32 [tilespmem:s12], [sflag:$0x4], $0x80, s31, s11, $0xb8;
	[tilespmem:$0x1E000] =	vst v63  }
0x579: {  	_ =	swait.ge [sflag:s6], $0x4000  }
0x57a: {  	[sflag:s6] =	ssyncset.done $0x0  }
0x57b: {  	s2 =	simm.s32 $0x600;
	[sflag:s6] =	ssyncadd.s32 $0xFFFFC000  }
0x57c: {  	[tilespmem:s12], [sflag:$0x1] =	stream.indirect.gather [hbm4b:s1+s11], $0x80, s2, s11, $0xb8;
	[tilespmem:$0x1E000] =	vst v63  }
0x57d: {  	_ =	swait.ge [sflag:s16], $0x4000  }
0x57e: {  	[sflag:s16] =	ssyncset.done $0x0  }
0x57f: {  	s5 =	simm.s32 $0x1580;
	[sflag:s16] =	ssyncadd.s32 $0xFFFFC000  }
0x580: {  	[spmem:s3] =	stream.indirect.scatter.add.f32 [tilespmem:s13], [sflag:$0x4], $0x80, s5, s11, $0xb8;
	[tilespmem:$0x1E000] =	vst v63  }
0x581: {  	_ =	swait.ge [sflag:s6], $0x4000  }
0x582: {  	[sflag:s6] =	ssyncset.done $0x0  }
0x583: {  	s31 =	simm.s32 $0x680;
	[sflag:s6] =	ssyncadd.s32 $0xFFFFC000  }
0x584: {  	[tilespmem:s13], [sflag:$0x2] =	stream.indirect.gather [hbm4b:s1+s11], $0x80, s31, s11, $0xb8;
	[tilespmem:$0x1E000] =	vst v63  }
0x585: {  	_ =	swait.ge [sflag:s14], $0x4000  }
0x586: {  	[sflag:s14] =	ssyncset.done $0x0  }
0x587: {  	s2 =	simm.s32 $0x1600;
	[sflag:s14] =	ssyncadd.s32 $0xFFFFC000  }
0x588: {  	[spmem:s3] =	stream.indirect.scatter.add.f32 [tilespmem:s12], [sflag:$0x4], $0x80, s2, s11, $0xb8;
	[tilespmem:$0x1E000] =	vst v63  }
0x589: {  	_ =	swait.ge [sflag:s6], $0x4000  }
0x58a: {  	[sflag:s6] =	ssyncset.done $0x0  }
0x58b: {  	s5 =	simm.s32 $0x700;
	[sflag:s6] =	ssyncadd.s32 $0xFFFFC000  }
0x58c: {  	[tilespmem:s12], [sflag:$0x1] =	stream.indirect.gather [hbm4b:s1+s11], $0x80, s5, s11, $0xb8;
	[tilespmem:$0x1E000] =	vst v63  }
0x58d: {  	_ =	swait.ge [sflag:s16], $0x4000  }
0x58e: {  	[sflag:s16] =	ssyncset.done $0x0  }
0x58f: {  	s31 =	simm.s32 $0x1680;
	[sflag:s16] =	ssyncadd.s32 $0xFFFFC000  }
0x590: {  	[spmem:s3] =	stream.indirect.scatter.add.f32 [tilespmem:s13], [sflag:$0x4], $0x80, s31, s11, $0xb8;
	[tilespmem:$0x1E000] =	vst v63  }
0x591: {  	_ =	swait.ge [sflag:s6], $0x4000  }
0x592: {  	[sflag:s6] =	ssyncset.done $0x0  }
0x593: {  	s2 =	simm.s32 $0x780;
	[sflag:s6] =	ssyncadd.s32 $0xFFFFC000  }
0x594: {  	[tilespmem:s13], [sflag:$0x2] =	stream.indirect.gather [hbm4b:s1+s11], $0x80, s2, s11, $0xb8;
	[tilespmem:$0x1E000] =	vst v63  }
0x595: {  	_ =	swait.ge [sflag:s14], $0x4000  }
0x596: {  	[sflag:s14] =	ssyncset.done $0x0  }
0x597: {  	s5 =	simm.s32 $0x1700;
	[sflag:s14] =	ssyncadd.s32 $0xFFFFC000  }
0x598: {  	[spmem:s3] =	stream.indirect.scatter.add.f32 [tilespmem:s12], [sflag:$0x4], $0x80, s5, s11, $0xb8;
	[tilespmem:$0x1E000] =	vst v63  }
0x599: {  	_ =	swait.ge [sflag:s6], $0x4000  }
0x59a: {  	[sflag:s6] =	ssyncset.done $0x0  }
0x59b: {  	[sflag:s6] =	ssyncadd.s32 $0xFFFFC000  }
0x59c: {  	_ =	swait.ge [sflag:s16], $0x4000  }
0x59d: {  	[sflag:s16] =	ssyncset.done $0x0  }
0x59e: {  	s31 =	simm.s32 $0x1780;
	[sflag:s16] =	ssyncadd.s32 $0xFFFFC000  }
0x59f: {  	[spmem:s3] =	stream.indirect.scatter.add.f32 [tilespmem:s13], [sflag:$0x4], $0x80, s31, s11, $0xb8;
	[tilespmem:$0x1E000] =	vst v63  }
0x5a0: {  	_ =	swait.ge [sflag:s6], $0x4000  }
0x5a1: {  	[sflag:s6] =	ssyncset.done $0x0  }
0x5a2: {  	[sflag:s6] =	ssyncadd.s32 $0xFFFFC000  }
0x5a3: {  	p0 =	sne.s32 s30, $0x1;
	[bflag:$0x0] =	sbarrier.arrive $0xFFFF  }
.Ltmp1:
0x5a4: {  	s0 =	rddreg [dreg:$0x11];
	(pc) =	sbr.rel @p0 .LBB2_2-.Ltmp1, $4  }
0x5a5: {  	s5 =	rddreg [dreg:$0x13]  }
0x5a6: {  	s31 =	rddreg [dreg:$0x12]  }
0x5a7: {  	[hbm:s0], [sflag:s31] =	dma.local [spmem:s5], $0x2800  }
0x5a8: {  	s30 =	sadd.s32 $0xFFFFFFFF, s30;
	_ =	swait.ge [sflag:s6], $0x2800  }
.LBB2_3:
0x5a9: {  	[sflag:s6] =	ssyncset.done $0x0  }
0x5aa: {  	[sflag:s6] =	ssyncadd.s32 $0xFFFFD800  }
0x5ab: {  	_ =	sfence.sel $0x180000  }
0x5ac: {  	[bflag:$0x0] =	sbarrier.arrive $0xFFFF  }
0x5ad: {  	_ =	strace $0x90000047  }
0x5ae: {  	s0 =	stileid.u32;
	[bflag:$0x2] =	sbarrier.arrive $0xFFFF  }
0x5af: {  	p0 =	sne.s32 s0, $0x0;
	s0 =	rddreg [dreg:$0x5]  }
0x5b0: {  	s0 =	sadd.s32 @!p0 $0x100000, s0  }
0x5b1: {  	[sflag:s0] =	ssyncadd.tile.s32 @!p0 $0x1;
	_ =	shalt  }
.Lfunc_end2:
_tile_overlayer_lowered:
.L_overlay_start_2:
0x5b2: {  	(tag) =	ssettag $0x2  }
0x5b3: {  	s0 =	rddreg [dreg:$0x0];
	s2 =	stileid.u32  }
0x5b4: {  	s1 =	rddreg [dreg:$0x1];
	p0 =	sne.s32 s2, $0x0  }
0x5b5: {  	s3 =	rddreg [dreg:$0x2];
	[bflag:$0x3] =	sbarrier.arrive $0xFFFF;
	s2 =	simm.s32 @!p0 $0x1C04  }
0x5b6: {  	[timem:s3], [sflag:s2] =	dma.local @!p0 [hbm:s0], s1  }
0x5b7: {  	s0 =	simm.s32 @!p0 $0x4  }
0x5b8: {  	_ =	swait.ge @!p0 [sflag:s0], s1  }
0x5b9: {  	s1 =	ssub.s32 @!p0 $0x0, s1;
	[sflag:s0] =	ssyncset.done @!p0 $0x0  }
0x5ba: {  	[sflag:s0] =	ssyncadd.s32 @!p0 s1  }
0x5bb: {  	[bflag:$0x3] =	sbarrier.arrive $0xFFFF  }
0x5bc: {  	_ =	shalt  }

</sc_bundles>
